<compile_context>
chip_gen: v7x
topology: tpu7x:2x2x1
jax: 0.10.2.dev20260603
libtpu: 0.0.44.dev20260713+nightly
codegen_flags: <defaults>
</compile_context>

<pallas_src>
import functools

import jax
import jax.numpy as jnp
from jax import lax
from jax.experimental import pallas as pl
from jax.experimental.pallas import tpu as pltpu
from jax.experimental.pallas import tpu_sc as plsc

B, H, W = 8, 512, 512
GH, GW, GD = 16, 16, 8
NC = 12
ZC = GD * NC
N_OUT = 3

ROWS_PW = (B * H) // 32
RH = 16
CW = 256
NG = CW // 16
XHALF = CW * ZC
GROW = GW * ZC


def _fsplat(x):
    return jnp.full((16,), x, dtype=jnp.float32)


def _isplat(x):
    return jnp.full((16,), x, dtype=jnp.int32)


def _body(grid_hbm, guide_hbm, inp_hbm, out_hbm,
          grows_v, x_v, guide_v, inp_v, out_v, sem):
    wid = lax.axis_index("s") * 2 + lax.axis_index("c")
    b = wid // 4
    row_base = (wid % 4) * ROWS_PW

    lane = lax.iota(jnp.int32, 16)
    lane3 = lane * 3
    laneZC = lane * ZC

    def chunk(hb, _):
        r0 = row_base + hb * RH
        m = r0 // RH
        jy0 = jnp.clip((m + 1) // 2 - 1, 0, GH - 1)
        jy1 = jnp.clip((m + 1) // 2, 0, GH - 1)

        cg0 = pltpu.async_copy(grid_hbm.at[b, jy0],
                               grows_v.at[pl.ds(0, GROW)], sem)
        cg1 = pltpu.async_copy(grid_hbm.at[b, jy1],
                               grows_v.at[pl.ds(GROW, GROW)], sem)
        cgu = pltpu.async_copy(guide_hbm.at[b, pl.ds(r0, RH)],
                               guide_v, sem)
        cin = pltpu.async_copy(inp_hbm.at[b, pl.ds(r0, RH)],
                               inp_v, sem)
        cg0.wait()
        cg1.wait()

        def do_half(ch, _):
            c0 = ch * CW

            def stage_w(w, _):
                wg = c0 + w
                x0 = (wg + 16) // 32 - 1
                x0c = jnp.clip(x0, 0, GW - 1)
                x1c = jnp.clip(x0 + 1, 0, GW - 1)
                wx = (_fsplat(wg.astype(jnp.float32)) + 0.5) * (1.0 / 32.0) \
                    - 0.5 - _fsplat(x0.astype(jnp.float32))
                for y01 in range(2):
                    gb = y01 * GROW
                    for k in range(ZC // 16):
                        g0 = grows_v[pl.ds(gb + x0c * ZC + k * 16, 16)]
                        g1 = grows_v[pl.ds(gb + x1c * ZC + k * 16, 16)]
                        x_v[pl.ds(y01 * XHALF + w * ZC + k * 16, 16)] = \
                            g0 + wx * (g1 - g0)
                return 0

            lax.fori_loop(0, CW, stage_w, 0)

            def row_body(r, _):
                hrow = r0 + r
                gy = (_fsplat(hrow.astype(jnp.float32)) + 0.5) \
                    * (1.0 / 32.0) - 0.5
                a1 = gy - ((gy + 1.0).astype(jnp.int32)
                           .astype(jnp.float32) - 1.0)
                a0 = 1.0 - a1
                gbase = c0
                ibase = c0 * 3
                rsp = _isplat(r)

                @plsc.parallel_loop(0, NG, unroll=2)
                def grp_body(g):
                    gv = guide_v[r, pl.ds(gbase + g * 16, 16)]
                    gz = jnp.clip(gv * GD - 0.5, 0.0, GD - 1.0)
                    z0 = gz.astype(jnp.int32)
                    f = gz - z0.astype(jnp.float32)
                    z1 = jnp.minimum(z0 + 1, GD - 1)
                    base = (g * (16 * ZC)) + laneZC
                    i0 = base + z0 * NC
                    i1 = base + z1 * NC
                    i0p = i0 + XHALF
                    i1p = i1 + XHALF

                    ib = (ibase + g * 48) + lane3
                    aug = [plsc.load_gather(inp_v, [rsp, ib + i])
                           for i in range(3)]

                    for o in range(N_OUT):
                        cb = 4 * o
                        acc = None
                        for i in range(4):
                            v00 = plsc.load_gather(x_v, [i0 + (cb + i)])
                            v01 = plsc.load_gather(x_v, [i1 + (cb + i)])
                            v10 = plsc.load_gather(x_v, [i0p + (cb + i)])
                            v11 = plsc.load_gather(x_v, [i1p + (cb + i)])
                            cz = a0 * (v00 + f * (v01 - v00)) \
                                + a1 * (v10 + f * (v11 - v10))
                            if i == 3:
                                acc = acc + cz
                            else:
                                t2 = cz * aug[i]
                                acc = t2 if acc is None else acc + t2
                        plsc.store_scatter(out_v, [rsp, ib + o], acc)

                return 0

            lax.fori_loop(0, RH, row_body, 0)
            return 0

        cgu.wait()
        cin.wait()
        lax.fori_loop(0, 2, do_half, 0)
        pltpu.sync_copy(out_v, out_hbm.at[b, pl.ds(r0, RH)])
        return 0

    lax.fori_loop(0, ROWS_PW // RH, chunk, 0)


@jax.jit
def _run(grid, guide, inp):
    grid_r = grid.reshape(B, GH, GW * ZC)
    inp_f = inp.reshape(B, H, W * 3)
    mesh = plsc.VectorSubcoreMesh(core_axis_name="c", subcore_axis_name="s")
    kfn = functools.partial(
        pl.kernel,
        out_type=jax.ShapeDtypeStruct((B, H, W * 3), jnp.float32),
        mesh=mesh,
        compiler_params=pltpu.CompilerParams(
            needs_layout_passes=False, use_tc_tiling_on_sc=False),
        scratch_types=[
            pltpu.VMEM((2 * GROW,), jnp.float32),
            pltpu.VMEM((2 * XHALF,), jnp.float32),
            pltpu.VMEM((RH, W), jnp.float32),
            pltpu.VMEM((RH, W * 3), jnp.float32),
            pltpu.VMEM((RH, W * 3), jnp.float32),
            pltpu.SemaphoreType.DMA,
        ],
    )(_body)
    return kfn(grid_r, guide, inp_f).reshape(B, H, W, N_OUT)


def kernel(bilateral_grid, guide, input):
    return _run(bilateral_grid, guide, input)

# --- scband reference (transcript-rebuilt; emitter-appended) ---
"""Pipeline reference for scband-bilateral-slice-17686675325316 (READ-ONLY COPY).

The authoritative reference and input builder live on the scoring server;
editing this copy changes nothing except your own understanding.
"""

import jax, jax.numpy as jnp
import numpy as np

B, H, W = 8, 512, 512
GH, GW, GD = 16, 16, 8
N_IN = 3
N_COEF = 12
HAS_OFFSET = True


def setup_inputs(seed: int = 0) -> dict:
    key = jax.random.key(seed)
    k1, k2, k3 = jax.random.split(key, 3)
    return {
        "bilateral_grid": jax.random.normal(k1, (B, GH, GW, GD, N_COEF), dtype=jnp.float32),
        "guide": jax.random.uniform(k2, (B, H, W), dtype=jnp.float32),
        "input": jax.random.normal(k3, (B, H, W, N_IN), dtype=jnp.float32),
    }


def _bilateral_slice_apply(grid, guide, inp, has_offset=True):
    Bb, gh, gw, gd, nc = grid.shape
    _, h, w, n_in = inp.shape
    # continuous grid coordinates (HDRNet convention, pixel centers)
    gx = (jnp.arange(w, dtype=jnp.float32) + 0.5) * gw / w - 0.5
    gy = (jnp.arange(h, dtype=jnp.float32) + 0.5) * gh / h - 0.5
    gz = guide * gd - 0.5  # [B, H, W]
    x0 = jnp.floor(gx)
    y0 = jnp.floor(gy)
    z0 = jnp.floor(gz)
    wx = gx - x0  # [W]
    wy = gy - y0  # [H]
    wz = gz - z0  # [B, H, W]
    x0i = x0.astype(jnp.int32)
    y0i = y0.astype(jnp.int32)
    z0i = z0.astype(jnp.int32)
    bidx = jnp.arange(Bb)[:, None, None]
    coeff = jnp.zeros((Bb, h, w, nc), dtype=grid.dtype)
    # trilinear interpolation over the 8 surrounding grid cells
    for dy in (0, 1):
        yi = jnp.clip(y0i + dy, 0, gh - 1)
        wy_ = wy if dy == 1 else 1.0 - wy
        for dx in (0, 1):
            xi = jnp.clip(x0i + dx, 0, gw - 1)
            wx_ = wx if dx == 1 else 1.0 - wx
            for dz in (0, 1):
                zi = jnp.clip(z0i + dz, 0, gd - 1)  # [B, H, W]
                wz_ = wz if dz == 1 else 1.0 - wz  # [B, H, W]
                c = grid[bidx, yi[None, :, None], xi[None, None, :], zi]  # [B,H,W,nc]
                wgt = wy_[None, :, None] * wx_[None, None, :] * wz_  # [B,H,W]
                coeff = coeff + wgt[..., None] * c
    if has_offset:
        n_out = nc // (n_in + 1)
        C = coeff.reshape(Bb, h, w, n_out, n_in + 1)
        out = jnp.einsum('bhwoi,bhwi->bhwo', C[..., :n_in], inp) + C[..., n_in]
    else:
        n_out = nc // n_in
        C = coeff.reshape(Bb, h, w, n_out, n_in)
        out = jnp.einsum('bhwoi,bhwi->bhwo', C, inp)
    return out


def reference(bilateral_grid, guide, input):
    return _bilateral_slice_apply(bilateral_grid, guide, input, HAS_OFFSET)

if __name__ == "__main__":
    import jax
    _d = setup_inputs()
    print(jax.jit(kernel)(*tuple(_d.values())))

</pallas_src>

<mosaic_0001>
#map = affine_map<(d0, d1) -> (0, 0, 0)>
module attributes {stable_mosaic.version = 14 : i64} {
  func.func @_body(%arg0: i32, %arg1: i32, %arg2: memref<8x16x1536xf32, #tpu.memory_space<hbm>>, %arg3: memref<8x512x512xf32, #tpu.memory_space<hbm>>, %arg4: memref<8x512x1536xf32, #tpu.memory_space<hbm>>, %arg5: memref<8x512x1536xf32, #tpu.memory_space<hbm>>, %arg6: memref<3072xf32, #tpu.memory_space<vmem>>, %arg7: memref<49152xf32, #tpu.memory_space<vmem>>, %arg8: memref<16x512xf32, #tpu.memory_space<vmem>>, %arg9: memref<16x1536xf32, #tpu.memory_space<vmem>>, %arg10: memref<16x1536xf32, #tpu.memory_space<vmem>>, %arg11: memref<!tpu.dma_semaphore, #tpu.memory_space<semaphore_mem>>) attributes {dimension_semantics = [#tpu.dimension_semantics<core_parallel>, #tpu.dimension_semantics<subcore_parallel>], iteration_bounds = array<i64: 2, 16>, scalar_prefetch = 0 : i64, scratch_operands = 6 : i64, tpu.core_type = #tpu.core_type<sc_vector_subcore>, window_params = [{transform_indices = #map}, {transform_indices = #map}, {transform_indices = #map}, {transform_indices = #map}]} {
    %mul3A = arith.constant 2 : i32
    %mul3A_0 = arith.muli %arg1, %mul3A : i32
    %add3A = arith.addi %mul3A_0, %arg0 : i32
    %jit3A = arith.constant 4 : i32
    %div3A = arith.divsi %add3A, %jit3A : i32
    %sign3A = arith.constant 0 : i32
    %sign3A_1 = arith.cmpi sgt, %add3A, %sign3A : i32
    %sign3A_2 = arith.extui %sign3A_1 : i1 to i32
    %sign3A_3 = arith.constant 0 : i32
    %sign3A_4 = arith.cmpi slt, %add3A, %sign3A_3 : i32
    %sign3A_5 = arith.extui %sign3A_4 : i1 to i32
    %sign3A_6 = arith.subi %sign3A_2, %sign3A_5 : i32
    %sign3A_7 = arith.constant 0 : i32
    %sign3A_8 = arith.cmpi sgt, %jit3A, %sign3A_7 : i32
    %sign3A_9 = arith.extui %sign3A_8 : i1 to i32
    %sign3A_10 = arith.constant 0 : i32
    %sign3A_11 = arith.cmpi slt, %jit3A, %sign3A_10 : i32
    %sign3A_12 = arith.extui %sign3A_11 : i1 to i32
    %sign3A_13 = arith.subi %sign3A_9, %sign3A_12 : i32
    %ne3A = arith.cmpi ne, %sign3A_6, %sign3A_13 : i32
    %rem3A = arith.remsi %add3A, %jit3A : i32
    %ne3A_14 = arith.constant 0 : i32
    %ne3A_15 = arith.cmpi ne, %rem3A, %ne3A_14 : i32
    %and3A = arith.andi %ne3A, %ne3A_15 : i1
    %sub3A = arith.constant 1 : i32
    %sub3A_16 = arith.subi %div3A, %sub3A : i32
    %select_n3A = arith.select %and3A, %sub3A_16, %div3A : i32
    %jit3A_17 = arith.constant 4 : i32
    %eq3A = arith.constant 0 : i32
    %eq3A_18 = arith.cmpi eq, %jit3A_17, %eq3A : i32
    %jit3A_19 = arith.constant 1 : i32
    %select_n3A_20 = arith.select %eq3A_18, %jit3A_19, %jit3A_17 : i32
    %rem3A_21 = arith.remsi %add3A, %select_n3A_20 : i32
    %ne3A_22 = arith.constant 0 : i32
    %ne3A_23 = arith.cmpi ne, %rem3A_21, %ne3A_22 : i32
    %lt3A = arith.constant 0 : i32
    %lt3A_24 = arith.cmpi slt, %rem3A_21, %lt3A : i32
    %lt3A_25 = arith.constant 0 : i32
    %lt3A_26 = arith.cmpi slt, %select_n3A_20, %lt3A_25 : i32
    %ne3A_27 = arith.xori %lt3A_24, %lt3A_26 : i1
    %and3A_28 = arith.andi %ne3A_27, %ne3A_23 : i1
    %add3A_29 = arith.addi %rem3A_21, %select_n3A_20 : i32
    %select_n3A_30 = arith.select %and3A_28, %add3A_29, %rem3A_21 : i32
    %mul3A_31 = arith.constant 128 : i32
    %mul3A_32 = arith.muli %select_n3A_30, %mul3A_31 : i32
    %iota3A = tpu.iota {dimensions = array<i32: 0>} : vector<16xi32>
    %mul3A_33 = arith.constant 3 : i32
    %mul3A_34 = vector.broadcast %mul3A_33 : i32 to vector<16xi32>
    %mul3A_35 = arith.muli %iota3A, %mul3A_34 : vector<16xi32>
    %mul3A_36 = arith.constant 96 : i32
    %mul3A_37 = vector.broadcast %mul3A_36 : i32 to vector<16xi32>
    %mul3A_38 = arith.muli %iota3A, %mul3A_37 : vector<16xi32>
    %scan3A = arith.constant 0 : i32
    %scan3A_39 = arith.constant 0 : i32
    %scan3A_40 = arith.constant 8 : i32
    %scan3A_41 = arith.addi %scan3A_39, %scan3A_40 : i32
    %scan3A_42 = arith.constant 1 : i32
    %scan3A_43 = scf.for %scan3A_45 = %scan3A_39 to %scan3A_41 step %scan3A_42 iter_args(%scan3A_46 = %scan3A) -> (i32)  : i32 {
      %mul3A_47 = arith.constant 16 : i32
      %mul3A_48 = arith.muli %scan3A_45, %mul3A_47 : i32
      %add3A_49 = arith.addi %mul3A_32, %mul3A_48 : i32
      %jit3A_50 = arith.constant 16 : i32
      %div3A_51 = arith.divsi %add3A_49, %jit3A_50 : i32
      %sign3A_52 = arith.constant 0 : i32
      %sign3A_53 = arith.cmpi sgt, %add3A_49, %sign3A_52 : i32
      %sign3A_54 = arith.extui %sign3A_53 : i1 to i32
      %sign3A_55 = arith.constant 0 : i32
      %sign3A_56 = arith.cmpi slt, %add3A_49, %sign3A_55 : i32
      %sign3A_57 = arith.extui %sign3A_56 : i1 to i32
      %sign3A_58 = arith.subi %sign3A_54, %sign3A_57 : i32
      %sign3A_59 = arith.constant 0 : i32
      %sign3A_60 = arith.cmpi sgt, %jit3A_50, %sign3A_59 : i32
      %sign3A_61 = arith.extui %sign3A_60 : i1 to i32
      %sign3A_62 = arith.constant 0 : i32
      %sign3A_63 = arith.cmpi slt, %jit3A_50, %sign3A_62 : i32
      %sign3A_64 = arith.extui %sign3A_63 : i1 to i32
      %sign3A_65 = arith.subi %sign3A_61, %sign3A_64 : i32
      %ne3A_66 = arith.cmpi ne, %sign3A_58, %sign3A_65 : i32
      %rem3A_67 = arith.remsi %add3A_49, %jit3A_50 : i32
      %ne3A_68 = arith.constant 0 : i32
      %ne3A_69 = arith.cmpi ne, %rem3A_67, %ne3A_68 : i32
      %and3A_70 = arith.andi %ne3A_66, %ne3A_69 : i1
      %sub3A_71 = arith.constant 1 : i32
      %sub3A_72 = arith.subi %div3A_51, %sub3A_71 : i32
      %select_n3A_73 = arith.select %and3A_70, %sub3A_72, %div3A_51 : i32
      %add3A_74 = arith.constant 1 : i32
      %add3A_75 = arith.addi %select_n3A_73, %add3A_74 : i32
      %jit3A_76 = arith.constant 2 : i32
      %div3A_77 = arith.divsi %add3A_75, %jit3A_76 : i32
      %sign3A_78 = arith.constant 0 : i32
      %sign3A_79 = arith.cmpi sgt, %add3A_75, %sign3A_78 : i32
      %sign3A_80 = arith.extui %sign3A_79 : i1 to i32
      %sign3A_81 = arith.constant 0 : i32
      %sign3A_82 = arith.cmpi slt, %add3A_75, %sign3A_81 : i32
      %sign3A_83 = arith.extui %sign3A_82 : i1 to i32
      %sign3A_84 = arith.subi %sign3A_80, %sign3A_83 : i32
      %sign3A_85 = arith.constant 0 : i32
      %sign3A_86 = arith.cmpi sgt, %jit3A_76, %sign3A_85 : i32
      %sign3A_87 = arith.extui %sign3A_86 : i1 to i32
      %sign3A_88 = arith.constant 0 : i32
      %sign3A_89 = arith.cmpi slt, %jit3A_76, %sign3A_88 : i32
      %sign3A_90 = arith.extui %sign3A_89 : i1 to i32
      %sign3A_91 = arith.subi %sign3A_87, %sign3A_90 : i32
      %ne3A_92 = arith.cmpi ne, %sign3A_84, %sign3A_91 : i32
      %rem3A_93 = arith.remsi %add3A_75, %jit3A_76 : i32
      %ne3A_94 = arith.constant 0 : i32
      %ne3A_95 = arith.cmpi ne, %rem3A_93, %ne3A_94 : i32
      %and3A_96 = arith.andi %ne3A_92, %ne3A_95 : i1
      %sub3A_97 = arith.constant 1 : i32
      %sub3A_98 = arith.subi %div3A_77, %sub3A_97 : i32
      %select_n3A_99 = arith.select %and3A_96, %sub3A_98, %div3A_77 : i32
      %sub3A_100 = arith.constant 1 : i32
      %sub3A_101 = arith.subi %select_n3A_99, %sub3A_100 : i32
      %jit3A_102 = arith.constant 0 : i32
      %jit3A_103 = arith.constant 15 : i32
      %max3A = arith.maxsi %jit3A_102, %sub3A_101 : i32
      %min3A = arith.minsi %jit3A_103, %max3A : i32
      %add3A_104 = arith.constant 1 : i32
      %add3A_105 = arith.addi %select_n3A_73, %add3A_104 : i32
      %jit3A_106 = arith.constant 2 : i32
      %div3A_107 = arith.divsi %add3A_105, %jit3A_106 : i32
      %sign3A_108 = arith.constant 0 : i32
      %sign3A_109 = arith.cmpi sgt, %add3A_105, %sign3A_108 : i32
      %sign3A_110 = arith.extui %sign3A_109 : i1 to i32
      %sign3A_111 = arith.constant 0 : i32
      %sign3A_112 = arith.cmpi slt, %add3A_105, %sign3A_111 : i32
      %sign3A_113 = arith.extui %sign3A_112 : i1 to i32
      %sign3A_114 = arith.subi %sign3A_110, %sign3A_113 : i32
      %sign3A_115 = arith.constant 0 : i32
      %sign3A_116 = arith.cmpi sgt, %jit3A_106, %sign3A_115 : i32
      %sign3A_117 = arith.extui %sign3A_116 : i1 to i32
      %sign3A_118 = arith.constant 0 : i32
      %sign3A_119 = arith.cmpi slt, %jit3A_106, %sign3A_118 : i32
      %sign3A_120 = arith.extui %sign3A_119 : i1 to i32
      %sign3A_121 = arith.subi %sign3A_117, %sign3A_120 : i32
      %ne3A_122 = arith.cmpi ne, %sign3A_114, %sign3A_121 : i32
      %rem3A_123 = arith.remsi %add3A_105, %jit3A_106 : i32
      %ne3A_124 = arith.constant 0 : i32
      %ne3A_125 = arith.cmpi ne, %rem3A_123, %ne3A_124 : i32
      %and3A_126 = arith.andi %ne3A_122, %ne3A_125 : i1
      %sub3A_127 = arith.constant 1 : i32
      %sub3A_128 = arith.subi %div3A_107, %sub3A_127 : i32
      %select_n3A_129 = arith.select %and3A_126, %sub3A_128, %div3A_107 : i32
      %jit3A_130 = arith.constant 0 : i32
      %jit3A_131 = arith.constant 15 : i32
      %max3A_132 = arith.maxsi %jit3A_130, %select_n3A_129 : i32
      %min3A_133 = arith.minsi %jit3A_131, %max3A_132 : i32
      %dma_start3A = arith.constant 0 : i32
      %dma_start3A_134 = tpu.memref_slice %arg6[%dma_start3A] : memref<3072xf32, #tpu.memory_space<vmem>> -> memref<1536xf32, #tpu.memory_space<vmem>>
      %dma_start3A_135 = arith.constant 0 : i32
      %dma_start3A_136 = tpu.memref_slice %arg2[%select_n3A, %min3A, %dma_start3A_135] : memref<8x16x1536xf32, #tpu.memory_space<hbm>> -> memref<1x1x1536xf32, #tpu.memory_space<hbm>>
      %dma_start3A_137 = tpu.memref_squeeze %dma_start3A_136 : memref<1x1x1536xf32, #tpu.memory_space<hbm>> -> memref<1536xf32, #tpu.memory_space<hbm>>
      %dma_start3A_138 = arith.constant 0 : i32
      %dma_start3A_139 = tpu.memref_slice %arg6[%dma_start3A_138] : memref<3072xf32, #tpu.memory_space<vmem>> -> memref<1536xf32, #tpu.memory_space<vmem>>
      %dma_start3A_140 = arith.constant 0 : i32
      %dma_start3A_141 = tpu.memref_slice %arg2[%select_n3A, %min3A, %dma_start3A_140] : memref<8x16x1536xf32, #tpu.memory_space<hbm>> -> memref<1x1x1536xf32, #tpu.memory_space<hbm>>
      %dma_start3A_142 = tpu.memref_squeeze %dma_start3A_141 : memref<1x1x1536xf32, #tpu.memory_space<hbm>> -> memref<1536xf32, #tpu.memory_space<hbm>>
      tpu.enqueue_dma source(%dma_start3A_142 : memref<1536xf32, #tpu.memory_space<hbm>>) target(%dma_start3A_139 : memref<1536xf32, #tpu.memory_space<vmem>>) target_semaphore(%arg11 : memref<!tpu.dma_semaphore, #tpu.memory_space<semaphore_mem>>)
      %dma_start3A_143 = arith.constant 1536 : i32
      %dma_start3A_144 = tpu.memref_slice %arg6[%dma_start3A_143] : memref<3072xf32, #tpu.memory_space<vmem>> -> memref<1536xf32, #tpu.memory_space<vmem>>
      %dma_start3A_145 = arith.constant 0 : i32
      %dma_start3A_146 = tpu.memref_slice %arg2[%select_n3A, %min3A_133, %dma_start3A_145] : memref<8x16x1536xf32, #tpu.memory_space<hbm>> -> memref<1x1x1536xf32, #tpu.memory_space<hbm>>
      %dma_start3A_147 = tpu.memref_squeeze %dma_start3A_146 : memref<1x1x1536xf32, #tpu.memory_space<hbm>> -> memref<1536xf32, #tpu.memory_space<hbm>>
      %dma_start3A_148 = arith.constant 1536 : i32
      %dma_start3A_149 = tpu.memref_slice %arg6[%dma_start3A_148] : memref<3072xf32, #tpu.memory_space<vmem>> -> memref<1536xf32, #tpu.memory_space<vmem>>
      %dma_start3A_150 = arith.constant 0 : i32
      %dma_start3A_151 = tpu.memref_slice %arg2[%select_n3A, %min3A_133, %dma_start3A_150] : memref<8x16x1536xf32, #tpu.memory_space<hbm>> -> memref<1x1x1536xf32, #tpu.memory_space<hbm>>
      %dma_start3A_152 = tpu.memref_squeeze %dma_start3A_151 : memref<1x1x1536xf32, #tpu.memory_space<hbm>> -> memref<1536xf32, #tpu.memory_space<hbm>>
      tpu.enqueue_dma source(%dma_start3A_152 : memref<1536xf32, #tpu.memory_space<hbm>>) target(%dma_start3A_149 : memref<1536xf32, #tpu.memory_space<vmem>>) target_semaphore(%arg11 : memref<!tpu.dma_semaphore, #tpu.memory_space<semaphore_mem>>)
      %dma_start3A_153 = arith.constant 0 : i32
      %dma_start3A_154 = tpu.memref_slice %arg3[%select_n3A, %add3A_49, %dma_start3A_153] : memref<8x512x512xf32, #tpu.memory_space<hbm>> -> memref<1x16x512xf32, #tpu.memory_space<hbm>>
      %dma_start3A_155 = tpu.memref_squeeze %dma_start3A_154 : memref<1x16x512xf32, #tpu.memory_space<hbm>> -> memref<16x512xf32, #tpu.memory_space<hbm>>
      %dma_start3A_156 = arith.constant 0 : i32
      %dma_start3A_157 = tpu.memref_slice %arg3[%select_n3A, %add3A_49, %dma_start3A_156] : memref<8x512x512xf32, #tpu.memory_space<hbm>> -> memref<1x16x512xf32, #tpu.memory_space<hbm>>
      %dma_start3A_158 = tpu.memref_squeeze %dma_start3A_157 : memref<1x16x512xf32, #tpu.memory_space<hbm>> -> memref<16x512xf32, #tpu.memory_space<hbm>>
      tpu.enqueue_dma source(%dma_start3A_158 : memref<16x512xf32, #tpu.memory_space<hbm>>) target(%arg8 : memref<16x512xf32, #tpu.memory_space<vmem>>) target_semaphore(%arg11 : memref<!tpu.dma_semaphore, #tpu.memory_space<semaphore_mem>>)
      %dma_start3A_159 = arith.constant 0 : i32
      %dma_start3A_160 = tpu.memref_slice %arg4[%select_n3A, %add3A_49, %dma_start3A_159] : memref<8x512x1536xf32, #tpu.memory_space<hbm>> -> memref<1x16x1536xf32, #tpu.memory_space<hbm>>
      %dma_start3A_161 = tpu.memref_squeeze %dma_start3A_160 : memref<1x16x1536xf32, #tpu.memory_space<hbm>> -> memref<16x1536xf32, #tpu.memory_space<hbm>>
      %dma_start3A_162 = arith.constant 0 : i32
      %dma_start3A_163 = tpu.memref_slice %arg4[%select_n3A, %add3A_49, %dma_start3A_162] : memref<8x512x1536xf32, #tpu.memory_space<hbm>> -> memref<1x16x1536xf32, #tpu.memory_space<hbm>>
      %dma_start3A_164 = tpu.memref_squeeze %dma_start3A_163 : memref<1x16x1536xf32, #tpu.memory_space<hbm>> -> memref<16x1536xf32, #tpu.memory_space<hbm>>
      tpu.enqueue_dma source(%dma_start3A_164 : memref<16x1536xf32, #tpu.memory_space<hbm>>) target(%arg9 : memref<16x1536xf32, #tpu.memory_space<vmem>>) target_semaphore(%arg11 : memref<!tpu.dma_semaphore, #tpu.memory_space<semaphore_mem>>)
      %dma_wait3A = arith.constant 0 : i32
      %dma_wait3A_165 = tpu.memref_slice %arg6[%dma_wait3A] : memref<3072xf32, #tpu.memory_space<vmem>> -> memref<1536xf32, #tpu.memory_space<vmem>>
      %dma_wait3A_166 = arith.constant 0 : i32
      %dma_wait3A_167 = tpu.memref_slice %arg2[%select_n3A, %min3A, %dma_wait3A_166] : memref<8x16x1536xf32, #tpu.memory_space<hbm>> -> memref<1x1x1536xf32, #tpu.memory_space<hbm>>
      %dma_wait3A_168 = tpu.memref_squeeze %dma_wait3A_167 : memref<1x1x1536xf32, #tpu.memory_space<hbm>> -> memref<1536xf32, #tpu.memory_space<hbm>>
      %dma_wait3A_169 = arith.constant 0 : i32
      %dma_wait3A_170 = tpu.memref_slice %arg6[%dma_wait3A_169] : memref<3072xf32, #tpu.memory_space<vmem>> -> memref<1536xf32, #tpu.memory_space<vmem>>
      %dma_wait3A_171 = arith.constant 0 : i32
      %dma_wait3A_172 = tpu.memref_slice %arg2[%select_n3A, %min3A, %dma_wait3A_171] : memref<8x16x1536xf32, #tpu.memory_space<hbm>> -> memref<1x1x1536xf32, #tpu.memory_space<hbm>>
      %dma_wait3A_173 = tpu.memref_squeeze %dma_wait3A_172 : memref<1x1x1536xf32, #tpu.memory_space<hbm>> -> memref<1536xf32, #tpu.memory_space<hbm>>
      tpu.wait_dma2 semaphore(%arg11 : memref<!tpu.dma_semaphore, #tpu.memory_space<semaphore_mem>>) src(%dma_wait3A_173 : memref<1536xf32, #tpu.memory_space<hbm>>) dst(%dma_wait3A_170 : memref<1536xf32, #tpu.memory_space<vmem>>)
      %dma_wait3A_174 = arith.constant 1536 : i32
      %dma_wait3A_175 = tpu.memref_slice %arg6[%dma_wait3A_174] : memref<3072xf32, #tpu.memory_space<vmem>> -> memref<1536xf32, #tpu.memory_space<vmem>>
      %dma_wait3A_176 = arith.constant 0 : i32
      %dma_wait3A_177 = tpu.memref_slice %arg2[%select_n3A, %min3A_133, %dma_wait3A_176] : memref<8x16x1536xf32, #tpu.memory_space<hbm>> -> memref<1x1x1536xf32, #tpu.memory_space<hbm>>
      %dma_wait3A_178 = tpu.memref_squeeze %dma_wait3A_177 : memref<1x1x1536xf32, #tpu.memory_space<hbm>> -> memref<1536xf32, #tpu.memory_space<hbm>>
      %dma_wait3A_179 = arith.constant 1536 : i32
      %dma_wait3A_180 = tpu.memref_slice %arg6[%dma_wait3A_179] : memref<3072xf32, #tpu.memory_space<vmem>> -> memref<1536xf32, #tpu.memory_space<vmem>>
      %dma_wait3A_181 = arith.constant 0 : i32
      %dma_wait3A_182 = tpu.memref_slice %arg2[%select_n3A, %min3A_133, %dma_wait3A_181] : memref<8x16x1536xf32, #tpu.memory_space<hbm>> -> memref<1x1x1536xf32, #tpu.memory_space<hbm>>
      %dma_wait3A_183 = tpu.memref_squeeze %dma_wait3A_182 : memref<1x1x1536xf32, #tpu.memory_space<hbm>> -> memref<1536xf32, #tpu.memory_space<hbm>>
      tpu.wait_dma2 semaphore(%arg11 : memref<!tpu.dma_semaphore, #tpu.memory_space<semaphore_mem>>) src(%dma_wait3A_183 : memref<1536xf32, #tpu.memory_space<hbm>>) dst(%dma_wait3A_180 : memref<1536xf32, #tpu.memory_space<vmem>>)
      %dma_wait3A_184 = arith.constant 0 : i32
      %dma_wait3A_185 = tpu.memref_slice %arg3[%select_n3A, %add3A_49, %dma_wait3A_184] : memref<8x512x512xf32, #tpu.memory_space<hbm>> -> memref<1x16x512xf32, #tpu.memory_space<hbm>>
      %dma_wait3A_186 = tpu.memref_squeeze %dma_wait3A_185 : memref<1x16x512xf32, #tpu.memory_space<hbm>> -> memref<16x512xf32, #tpu.memory_space<hbm>>
      %dma_wait3A_187 = arith.constant 0 : i32
      %dma_wait3A_188 = tpu.memref_slice %arg3[%select_n3A, %add3A_49, %dma_wait3A_187] : memref<8x512x512xf32, #tpu.memory_space<hbm>> -> memref<1x16x512xf32, #tpu.memory_space<hbm>>
      %dma_wait3A_189 = tpu.memref_squeeze %dma_wait3A_188 : memref<1x16x512xf32, #tpu.memory_space<hbm>> -> memref<16x512xf32, #tpu.memory_space<hbm>>
      tpu.wait_dma2 semaphore(%arg11 : memref<!tpu.dma_semaphore, #tpu.memory_space<semaphore_mem>>) src(%dma_wait3A_189 : memref<16x512xf32, #tpu.memory_space<hbm>>) dst(%arg8 : memref<16x512xf32, #tpu.memory_space<vmem>>)
      %dma_wait3A_190 = arith.constant 0 : i32
      %dma_wait3A_191 = tpu.memref_slice %arg4[%select_n3A, %add3A_49, %dma_wait3A_190] : memref<8x512x1536xf32, #tpu.memory_space<hbm>> -> memref<1x16x1536xf32, #tpu.memory_space<hbm>>
      %dma_wait3A_192 = tpu.memref_squeeze %dma_wait3A_191 : memref<1x16x1536xf32, #tpu.memory_space<hbm>> -> memref<16x1536xf32, #tpu.memory_space<hbm>>
      %dma_wait3A_193 = arith.constant 0 : i32
      %dma_wait3A_194 = tpu.memref_slice %arg4[%select_n3A, %add3A_49, %dma_wait3A_193] : memref<8x512x1536xf32, #tpu.memory_space<hbm>> -> memref<1x16x1536xf32, #tpu.memory_space<hbm>>
      %dma_wait3A_195 = tpu.memref_squeeze %dma_wait3A_194 : memref<1x16x1536xf32, #tpu.memory_space<hbm>> -> memref<16x1536xf32, #tpu.memory_space<hbm>>
      tpu.wait_dma2 semaphore(%arg11 : memref<!tpu.dma_semaphore, #tpu.memory_space<semaphore_mem>>) src(%dma_wait3A_195 : memref<16x1536xf32, #tpu.memory_space<hbm>>) dst(%arg9 : memref<16x1536xf32, #tpu.memory_space<vmem>>)
      %scan3A_196 = arith.constant 0 : i32
      %scan3A_197 = arith.constant 0 : i32
      %scan3A_198 = arith.constant 2 : i32
      %scan3A_199 = arith.addi %scan3A_197, %scan3A_198 : i32
      %scan3A_200 = arith.constant 1 : i32
      %scan3A_201 = scf.for %scan3A_204 = %scan3A_197 to %scan3A_199 step %scan3A_200 iter_args(%scan3A_205 = %scan3A_196) -> (i32)  : i32 {
        %mul3A_206 = arith.constant 256 : i32
        %mul3A_207 = arith.muli %scan3A_204, %mul3A_206 : i32
        %scan3A_208 = arith.constant 0 : i32
        %scan3A_209 = arith.constant 0 : i32
        %scan3A_210 = arith.constant 256 : i32
        %scan3A_211 = arith.addi %scan3A_209, %scan3A_210 : i32
        %scan3A_212 = arith.constant 1 : i32
        %scan3A_213 = scf.for %scan3A_223 = %scan3A_209 to %scan3A_211 step %scan3A_212 iter_args(%scan3A_224 = %scan3A_208) -> (i32)  : i32 {
          %add3A_225 = arith.addi %mul3A_207, %scan3A_223 : i32
          %add3A_226 = arith.constant 16 : i32
          %add3A_227 = arith.addi %add3A_225, %add3A_226 : i32
          %jit3A_228 = arith.constant 32 : i32
          %div3A_229 = arith.divsi %add3A_227, %jit3A_228 : i32
          %sign3A_230 = arith.constant 0 : i32
          %sign3A_231 = arith.cmpi sgt, %add3A_227, %sign3A_230 : i32
          %sign3A_232 = arith.extui %sign3A_231 : i1 to i32
          %sign3A_233 = arith.constant 0 : i32
          %sign3A_234 = arith.cmpi slt, %add3A_227, %sign3A_233 : i32
          %sign3A_235 = arith.extui %sign3A_234 : i1 to i32
          %sign3A_236 = arith.subi %sign3A_232, %sign3A_235 : i32
          %sign3A_237 = arith.constant 0 : i32
          %sign3A_238 = arith.cmpi sgt, %jit3A_228, %sign3A_237 : i32
          %sign3A_239 = arith.extui %sign3A_238 : i1 to i32
          %sign3A_240 = arith.constant 0 : i32
          %sign3A_241 = arith.cmpi slt, %jit3A_228, %sign3A_240 : i32
          %sign3A_242 = arith.extui %sign3A_241 : i1 to i32
          %sign3A_243 = arith.subi %sign3A_239, %sign3A_242 : i32
          %ne3A_244 = arith.cmpi ne, %sign3A_236, %sign3A_243 : i32
          %rem3A_245 = arith.remsi %add3A_227, %jit3A_228 : i32
          %ne3A_246 = arith.constant 0 : i32
          %ne3A_247 = arith.cmpi ne, %rem3A_245, %ne3A_246 : i32
          %and3A_248 = arith.andi %ne3A_244, %ne3A_247 : i1
          %sub3A_249 = arith.constant 1 : i32
          %sub3A_250 = arith.subi %div3A_229, %sub3A_249 : i32
          %select_n3A_251 = arith.select %and3A_248, %sub3A_250, %div3A_229 : i32
          %sub3A_252 = arith.constant 1 : i32
          %sub3A_253 = arith.subi %select_n3A_251, %sub3A_252 : i32
          %jit3A_254 = arith.constant 0 : i32
          %jit3A_255 = arith.constant 15 : i32
          %max3A_256 = arith.maxsi %jit3A_254, %sub3A_253 : i32
          %min3A_257 = arith.minsi %jit3A_255, %max3A_256 : i32
          %add3A_258 = arith.constant 1 : i32
          %add3A_259 = arith.addi %sub3A_253, %add3A_258 : i32
          %jit3A_260 = arith.constant 0 : i32
          %jit3A_261 = arith.constant 15 : i32
          %max3A_262 = arith.maxsi %jit3A_260, %add3A_259 : i32
          %min3A_263 = arith.minsi %jit3A_261, %max3A_262 : i32
          %convert_element_type3A = arith.sitofp %add3A_225 : i32 to f32
          %broadcast_in_dim3A = vector.broadcast %convert_element_type3A : f32 to vector<16xf32>
          %add3A_264 = arith.constant 5.000000e-01 : f32
          %add3A_265 = vector.broadcast %add3A_264 : f32 to vector<16xf32>
          %add3A_266 = arith.addf %broadcast_in_dim3A, %add3A_265 : vector<16xf32>
          %mul3A_267 = arith.constant 3.125000e-02 : f32
          %mul3A_268 = vector.broadcast %mul3A_267 : f32 to vector<16xf32>
          %mul3A_269 = arith.mulf %add3A_266, %mul3A_268 : vector<16xf32>
          %sub3A_270 = arith.constant 5.000000e-01 : f32
          %sub3A_271 = vector.broadcast %sub3A_270 : f32 to vector<16xf32>
          %sub3A_272 = arith.subf %mul3A_269, %sub3A_271 : vector<16xf32>
          %convert_element_type3A_273 = arith.sitofp %sub3A_253 : i32 to f32
          %broadcast_in_dim3A_274 = vector.broadcast %convert_element_type3A_273 : f32 to vector<16xf32>
          %sub3A_275 = arith.subf %sub3A_272, %broadcast_in_dim3A_274 : vector<16xf32>
          %mul3A_276 = arith.constant 96 : i32
          %mul3A_277 = arith.muli %min3A_257, %mul3A_276 : i32
          %add3A_278 = arith.constant 0 : i32
          %add3A_279 = arith.addi %add3A_278, %mul3A_277 : i32
          %add3A_280 = arith.constant 0 : i32
          %add3A_281 = arith.addi %add3A_279, %add3A_280 : i32
          %get3A = arith.index_cast %add3A_281 : i32 to index
          %get3A_282 = tpu.vector_load %arg6[%get3A] {strides = array<i32>} : memref<3072xf32, #tpu.memory_space<vmem>>, vector<16xf32>,
          %mul3A_283 = arith.constant 96 : i32
          %mul3A_284 = arith.muli %min3A_263, %mul3A_283 : i32
          %add3A_285 = arith.constant 0 : i32
          %add3A_286 = arith.addi %add3A_285, %mul3A_284 : i32
          %add3A_287 = arith.constant 0 : i32
          %add3A_288 = arith.addi %add3A_286, %add3A_287 : i32
          %get3A_289 = arith.index_cast %add3A_288 : i32 to index
          %get3A_290 = tpu.vector_load %arg6[%get3A_289] {strides = array<i32>} : memref<3072xf32, #tpu.memory_space<vmem>>, vector<16xf32>,
          %sub3A_291 = arith.subf %get3A_290, %get3A_282 : vector<16xf32>
          %mul3A_292 = arith.mulf %sub3A_275, %sub3A_291 : vector<16xf32>
          %add3A_293 = arith.addf %get3A_282, %mul3A_292 : vector<16xf32>
          %mul3A_294 = arith.constant 96 : i32
          %mul3A_295 = arith.muli %scan3A_223, %mul3A_294 : i32
          %add3A_296 = arith.constant 0 : i32
          %add3A_297 = arith.addi %add3A_296, %mul3A_295 : i32
          %add3A_298 = arith.constant 0 : i32
          %add3A_299 = arith.addi %add3A_297, %add3A_298 : i32
          %swap3A = arith.index_cast %add3A_299 : i32 to index
          %swap3A_300 = tpu.vector_load %arg7[%swap3A] {strides = array<i32>} : memref<49152xf32, #tpu.memory_space<vmem>>, vector<16xf32>,
          tpu.vector_store %arg7[%swap3A], %add3A_293 {strides = array<i32>} : memref<49152xf32, #tpu.memory_space<vmem>>, vector<16xf32>,
          %mul3A_301 = arith.constant 96 : i32
          %mul3A_302 = arith.muli %min3A_257, %mul3A_301 : i32
          %add3A_303 = arith.constant 0 : i32
          %add3A_304 = arith.addi %add3A_303, %mul3A_302 : i32
          %add3A_305 = arith.constant 16 : i32
          %add3A_306 = arith.addi %add3A_304, %add3A_305 : i32
          %get3A_307 = arith.index_cast %add3A_306 : i32 to index
          %get3A_308 = tpu.vector_load %arg6[%get3A_307] {strides = array<i32>} : memref<3072xf32, #tpu.memory_space<vmem>>, vector<16xf32>,
          %mul3A_309 = arith.constant 96 : i32
          %mul3A_310 = arith.muli %min3A_263, %mul3A_309 : i32
          %add3A_311 = arith.constant 0 : i32
          %add3A_312 = arith.addi %add3A_311, %mul3A_310 : i32
          %add3A_313 = arith.constant 16 : i32
          %add3A_314 = arith.addi %add3A_312, %add3A_313 : i32
          %get3A_315 = arith.index_cast %add3A_314 : i32 to index
          %get3A_316 = tpu.vector_load %arg6[%get3A_315] {strides = array<i32>} : memref<3072xf32, #tpu.memory_space<vmem>>, vector<16xf32>,
          %sub3A_317 = arith.subf %get3A_316, %get3A_308 : vector<16xf32>
          %mul3A_318 = arith.mulf %sub3A_275, %sub3A_317 : vector<16xf32>
          %add3A_319 = arith.addf %get3A_308, %mul3A_318 : vector<16xf32>
          %mul3A_320 = arith.constant 96 : i32
          %mul3A_321 = arith.muli %scan3A_223, %mul3A_320 : i32
          %add3A_322 = arith.constant 0 : i32
          %add3A_323 = arith.addi %add3A_322, %mul3A_321 : i32
          %add3A_324 = arith.constant 16 : i32
          %add3A_325 = arith.addi %add3A_323, %add3A_324 : i32
          %swap3A_326 = arith.index_cast %add3A_325 : i32 to index
          %swap3A_327 = tpu.vector_load %arg7[%swap3A_326] {strides = array<i32>} : memref<49152xf32, #tpu.memory_space<vmem>>, vector<16xf32>,
          tpu.vector_store %arg7[%swap3A_326], %add3A_319 {strides = array<i32>} : memref<49152xf32, #tpu.memory_space<vmem>>, vector<16xf32>,
          %mul3A_328 = arith.constant 96 : i32
          %mul3A_329 = arith.muli %min3A_257, %mul3A_328 : i32
          %add3A_330 = arith.constant 0 : i32
          %add3A_331 = arith.addi %add3A_330, %mul3A_329 : i32
          %add3A_332 = arith.constant 32 : i32
          %add3A_333 = arith.addi %add3A_331, %add3A_332 : i32
          %get3A_334 = arith.index_cast %add3A_333 : i32 to index
          %get3A_335 = tpu.vector_load %arg6[%get3A_334] {strides = array<i32>} : memref<3072xf32, #tpu.memory_space<vmem>>, vector<16xf32>,
          %mul3A_336 = arith.constant 96 : i32
          %mul3A_337 = arith.muli %min3A_263, %mul3A_336 : i32
          %add3A_338 = arith.constant 0 : i32
          %add3A_339 = arith.addi %add3A_338, %mul3A_337 : i32
          %add3A_340 = arith.constant 32 : i32
          %add3A_341 = arith.addi %add3A_339, %add3A_340 : i32
          %get3A_342 = arith.index_cast %add3A_341 : i32 to index
          %get3A_343 = tpu.vector_load %arg6[%get3A_342] {strides = array<i32>} : memref<3072xf32, #tpu.memory_space<vmem>>, vector<16xf32>,
          %sub3A_344 = arith.subf %get3A_343, %get3A_335 : vector<16xf32>
          %mul3A_345 = arith.mulf %sub3A_275, %sub3A_344 : vector<16xf32>
          %add3A_346 = arith.addf %get3A_335, %mul3A_345 : vector<16xf32>
          %mul3A_347 = arith.constant 96 : i32
          %mul3A_348 = arith.muli %scan3A_223, %mul3A_347 : i32
          %add3A_349 = arith.constant 0 : i32
          %add3A_350 = arith.addi %add3A_349, %mul3A_348 : i32
          %add3A_351 = arith.constant 32 : i32
          %add3A_352 = arith.addi %add3A_350, %add3A_351 : i32
          %swap3A_353 = arith.index_cast %add3A_352 : i32 to index
          %swap3A_354 = tpu.vector_load %arg7[%swap3A_353] {strides = array<i32>} : memref<49152xf32, #tpu.memory_space<vmem>>, vector<16xf32>,
          tpu.vector_store %arg7[%swap3A_353], %add3A_346 {strides = array<i32>} : memref<49152xf32, #tpu.memory_space<vmem>>, vector<16xf32>,
          %mul3A_355 = arith.constant 96 : i32
          %mul3A_356 = arith.muli %min3A_257, %mul3A_355 : i32
          %add3A_357 = arith.constant 0 : i32
          %add3A_358 = arith.addi %add3A_357, %mul3A_356 : i32
          %add3A_359 = arith.constant 48 : i32
          %add3A_360 = arith.addi %add3A_358, %add3A_359 : i32
          %get3A_361 = arith.index_cast %add3A_360 : i32 to index
          %get3A_362 = tpu.vector_load %arg6[%get3A_361] {strides = array<i32>} : memref<3072xf32, #tpu.memory_space<vmem>>, vector<16xf32>,
          %mul3A_363 = arith.constant 96 : i32
          %mul3A_364 = arith.muli %min3A_263, %mul3A_363 : i32
          %add3A_365 = arith.constant 0 : i32
          %add3A_366 = arith.addi %add3A_365, %mul3A_364 : i32
          %add3A_367 = arith.constant 48 : i32
          %add3A_368 = arith.addi %add3A_366, %add3A_367 : i32
          %get3A_369 = arith.index_cast %add3A_368 : i32 to index
          %get3A_370 = tpu.vector_load %arg6[%get3A_369] {strides = array<i32>} : memref<3072xf32, #tpu.memory_space<vmem>>, vector<16xf32>,
          %sub3A_371 = arith.subf %get3A_370, %get3A_362 : vector<16xf32>
          %mul3A_372 = arith.mulf %sub3A_275, %sub3A_371 : vector<16xf32>
          %add3A_373 = arith.addf %get3A_362, %mul3A_372 : vector<16xf32>
          %mul3A_374 = arith.constant 96 : i32
          %mul3A_375 = arith.muli %scan3A_223, %mul3A_374 : i32
          %add3A_376 = arith.constant 0 : i32
          %add3A_377 = arith.addi %add3A_376, %mul3A_375 : i32
          %add3A_378 = arith.constant 48 : i32
          %add3A_379 = arith.addi %add3A_377, %add3A_378 : i32
          %swap3A_380 = arith.index_cast %add3A_379 : i32 to index
          %swap3A_381 = tpu.vector_load %arg7[%swap3A_380] {strides = array<i32>} : memref<49152xf32, #tpu.memory_space<vmem>>, vector<16xf32>,
          tpu.vector_store %arg7[%swap3A_380], %add3A_373 {strides = array<i32>} : memref<49152xf32, #tpu.memory_space<vmem>>, vector<16xf32>,
          %mul3A_382 = arith.constant 96 : i32
          %mul3A_383 = arith.muli %min3A_257, %mul3A_382 : i32
          %add3A_384 = arith.constant 0 : i32
          %add3A_385 = arith.addi %add3A_384, %mul3A_383 : i32
          %add3A_386 = arith.constant 64 : i32
          %add3A_387 = arith.addi %add3A_385, %add3A_386 : i32
          %get3A_388 = arith.index_cast %add3A_387 : i32 to index
          %get3A_389 = tpu.vector_load %arg6[%get3A_388] {strides = array<i32>} : memref<3072xf32, #tpu.memory_space<vmem>>, vector<16xf32>,
          %mul3A_390 = arith.constant 96 : i32
          %mul3A_391 = arith.muli %min3A_263, %mul3A_390 : i32
          %add3A_392 = arith.constant 0 : i32
          %add3A_393 = arith.addi %add3A_392, %mul3A_391 : i32
          %add3A_394 = arith.constant 64 : i32
          %add3A_395 = arith.addi %add3A_393, %add3A_394 : i32
          %get3A_396 = arith.index_cast %add3A_395 : i32 to index
          %get3A_397 = tpu.vector_load %arg6[%get3A_396] {strides = array<i32>} : memref<3072xf32, #tpu.memory_space<vmem>>, vector<16xf32>,
          %sub3A_398 = arith.subf %get3A_397, %get3A_389 : vector<16xf32>
          %mul3A_399 = arith.mulf %sub3A_275, %sub3A_398 : vector<16xf32>
          %add3A_400 = arith.addf %get3A_389, %mul3A_399 : vector<16xf32>
          %mul3A_401 = arith.constant 96 : i32
          %mul3A_402 = arith.muli %scan3A_223, %mul3A_401 : i32
          %add3A_403 = arith.constant 0 : i32
          %add3A_404 = arith.addi %add3A_403, %mul3A_402 : i32
          %add3A_405 = arith.constant 64 : i32
          %add3A_406 = arith.addi %add3A_404, %add3A_405 : i32
          %swap3A_407 = arith.index_cast %add3A_406 : i32 to index
          %swap3A_408 = tpu.vector_load %arg7[%swap3A_407] {strides = array<i32>} : memref<49152xf32, #tpu.memory_space<vmem>>, vector<16xf32>,
          tpu.vector_store %arg7[%swap3A_407], %add3A_400 {strides = array<i32>} : memref<49152xf32, #tpu.memory_space<vmem>>, vector<16xf32>,
          %mul3A_409 = arith.constant 96 : i32
          %mul3A_410 = arith.muli %min3A_257, %mul3A_409 : i32
          %add3A_411 = arith.constant 0 : i32
          %add3A_412 = arith.addi %add3A_411, %mul3A_410 : i32
          %add3A_413 = arith.constant 80 : i32
          %add3A_414 = arith.addi %add3A_412, %add3A_413 : i32
          %get3A_415 = arith.index_cast %add3A_414 : i32 to index
          %get3A_416 = tpu.vector_load %arg6[%get3A_415] {strides = array<i32>} : memref<3072xf32, #tpu.memory_space<vmem>>, vector<16xf32>,
          %mul3A_417 = arith.constant 96 : i32
          %mul3A_418 = arith.muli %min3A_263, %mul3A_417 : i32
          %add3A_419 = arith.constant 0 : i32
          %add3A_420 = arith.addi %add3A_419, %mul3A_418 : i32
          %add3A_421 = arith.constant 80 : i32
          %add3A_422 = arith.addi %add3A_420, %add3A_421 : i32
          %get3A_423 = arith.index_cast %add3A_422 : i32 to index
          %get3A_424 = tpu.vector_load %arg6[%get3A_423] {strides = array<i32>} : memref<3072xf32, #tpu.memory_space<vmem>>, vector<16xf32>,
          %sub3A_425 = arith.subf %get3A_424, %get3A_416 : vector<16xf32>
          %mul3A_426 = arith.mulf %sub3A_275, %sub3A_425 : vector<16xf32>
          %add3A_427 = arith.addf %get3A_416, %mul3A_426 : vector<16xf32>
          %mul3A_428 = arith.constant 96 : i32
          %mul3A_429 = arith.muli %scan3A_223, %mul3A_428 : i32
          %add3A_430 = arith.constant 0 : i32
          %add3A_431 = arith.addi %add3A_430, %mul3A_429 : i32
          %add3A_432 = arith.constant 80 : i32
          %add3A_433 = arith.addi %add3A_431, %add3A_432 : i32
          %swap3A_434 = arith.index_cast %add3A_433 : i32 to index
          %swap3A_435 = tpu.vector_load %arg7[%swap3A_434] {strides = array<i32>} : memref<49152xf32, #tpu.memory_space<vmem>>, vector<16xf32>,
          tpu.vector_store %arg7[%swap3A_434], %add3A_427 {strides = array<i32>} : memref<49152xf32, #tpu.memory_space<vmem>>, vector<16xf32>,
          %mul3A_436 = arith.constant 96 : i32
          %mul3A_437 = arith.muli %min3A_257, %mul3A_436 : i32
          %add3A_438 = arith.constant 1536 : i32
          %add3A_439 = arith.addi %add3A_438, %mul3A_437 : i32
          %add3A_440 = arith.constant 0 : i32
          %add3A_441 = arith.addi %add3A_439, %add3A_440 : i32
          %get3A_442 = arith.index_cast %add3A_441 : i32 to index
          %get3A_443 = tpu.vector_load %arg6[%get3A_442] {strides = array<i32>} : memref<3072xf32, #tpu.memory_space<vmem>>, vector<16xf32>,
          %mul3A_444 = arith.constant 96 : i32
          %mul3A_445 = arith.muli %min3A_263, %mul3A_444 : i32
          %add3A_446 = arith.constant 1536 : i32
          %add3A_447 = arith.addi %add3A_446, %mul3A_445 : i32
          %add3A_448 = arith.constant 0 : i32
          %add3A_449 = arith.addi %add3A_447, %add3A_448 : i32
          %get3A_450 = arith.index_cast %add3A_449 : i32 to index
          %get3A_451 = tpu.vector_load %arg6[%get3A_450] {strides = array<i32>} : memref<3072xf32, #tpu.memory_space<vmem>>, vector<16xf32>,
          %sub3A_452 = arith.subf %get3A_451, %get3A_443 : vector<16xf32>
          %mul3A_453 = arith.mulf %sub3A_275, %sub3A_452 : vector<16xf32>
          %add3A_454 = arith.addf %get3A_443, %mul3A_453 : vector<16xf32>
          %mul3A_455 = arith.constant 96 : i32
          %mul3A_456 = arith.muli %scan3A_223, %mul3A_455 : i32
          %add3A_457 = arith.constant 24576 : i32
          %add3A_458 = arith.addi %add3A_457, %mul3A_456 : i32
          %add3A_459 = arith.constant 0 : i32
          %add3A_460 = arith.addi %add3A_458, %add3A_459 : i32
          %swap3A_461 = arith.index_cast %add3A_460 : i32 to index
          %swap3A_462 = tpu.vector_load %arg7[%swap3A_461] {strides = array<i32>} : memref<49152xf32, #tpu.memory_space<vmem>>, vector<16xf32>,
          tpu.vector_store %arg7[%swap3A_461], %add3A_454 {strides = array<i32>} : memref<49152xf32, #tpu.memory_space<vmem>>, vector<16xf32>,
          %mul3A_463 = arith.constant 96 : i32
          %mul3A_464 = arith.muli %min3A_257, %mul3A_463 : i32
          %add3A_465 = arith.constant 1536 : i32
          %add3A_466 = arith.addi %add3A_465, %mul3A_464 : i32
          %add3A_467 = arith.constant 16 : i32
          %add3A_468 = arith.addi %add3A_466, %add3A_467 : i32
          %get3A_469 = arith.index_cast %add3A_468 : i32 to index
          %get3A_470 = tpu.vector_load %arg6[%get3A_469] {strides = array<i32>} : memref<3072xf32, #tpu.memory_space<vmem>>, vector<16xf32>,
          %mul3A_471 = arith.constant 96 : i32
          %mul3A_472 = arith.muli %min3A_263, %mul3A_471 : i32
          %add3A_473 = arith.constant 1536 : i32
          %add3A_474 = arith.addi %add3A_473, %mul3A_472 : i32
          %add3A_475 = arith.constant 16 : i32
          %add3A_476 = arith.addi %add3A_474, %add3A_475 : i32
          %get3A_477 = arith.index_cast %add3A_476 : i32 to index
          %get3A_478 = tpu.vector_load %arg6[%get3A_477] {strides = array<i32>} : memref<3072xf32, #tpu.memory_space<vmem>>, vector<16xf32>,
          %sub3A_479 = arith.subf %get3A_478, %get3A_470 : vector<16xf32>
          %mul3A_480 = arith.mulf %sub3A_275, %sub3A_479 : vector<16xf32>
          %add3A_481 = arith.addf %get3A_470, %mul3A_480 : vector<16xf32>
          %mul3A_482 = arith.constant 96 : i32
          %mul3A_483 = arith.muli %scan3A_223, %mul3A_482 : i32
          %add3A_484 = arith.constant 24576 : i32
          %add3A_485 = arith.addi %add3A_484, %mul3A_483 : i32
          %add3A_486 = arith.constant 16 : i32
          %add3A_487 = arith.addi %add3A_485, %add3A_486 : i32
          %swap3A_488 = arith.index_cast %add3A_487 : i32 to index
          %swap3A_489 = tpu.vector_load %arg7[%swap3A_488] {strides = array<i32>} : memref<49152xf32, #tpu.memory_space<vmem>>, vector<16xf32>,
          tpu.vector_store %arg7[%swap3A_488], %add3A_481 {strides = array<i32>} : memref<49152xf32, #tpu.memory_space<vmem>>, vector<16xf32>,
          %mul3A_490 = arith.constant 96 : i32
          %mul3A_491 = arith.muli %min3A_257, %mul3A_490 : i32
          %add3A_492 = arith.constant 1536 : i32
          %add3A_493 = arith.addi %add3A_492, %mul3A_491 : i32
          %add3A_494 = arith.constant 32 : i32
          %add3A_495 = arith.addi %add3A_493, %add3A_494 : i32
          %get3A_496 = arith.index_cast %add3A_495 : i32 to index
          %get3A_497 = tpu.vector_load %arg6[%get3A_496] {strides = array<i32>} : memref<3072xf32, #tpu.memory_space<vmem>>, vector<16xf32>,
          %mul3A_498 = arith.constant 96 : i32
          %mul3A_499 = arith.muli %min3A_263, %mul3A_498 : i32
          %add3A_500 = arith.constant 1536 : i32
          %add3A_501 = arith.addi %add3A_500, %mul3A_499 : i32
          %add3A_502 = arith.constant 32 : i32
          %add3A_503 = arith.addi %add3A_501, %add3A_502 : i32
          %get3A_504 = arith.index_cast %add3A_503 : i32 to index
          %get3A_505 = tpu.vector_load %arg6[%get3A_504] {strides = array<i32>} : memref<3072xf32, #tpu.memory_space<vmem>>, vector<16xf32>,
          %sub3A_506 = arith.subf %get3A_505, %get3A_497 : vector<16xf32>
          %mul3A_507 = arith.mulf %sub3A_275, %sub3A_506 : vector<16xf32>
          %add3A_508 = arith.addf %get3A_497, %mul3A_507 : vector<16xf32>
          %mul3A_509 = arith.constant 96 : i32
          %mul3A_510 = arith.muli %scan3A_223, %mul3A_509 : i32
          %add3A_511 = arith.constant 24576 : i32
          %add3A_512 = arith.addi %add3A_511, %mul3A_510 : i32
          %add3A_513 = arith.constant 32 : i32
          %add3A_514 = arith.addi %add3A_512, %add3A_513 : i32
          %swap3A_515 = arith.index_cast %add3A_514 : i32 to index
          %swap3A_516 = tpu.vector_load %arg7[%swap3A_515] {strides = array<i32>} : memref<49152xf32, #tpu.memory_space<vmem>>, vector<16xf32>,
          tpu.vector_store %arg7[%swap3A_515], %add3A_508 {strides = array<i32>} : memref<49152xf32, #tpu.memory_space<vmem>>, vector<16xf32>,
          %mul3A_517 = arith.constant 96 : i32
          %mul3A_518 = arith.muli %min3A_257, %mul3A_517 : i32
          %add3A_519 = arith.constant 1536 : i32
          %add3A_520 = arith.addi %add3A_519, %mul3A_518 : i32
          %add3A_521 = arith.constant 48 : i32
          %add3A_522 = arith.addi %add3A_520, %add3A_521 : i32
          %get3A_523 = arith.index_cast %add3A_522 : i32 to index
          %get3A_524 = tpu.vector_load %arg6[%get3A_523] {strides = array<i32>} : memref<3072xf32, #tpu.memory_space<vmem>>, vector<16xf32>,
          %mul3A_525 = arith.constant 96 : i32
          %mul3A_526 = arith.muli %min3A_263, %mul3A_525 : i32
          %add3A_527 = arith.constant 1536 : i32
          %add3A_528 = arith.addi %add3A_527, %mul3A_526 : i32
          %add3A_529 = arith.constant 48 : i32
          %add3A_530 = arith.addi %add3A_528, %add3A_529 : i32
          %get3A_531 = arith.index_cast %add3A_530 : i32 to index
          %get3A_532 = tpu.vector_load %arg6[%get3A_531] {strides = array<i32>} : memref<3072xf32, #tpu.memory_space<vmem>>, vector<16xf32>,
          %sub3A_533 = arith.subf %get3A_532, %get3A_524 : vector<16xf32>
          %mul3A_534 = arith.mulf %sub3A_275, %sub3A_533 : vector<16xf32>
          %add3A_535 = arith.addf %get3A_524, %mul3A_534 : vector<16xf32>
          %mul3A_536 = arith.constant 96 : i32
          %mul3A_537 = arith.muli %scan3A_223, %mul3A_536 : i32
          %add3A_538 = arith.constant 24576 : i32
          %add3A_539 = arith.addi %add3A_538, %mul3A_537 : i32
          %add3A_540 = arith.constant 48 : i32
          %add3A_541 = arith.addi %add3A_539, %add3A_540 : i32
          %swap3A_542 = arith.index_cast %add3A_541 : i32 to index
          %swap3A_543 = tpu.vector_load %arg7[%swap3A_542] {strides = array<i32>} : memref<49152xf32, #tpu.memory_space<vmem>>, vector<16xf32>,
          tpu.vector_store %arg7[%swap3A_542], %add3A_535 {strides = array<i32>} : memref<49152xf32, #tpu.memory_space<vmem>>, vector<16xf32>,
          %mul3A_544 = arith.constant 96 : i32
          %mul3A_545 = arith.muli %min3A_257, %mul3A_544 : i32
          %add3A_546 = arith.constant 1536 : i32
          %add3A_547 = arith.addi %add3A_546, %mul3A_545 : i32
          %add3A_548 = arith.constant 64 : i32
          %add3A_549 = arith.addi %add3A_547, %add3A_548 : i32
          %get3A_550 = arith.index_cast %add3A_549 : i32 to index
          %get3A_551 = tpu.vector_load %arg6[%get3A_550] {strides = array<i32>} : memref<3072xf32, #tpu.memory_space<vmem>>, vector<16xf32>,
          %mul3A_552 = arith.constant 96 : i32
          %mul3A_553 = arith.muli %min3A_263, %mul3A_552 : i32
          %add3A_554 = arith.constant 1536 : i32
          %add3A_555 = arith.addi %add3A_554, %mul3A_553 : i32
          %add3A_556 = arith.constant 64 : i32
          %add3A_557 = arith.addi %add3A_555, %add3A_556 : i32
          %get3A_558 = arith.index_cast %add3A_557 : i32 to index
          %get3A_559 = tpu.vector_load %arg6[%get3A_558] {strides = array<i32>} : memref<3072xf32, #tpu.memory_space<vmem>>, vector<16xf32>,
          %sub3A_560 = arith.subf %get3A_559, %get3A_551 : vector<16xf32>
          %mul3A_561 = arith.mulf %sub3A_275, %sub3A_560 : vector<16xf32>
          %add3A_562 = arith.addf %get3A_551, %mul3A_561 : vector<16xf32>
          %mul3A_563 = arith.constant 96 : i32
          %mul3A_564 = arith.muli %scan3A_223, %mul3A_563 : i32
          %add3A_565 = arith.constant 24576 : i32
          %add3A_566 = arith.addi %add3A_565, %mul3A_564 : i32
          %add3A_567 = arith.constant 64 : i32
          %add3A_568 = arith.addi %add3A_566, %add3A_567 : i32
          %swap3A_569 = arith.index_cast %add3A_568 : i32 to index
          %swap3A_570 = tpu.vector_load %arg7[%swap3A_569] {strides = array<i32>} : memref<49152xf32, #tpu.memory_space<vmem>>, vector<16xf32>,
          tpu.vector_store %arg7[%swap3A_569], %add3A_562 {strides = array<i32>} : memref<49152xf32, #tpu.memory_space<vmem>>, vector<16xf32>,
          %mul3A_571 = arith.constant 96 : i32
          %mul3A_572 = arith.muli %min3A_257, %mul3A_571 : i32
          %add3A_573 = arith.constant 1536 : i32
          %add3A_574 = arith.addi %add3A_573, %mul3A_572 : i32
          %add3A_575 = arith.constant 80 : i32
          %add3A_576 = arith.addi %add3A_574, %add3A_575 : i32
          %get3A_577 = arith.index_cast %add3A_576 : i32 to index
          %get3A_578 = tpu.vector_load %arg6[%get3A_577] {strides = array<i32>} : memref<3072xf32, #tpu.memory_space<vmem>>, vector<16xf32>,
          %mul3A_579 = arith.constant 96 : i32
          %mul3A_580 = arith.muli %min3A_263, %mul3A_579 : i32
          %add3A_581 = arith.constant 1536 : i32
          %add3A_582 = arith.addi %add3A_581, %mul3A_580 : i32
          %add3A_583 = arith.constant 80 : i32
          %add3A_584 = arith.addi %add3A_582, %add3A_583 : i32
          %get3A_585 = arith.index_cast %add3A_584 : i32 to index
          %get3A_586 = tpu.vector_load %arg6[%get3A_585] {strides = array<i32>} : memref<3072xf32, #tpu.memory_space<vmem>>, vector<16xf32>,
          %sub3A_587 = arith.subf %get3A_586, %get3A_578 : vector<16xf32>
          %mul3A_588 = arith.mulf %sub3A_275, %sub3A_587 : vector<16xf32>
          %add3A_589 = arith.addf %get3A_578, %mul3A_588 : vector<16xf32>
          %mul3A_590 = arith.constant 96 : i32
          %mul3A_591 = arith.muli %scan3A_223, %mul3A_590 : i32
          %add3A_592 = arith.constant 24576 : i32
          %add3A_593 = arith.addi %add3A_592, %mul3A_591 : i32
          %add3A_594 = arith.constant 80 : i32
          %add3A_595 = arith.addi %add3A_593, %add3A_594 : i32
          %swap3A_596 = arith.index_cast %add3A_595 : i32 to index
          %swap3A_597 = tpu.vector_load %arg7[%swap3A_596] {strides = array<i32>} : memref<49152xf32, #tpu.memory_space<vmem>>, vector<16xf32>,
          tpu.vector_store %arg7[%swap3A_596], %add3A_589 {strides = array<i32>} : memref<49152xf32, #tpu.memory_space<vmem>>, vector<16xf32>,
          %scan3A_598 = arith.constant 0 : i32
          scf.yield %scan3A_598 : i32
        }
        %scan3A_214 = arith.constant 256 : i32
        %scan3A_215 = arith.constant 0 : i32
        %scan3A_216 = arith.constant 0 : i32
        %scan3A_217 = arith.constant 16 : i32
        %scan3A_218 = arith.addi %scan3A_216, %scan3A_217 : i32
        %scan3A_219 = arith.constant 1 : i32
        %scan3A_220 = scf.for %scan3A_223 = %scan3A_216 to %scan3A_218 step %scan3A_219 iter_args(%scan3A_224 = %scan3A_215) -> (i32)  : i32 {
          %add3A_225 = arith.addi %add3A_49, %scan3A_223 : i32
          %convert_element_type3A = arith.sitofp %add3A_225 : i32 to f32
          %broadcast_in_dim3A = vector.broadcast %convert_element_type3A : f32 to vector<16xf32>
          %add3A_226 = arith.constant 5.000000e-01 : f32
          %add3A_227 = vector.broadcast %add3A_226 : f32 to vector<16xf32>
          %add3A_228 = arith.addf %broadcast_in_dim3A, %add3A_227 : vector<16xf32>
          %mul3A_229 = arith.constant 3.125000e-02 : f32
          %mul3A_230 = vector.broadcast %mul3A_229 : f32 to vector<16xf32>
          %mul3A_231 = arith.mulf %add3A_228, %mul3A_230 : vector<16xf32>
          %sub3A_232 = arith.constant 5.000000e-01 : f32
          %sub3A_233 = vector.broadcast %sub3A_232 : f32 to vector<16xf32>
          %sub3A_234 = arith.subf %mul3A_231, %sub3A_233 : vector<16xf32>
          %add3A_235 = arith.constant 1.000000e+00 : f32
          %add3A_236 = vector.broadcast %add3A_235 : f32 to vector<16xf32>
          %add3A_237 = arith.addf %sub3A_234, %add3A_236 : vector<16xf32>
          %convert_element_type3A_238 = arith.fptosi %add3A_237 : vector<16xf32> to vector<16xi32>
          %convert_element_type3A_239 = arith.sitofp %convert_element_type3A_238 : vector<16xi32> to vector<16xf32>
          %sub3A_240 = arith.constant 1.000000e+00 : f32
          %sub3A_241 = vector.broadcast %sub3A_240 : f32 to vector<16xf32>
          %sub3A_242 = arith.subf %convert_element_type3A_239, %sub3A_241 : vector<16xf32>
          %sub3A_243 = arith.subf %sub3A_234, %sub3A_242 : vector<16xf32>
          %sub3A_244 = arith.constant 1.000000e+00 : f32
          %sub3A_245 = vector.broadcast %sub3A_244 : f32 to vector<16xf32>
          %sub3A_246 = arith.subf %sub3A_245, %sub3A_243 : vector<16xf32>
          %mul3A_247 = arith.constant 3 : i32
          %mul3A_248 = arith.muli %mul3A_207, %mul3A_247 : i32
          %broadcast_in_dim3A_249 = vector.broadcast %scan3A_223 : i32 to vector<16xi32>
          %parallel_loop3A = arith.constant 0 : i32
          %parallel_loop3A_250 = arith.constant 16 : i32
          %parallel_loop3A_251 = arith.constant 1 : i32
          scf.for %parallel_loop3A_253 = %parallel_loop3A to %parallel_loop3A_250 step %parallel_loop3A_251  : i32 {
            %parallel_loop3A_254 = arith.constant 16 : i32
            %parallel_loop3A_255 = arith.muli %parallel_loop3A_253, %parallel_loop3A_254 : i32
            %parallel_loop3A_256 = arith.addi %mul3A_207, %parallel_loop3A_255 : i32
            %parallel_loop3A_257 = arith.index_cast %scan3A_223 : i32 to index
            %parallel_loop3A_258 = arith.index_cast %parallel_loop3A_256 : i32 to index
            %parallel_loop3A_259 = tpu.vector_load %arg8[%parallel_loop3A_257, %parallel_loop3A_258] {strides = array<i32>} : memref<16x512xf32, #tpu.memory_space<vmem>>, vector<16xf32>,
            %parallel_loop3A_260 = arith.constant 8.000000e+00 : f32
            %parallel_loop3A_261 = vector.broadcast %parallel_loop3A_260 : f32 to vector<16xf32>
            %parallel_loop3A_262 = arith.mulf %parallel_loop3A_259, %parallel_loop3A_261 : vector<16xf32>
            %parallel_loop3A_263 = arith.constant 5.000000e-01 : f32
            %parallel_loop3A_264 = vector.broadcast %parallel_loop3A_263 : f32 to vector<16xf32>
            %parallel_loop3A_265 = arith.subf %parallel_loop3A_262, %parallel_loop3A_264 : vector<16xf32>
            %parallel_loop3A_266 = arith.constant 0.000000e+00 : f32
            %parallel_loop3A_267 = arith.constant 7.000000e+00 : f32
            %parallel_loop3A_268 = vector.broadcast %parallel_loop3A_266 : f32 to vector<16xf32>
            %parallel_loop3A_269 = arith.maximumf %parallel_loop3A_268, %parallel_loop3A_265 : vector<16xf32>
            %parallel_loop3A_270 = vector.broadcast %parallel_loop3A_267 : f32 to vector<16xf32>
            %parallel_loop3A_271 = arith.minimumf %parallel_loop3A_270, %parallel_loop3A_269 : vector<16xf32>
            %parallel_loop3A_272 = arith.fptosi %parallel_loop3A_271 : vector<16xf32> to vector<16xi32>
            %parallel_loop3A_273 = arith.sitofp %parallel_loop3A_272 : vector<16xi32> to vector<16xf32>
            %parallel_loop3A_274 = arith.subf %parallel_loop3A_271, %parallel_loop3A_273 : vector<16xf32>
            %parallel_loop3A_275 = arith.constant 1 : i32
            %parallel_loop3A_276 = vector.broadcast %parallel_loop3A_275 : i32 to vector<16xi32>
            %parallel_loop3A_277 = arith.addi %parallel_loop3A_272, %parallel_loop3A_276 : vector<16xi32>
            %parallel_loop3A_278 = arith.constant 7 : i32
            %parallel_loop3A_279 = vector.broadcast %parallel_loop3A_278 : i32 to vector<16xi32>
            %parallel_loop3A_280 = arith.minsi %parallel_loop3A_277, %parallel_loop3A_279 : vector<16xi32>
            %parallel_loop3A_281 = arith.constant 1536 : i32
            %parallel_loop3A_282 = arith.muli %parallel_loop3A_253, %parallel_loop3A_281 : i32
            %parallel_loop3A_283 = vector.broadcast %parallel_loop3A_282 : i32 to vector<16xi32>
            %parallel_loop3A_284 = arith.addi %parallel_loop3A_283, %mul3A_38 : vector<16xi32>
            %parallel_loop3A_285 = arith.constant 12 : i32
            %parallel_loop3A_286 = vector.broadcast %parallel_loop3A_285 : i32 to vector<16xi32>
            %parallel_loop3A_287 = arith.muli %parallel_loop3A_272, %parallel_loop3A_286 : vector<16xi32>
            %parallel_loop3A_288 = arith.addi %parallel_loop3A_284, %parallel_loop3A_287 : vector<16xi32>
            %parallel_loop3A_289 = arith.constant 12 : i32
            %parallel_loop3A_290 = vector.broadcast %parallel_loop3A_289 : i32 to vector<16xi32>
            %parallel_loop3A_291 = arith.muli %parallel_loop3A_280, %parallel_loop3A_290 : vector<16xi32>
            %parallel_loop3A_292 = arith.addi %parallel_loop3A_284, %parallel_loop3A_291 : vector<16xi32>
            %parallel_loop3A_293 = arith.constant 24576 : i32
            %parallel_loop3A_294 = vector.broadcast %parallel_loop3A_293 : i32 to vector<16xi32>
            %parallel_loop3A_295 = arith.addi %parallel_loop3A_288, %parallel_loop3A_294 : vector<16xi32>
            %parallel_loop3A_296 = arith.constant 24576 : i32
            %parallel_loop3A_297 = vector.broadcast %parallel_loop3A_296 : i32 to vector<16xi32>
            %parallel_loop3A_298 = arith.addi %parallel_loop3A_292, %parallel_loop3A_297 : vector<16xi32>
            %parallel_loop3A_299 = arith.constant 48 : i32
            %parallel_loop3A_300 = arith.muli %parallel_loop3A_253, %parallel_loop3A_299 : i32
            %parallel_loop3A_301 = arith.addi %mul3A_248, %parallel_loop3A_300 : i32
            %parallel_loop3A_302 = vector.broadcast %parallel_loop3A_301 : i32 to vector<16xi32>
            %parallel_loop3A_303 = arith.addi %parallel_loop3A_302, %mul3A_35 : vector<16xi32>
            %parallel_loop3A_304 = arith.constant 0 : i32
            %parallel_loop3A_305 = vector.broadcast %parallel_loop3A_304 : i32 to vector<16xi32>
            %parallel_loop3A_306 = arith.addi %parallel_loop3A_303, %parallel_loop3A_305 : vector<16xi32>
            %parallel_loop3A_307 = tpu.vector_load_idx %arg9[%broadcast_in_dim3A_249, %parallel_loop3A_306] : memref<16x1536xf32, #tpu.memory_space<vmem>>[vector<16xi32>, vector<16xi32>], vector<16xf32>,
            %parallel_loop3A_308 = arith.constant 1 : i32
            %parallel_loop3A_309 = vector.broadcast %parallel_loop3A_308 : i32 to vector<16xi32>
            %parallel_loop3A_310 = arith.addi %parallel_loop3A_303, %parallel_loop3A_309 : vector<16xi32>
            %parallel_loop3A_311 = tpu.vector_load_idx %arg9[%broadcast_in_dim3A_249, %parallel_loop3A_310] : memref<16x1536xf32, #tpu.memory_space<vmem>>[vector<16xi32>, vector<16xi32>], vector<16xf32>,
            %parallel_loop3A_312 = arith.constant 2 : i32
            %parallel_loop3A_313 = vector.broadcast %parallel_loop3A_312 : i32 to vector<16xi32>
            %parallel_loop3A_314 = arith.addi %parallel_loop3A_303, %parallel_loop3A_313 : vector<16xi32>
            %parallel_loop3A_315 = tpu.vector_load_idx %arg9[%broadcast_in_dim3A_249, %parallel_loop3A_314] : memref<16x1536xf32, #tpu.memory_space<vmem>>[vector<16xi32>, vector<16xi32>], vector<16xf32>,
            %parallel_loop3A_316 = arith.constant 0 : i32
            %parallel_loop3A_317 = vector.broadcast %parallel_loop3A_316 : i32 to vector<16xi32>
            %parallel_loop3A_318 = arith.addi %parallel_loop3A_288, %parallel_loop3A_317 : vector<16xi32>
            %parallel_loop3A_319 = tpu.vector_load_idx %arg7[%parallel_loop3A_318] : memref<49152xf32, #tpu.memory_space<vmem>>[vector<16xi32>], vector<16xf32>,
            %parallel_loop3A_320 = arith.constant 0 : i32
            %parallel_loop3A_321 = vector.broadcast %parallel_loop3A_320 : i32 to vector<16xi32>
            %parallel_loop3A_322 = arith.addi %parallel_loop3A_292, %parallel_loop3A_321 : vector<16xi32>
            %parallel_loop3A_323 = tpu.vector_load_idx %arg7[%parallel_loop3A_322] : memref<49152xf32, #tpu.memory_space<vmem>>[vector<16xi32>], vector<16xf32>,
            %parallel_loop3A_324 = arith.constant 0 : i32
            %parallel_loop3A_325 = vector.broadcast %parallel_loop3A_324 : i32 to vector<16xi32>
            %parallel_loop3A_326 = arith.addi %parallel_loop3A_295, %parallel_loop3A_325 : vector<16xi32>
            %parallel_loop3A_327 = tpu.vector_load_idx %arg7[%parallel_loop3A_326] : memref<49152xf32, #tpu.memory_space<vmem>>[vector<16xi32>], vector<16xf32>,
            %parallel_loop3A_328 = arith.constant 0 : i32
            %parallel_loop3A_329 = vector.broadcast %parallel_loop3A_328 : i32 to vector<16xi32>
            %parallel_loop3A_330 = arith.addi %parallel_loop3A_298, %parallel_loop3A_329 : vector<16xi32>
            %parallel_loop3A_331 = tpu.vector_load_idx %arg7[%parallel_loop3A_330] : memref<49152xf32, #tpu.memory_space<vmem>>[vector<16xi32>], vector<16xf32>,
            %parallel_loop3A_332 = arith.subf %parallel_loop3A_323, %parallel_loop3A_319 : vector<16xf32>
            %parallel_loop3A_333 = arith.mulf %parallel_loop3A_274, %parallel_loop3A_332 : vector<16xf32>
            %parallel_loop3A_334 = arith.addf %parallel_loop3A_319, %parallel_loop3A_333 : vector<16xf32>
            %parallel_loop3A_335 = arith.mulf %sub3A_246, %parallel_loop3A_334 : vector<16xf32>
            %parallel_loop3A_336 = arith.subf %parallel_loop3A_331, %parallel_loop3A_327 : vector<16xf32>
            %parallel_loop3A_337 = arith.mulf %parallel_loop3A_274, %parallel_loop3A_336 : vector<16xf32>
            %parallel_loop3A_338 = arith.addf %parallel_loop3A_327, %parallel_loop3A_337 : vector<16xf32>
            %parallel_loop3A_339 = arith.mulf %sub3A_243, %parallel_loop3A_338 : vector<16xf32>
            %parallel_loop3A_340 = arith.addf %parallel_loop3A_335, %parallel_loop3A_339 : vector<16xf32>
            %parallel_loop3A_341 = arith.mulf %parallel_loop3A_340, %parallel_loop3A_307 : vector<16xf32>
            %parallel_loop3A_342 = arith.constant 1 : i32
            %parallel_loop3A_343 = vector.broadcast %parallel_loop3A_342 : i32 to vector<16xi32>
            %parallel_loop3A_344 = arith.addi %parallel_loop3A_288, %parallel_loop3A_343 : vector<16xi32>
            %parallel_loop3A_345 = tpu.vector_load_idx %arg7[%parallel_loop3A_344] : memref<49152xf32, #tpu.memory_space<vmem>>[vector<16xi32>], vector<16xf32>,
            %parallel_loop3A_346 = arith.constant 1 : i32
            %parallel_loop3A_347 = vector.broadcast %parallel_loop3A_346 : i32 to vector<16xi32>
            %parallel_loop3A_348 = arith.addi %parallel_loop3A_292, %parallel_loop3A_347 : vector<16xi32>
            %parallel_loop3A_349 = tpu.vector_load_idx %arg7[%parallel_loop3A_348] : memref<49152xf32, #tpu.memory_space<vmem>>[vector<16xi32>], vector<16xf32>,
            %parallel_loop3A_350 = arith.constant 1 : i32
            %parallel_loop3A_351 = vector.broadcast %parallel_loop3A_350 : i32 to vector<16xi32>
            %parallel_loop3A_352 = arith.addi %parallel_loop3A_295, %parallel_loop3A_351 : vector<16xi32>
            %parallel_loop3A_353 = tpu.vector_load_idx %arg7[%parallel_loop3A_352] : memref<49152xf32, #tpu.memory_space<vmem>>[vector<16xi32>], vector<16xf32>,
            %parallel_loop3A_354 = arith.constant 1 : i32
            %parallel_loop3A_355 = vector.broadcast %parallel_loop3A_354 : i32 to vector<16xi32>
            %parallel_loop3A_356 = arith.addi %parallel_loop3A_298, %parallel_loop3A_355 : vector<16xi32>
            %parallel_loop3A_357 = tpu.vector_load_idx %arg7[%parallel_loop3A_356] : memref<49152xf32, #tpu.memory_space<vmem>>[vector<16xi32>], vector<16xf32>,
            %parallel_loop3A_358 = arith.subf %parallel_loop3A_349, %parallel_loop3A_345 : vector<16xf32>
            %parallel_loop3A_359 = arith.mulf %parallel_loop3A_274, %parallel_loop3A_358 : vector<16xf32>
            %parallel_loop3A_360 = arith.addf %parallel_loop3A_345, %parallel_loop3A_359 : vector<16xf32>
            %parallel_loop3A_361 = arith.mulf %sub3A_246, %parallel_loop3A_360 : vector<16xf32>
            %parallel_loop3A_362 = arith.subf %parallel_loop3A_357, %parallel_loop3A_353 : vector<16xf32>
            %parallel_loop3A_363 = arith.mulf %parallel_loop3A_274, %parallel_loop3A_362 : vector<16xf32>
            %parallel_loop3A_364 = arith.addf %parallel_loop3A_353, %parallel_loop3A_363 : vector<16xf32>
            %parallel_loop3A_365 = arith.mulf %sub3A_243, %parallel_loop3A_364 : vector<16xf32>
            %parallel_loop3A_366 = arith.addf %parallel_loop3A_361, %parallel_loop3A_365 : vector<16xf32>
            %parallel_loop3A_367 = arith.mulf %parallel_loop3A_366, %parallel_loop3A_311 : vector<16xf32>
            %parallel_loop3A_368 = arith.addf %parallel_loop3A_341, %parallel_loop3A_367 : vector<16xf32>
            %parallel_loop3A_369 = arith.constant 2 : i32
            %parallel_loop3A_370 = vector.broadcast %parallel_loop3A_369 : i32 to vector<16xi32>
            %parallel_loop3A_371 = arith.addi %parallel_loop3A_288, %parallel_loop3A_370 : vector<16xi32>
            %parallel_loop3A_372 = tpu.vector_load_idx %arg7[%parallel_loop3A_371] : memref<49152xf32, #tpu.memory_space<vmem>>[vector<16xi32>], vector<16xf32>,
            %parallel_loop3A_373 = arith.constant 2 : i32
            %parallel_loop3A_374 = vector.broadcast %parallel_loop3A_373 : i32 to vector<16xi32>
            %parallel_loop3A_375 = arith.addi %parallel_loop3A_292, %parallel_loop3A_374 : vector<16xi32>
            %parallel_loop3A_376 = tpu.vector_load_idx %arg7[%parallel_loop3A_375] : memref<49152xf32, #tpu.memory_space<vmem>>[vector<16xi32>], vector<16xf32>,
            %parallel_loop3A_377 = arith.constant 2 : i32
            %parallel_loop3A_378 = vector.broadcast %parallel_loop3A_377 : i32 to vector<16xi32>
            %parallel_loop3A_379 = arith.addi %parallel_loop3A_295, %parallel_loop3A_378 : vector<16xi32>
            %parallel_loop3A_380 = tpu.vector_load_idx %arg7[%parallel_loop3A_379] : memref<49152xf32, #tpu.memory_space<vmem>>[vector<16xi32>], vector<16xf32>,
            %parallel_loop3A_381 = arith.constant 2 : i32
            %parallel_loop3A_382 = vector.broadcast %parallel_loop3A_381 : i32 to vector<16xi32>
            %parallel_loop3A_383 = arith.addi %parallel_loop3A_298, %parallel_loop3A_382 : vector<16xi32>
            %parallel_loop3A_384 = tpu.vector_load_idx %arg7[%parallel_loop3A_383] : memref<49152xf32, #tpu.memory_space<vmem>>[vector<16xi32>], vector<16xf32>,
            %parallel_loop3A_385 = arith.subf %parallel_loop3A_376, %parallel_loop3A_372 : vector<16xf32>
            %parallel_loop3A_386 = arith.mulf %parallel_loop3A_274, %parallel_loop3A_385 : vector<16xf32>
            %parallel_loop3A_387 = arith.addf %parallel_loop3A_372, %parallel_loop3A_386 : vector<16xf32>
            %parallel_loop3A_388 = arith.mulf %sub3A_246, %parallel_loop3A_387 : vector<16xf32>
            %parallel_loop3A_389 = arith.subf %parallel_loop3A_384, %parallel_loop3A_380 : vector<16xf32>
            %parallel_loop3A_390 = arith.mulf %parallel_loop3A_274, %parallel_loop3A_389 : vector<16xf32>
            %parallel_loop3A_391 = arith.addf %parallel_loop3A_380, %parallel_loop3A_390 : vector<16xf32>
            %parallel_loop3A_392 = arith.mulf %sub3A_243, %parallel_loop3A_391 : vector<16xf32>
            %parallel_loop3A_393 = arith.addf %parallel_loop3A_388, %parallel_loop3A_392 : vector<16xf32>
            %parallel_loop3A_394 = arith.mulf %parallel_loop3A_393, %parallel_loop3A_315 : vector<16xf32>
            %parallel_loop3A_395 = arith.addf %parallel_loop3A_368, %parallel_loop3A_394 : vector<16xf32>
            %parallel_loop3A_396 = arith.constant 3 : i32
            %parallel_loop3A_397 = vector.broadcast %parallel_loop3A_396 : i32 to vector<16xi32>
            %parallel_loop3A_398 = arith.addi %parallel_loop3A_288, %parallel_loop3A_397 : vector<16xi32>
            %parallel_loop3A_399 = tpu.vector_load_idx %arg7[%parallel_loop3A_398] : memref<49152xf32, #tpu.memory_space<vmem>>[vector<16xi32>], vector<16xf32>,
            %parallel_loop3A_400 = arith.constant 3 : i32
            %parallel_loop3A_401 = vector.broadcast %parallel_loop3A_400 : i32 to vector<16xi32>
            %parallel_loop3A_402 = arith.addi %parallel_loop3A_292, %parallel_loop3A_401 : vector<16xi32>
            %parallel_loop3A_403 = tpu.vector_load_idx %arg7[%parallel_loop3A_402] : memref<49152xf32, #tpu.memory_space<vmem>>[vector<16xi32>], vector<16xf32>,
            %parallel_loop3A_404 = arith.constant 3 : i32
            %parallel_loop3A_405 = vector.broadcast %parallel_loop3A_404 : i32 to vector<16xi32>
            %parallel_loop3A_406 = arith.addi %parallel_loop3A_295, %parallel_loop3A_405 : vector<16xi32>
            %parallel_loop3A_407 = tpu.vector_load_idx %arg7[%parallel_loop3A_406] : memref<49152xf32, #tpu.memory_space<vmem>>[vector<16xi32>], vector<16xf32>,
            %parallel_loop3A_408 = arith.constant 3 : i32
            %parallel_loop3A_409 = vector.broadcast %parallel_loop3A_408 : i32 to vector<16xi32>
            %parallel_loop3A_410 = arith.addi %parallel_loop3A_298, %parallel_loop3A_409 : vector<16xi32>
            %parallel_loop3A_411 = tpu.vector_load_idx %arg7[%parallel_loop3A_410] : memref<49152xf32, #tpu.memory_space<vmem>>[vector<16xi32>], vector<16xf32>,
            %parallel_loop3A_412 = arith.subf %parallel_loop3A_403, %parallel_loop3A_399 : vector<16xf32>
            %parallel_loop3A_413 = arith.mulf %parallel_loop3A_274, %parallel_loop3A_412 : vector<16xf32>
            %parallel_loop3A_414 = arith.addf %parallel_loop3A_399, %parallel_loop3A_413 : vector<16xf32>
            %parallel_loop3A_415 = arith.mulf %sub3A_246, %parallel_loop3A_414 : vector<16xf32>
            %parallel_loop3A_416 = arith.subf %parallel_loop3A_411, %parallel_loop3A_407 : vector<16xf32>
            %parallel_loop3A_417 = arith.mulf %parallel_loop3A_274, %parallel_loop3A_416 : vector<16xf32>
            %parallel_loop3A_418 = arith.addf %parallel_loop3A_407, %parallel_loop3A_417 : vector<16xf32>
            %parallel_loop3A_419 = arith.mulf %sub3A_243, %parallel_loop3A_418 : vector<16xf32>
            %parallel_loop3A_420 = arith.addf %parallel_loop3A_415, %parallel_loop3A_419 : vector<16xf32>
            %parallel_loop3A_421 = arith.addf %parallel_loop3A_395, %parallel_loop3A_420 : vector<16xf32>
            %parallel_loop3A_422 = arith.constant 0 : i32
            %parallel_loop3A_423 = vector.broadcast %parallel_loop3A_422 : i32 to vector<16xi32>
            %parallel_loop3A_424 = arith.addi %parallel_loop3A_303, %parallel_loop3A_423 : vector<16xi32>
            tpu.vector_store_idx %arg10[%broadcast_in_dim3A_249, %parallel_loop3A_424], %parallel_loop3A_421 : memref<16x1536xf32, #tpu.memory_space<vmem>>[vector<16xi32>, vector<16xi32>], vector<16xf32>,
            %parallel_loop3A_425 = arith.constant 4 : i32
            %parallel_loop3A_426 = vector.broadcast %parallel_loop3A_425 : i32 to vector<16xi32>
            %parallel_loop3A_427 = arith.addi %parallel_loop3A_288, %parallel_loop3A_426 : vector<16xi32>
            %parallel_loop3A_428 = tpu.vector_load_idx %arg7[%parallel_loop3A_427] : memref<49152xf32, #tpu.memory_space<vmem>>[vector<16xi32>], vector<16xf32>,
            %parallel_loop3A_429 = arith.constant 4 : i32
            %parallel_loop3A_430 = vector.broadcast %parallel_loop3A_429 : i32 to vector<16xi32>
            %parallel_loop3A_431 = arith.addi %parallel_loop3A_292, %parallel_loop3A_430 : vector<16xi32>
            %parallel_loop3A_432 = tpu.vector_load_idx %arg7[%parallel_loop3A_431] : memref<49152xf32, #tpu.memory_space<vmem>>[vector<16xi32>], vector<16xf32>,
            %parallel_loop3A_433 = arith.constant 4 : i32
            %parallel_loop3A_434 = vector.broadcast %parallel_loop3A_433 : i32 to vector<16xi32>
            %parallel_loop3A_435 = arith.addi %parallel_loop3A_295, %parallel_loop3A_434 : vector<16xi32>
            %parallel_loop3A_436 = tpu.vector_load_idx %arg7[%parallel_loop3A_435] : memref<49152xf32, #tpu.memory_space<vmem>>[vector<16xi32>], vector<16xf32>,
            %parallel_loop3A_437 = arith.constant 4 : i32
            %parallel_loop3A_438 = vector.broadcast %parallel_loop3A_437 : i32 to vector<16xi32>
            %parallel_loop3A_439 = arith.addi %parallel_loop3A_298, %parallel_loop3A_438 : vector<16xi32>
            %parallel_loop3A_440 = tpu.vector_load_idx %arg7[%parallel_loop3A_439] : memref<49152xf32, #tpu.memory_space<vmem>>[vector<16xi32>], vector<16xf32>,
            %parallel_loop3A_441 = arith.subf %parallel_loop3A_432, %parallel_loop3A_428 : vector<16xf32>
            %parallel_loop3A_442 = arith.mulf %parallel_loop3A_274, %parallel_loop3A_441 : vector<16xf32>
            %parallel_loop3A_443 = arith.addf %parallel_loop3A_428, %parallel_loop3A_442 : vector<16xf32>
            %parallel_loop3A_444 = arith.mulf %sub3A_246, %parallel_loop3A_443 : vector<16xf32>
            %parallel_loop3A_445 = arith.subf %parallel_loop3A_440, %parallel_loop3A_436 : vector<16xf32>
            %parallel_loop3A_446 = arith.mulf %parallel_loop3A_274, %parallel_loop3A_445 : vector<16xf32>
            %parallel_loop3A_447 = arith.addf %parallel_loop3A_436, %parallel_loop3A_446 : vector<16xf32>
            %parallel_loop3A_448 = arith.mulf %sub3A_243, %parallel_loop3A_447 : vector<16xf32>
            %parallel_loop3A_449 = arith.addf %parallel_loop3A_444, %parallel_loop3A_448 : vector<16xf32>
            %parallel_loop3A_450 = arith.mulf %parallel_loop3A_449, %parallel_loop3A_307 : vector<16xf32>
            %parallel_loop3A_451 = arith.constant 5 : i32
            %parallel_loop3A_452 = vector.broadcast %parallel_loop3A_451 : i32 to vector<16xi32>
            %parallel_loop3A_453 = arith.addi %parallel_loop3A_288, %parallel_loop3A_452 : vector<16xi32>
            %parallel_loop3A_454 = tpu.vector_load_idx %arg7[%parallel_loop3A_453] : memref<49152xf32, #tpu.memory_space<vmem>>[vector<16xi32>], vector<16xf32>,
            %parallel_loop3A_455 = arith.constant 5 : i32
            %parallel_loop3A_456 = vector.broadcast %parallel_loop3A_455 : i32 to vector<16xi32>
            %parallel_loop3A_457 = arith.addi %parallel_loop3A_292, %parallel_loop3A_456 : vector<16xi32>
            %parallel_loop3A_458 = tpu.vector_load_idx %arg7[%parallel_loop3A_457] : memref<49152xf32, #tpu.memory_space<vmem>>[vector<16xi32>], vector<16xf32>,
            %parallel_loop3A_459 = arith.constant 5 : i32
            %parallel_loop3A_460 = vector.broadcast %parallel_loop3A_459 : i32 to vector<16xi32>
            %parallel_loop3A_461 = arith.addi %parallel_loop3A_295, %parallel_loop3A_460 : vector<16xi32>
            %parallel_loop3A_462 = tpu.vector_load_idx %arg7[%parallel_loop3A_461] : memref<49152xf32, #tpu.memory_space<vmem>>[vector<16xi32>], vector<16xf32>,
            %parallel_loop3A_463 = arith.constant 5 : i32
            %parallel_loop3A_464 = vector.broadcast %parallel_loop3A_463 : i32 to vector<16xi32>
            %parallel_loop3A_465 = arith.addi %parallel_loop3A_298, %parallel_loop3A_464 : vector<16xi32>
            %parallel_loop3A_466 = tpu.vector_load_idx %arg7[%parallel_loop3A_465] : memref<49152xf32, #tpu.memory_space<vmem>>[vector<16xi32>], vector<16xf32>,
            %parallel_loop3A_467 = arith.subf %parallel_loop3A_458, %parallel_loop3A_454 : vector<16xf32>
            %parallel_loop3A_468 = arith.mulf %parallel_loop3A_274, %parallel_loop3A_467 : vector<16xf32>
            %parallel_loop3A_469 = arith.addf %parallel_loop3A_454, %parallel_loop3A_468 : vector<16xf32>
            %parallel_loop3A_470 = arith.mulf %sub3A_246, %parallel_loop3A_469 : vector<16xf32>
            %parallel_loop3A_471 = arith.subf %parallel_loop3A_466, %parallel_loop3A_462 : vector<16xf32>
            %parallel_loop3A_472 = arith.mulf %parallel_loop3A_274, %parallel_loop3A_471 : vector<16xf32>
            %parallel_loop3A_473 = arith.addf %parallel_loop3A_462, %parallel_loop3A_472 : vector<16xf32>
            %parallel_loop3A_474 = arith.mulf %sub3A_243, %parallel_loop3A_473 : vector<16xf32>
            %parallel_loop3A_475 = arith.addf %parallel_loop3A_470, %parallel_loop3A_474 : vector<16xf32>
            %parallel_loop3A_476 = arith.mulf %parallel_loop3A_475, %parallel_loop3A_311 : vector<16xf32>
            %parallel_loop3A_477 = arith.addf %parallel_loop3A_450, %parallel_loop3A_476 : vector<16xf32>
            %parallel_loop3A_478 = arith.constant 6 : i32
            %parallel_loop3A_479 = vector.broadcast %parallel_loop3A_478 : i32 to vector<16xi32>
            %parallel_loop3A_480 = arith.addi %parallel_loop3A_288, %parallel_loop3A_479 : vector<16xi32>
            %parallel_loop3A_481 = tpu.vector_load_idx %arg7[%parallel_loop3A_480] : memref<49152xf32, #tpu.memory_space<vmem>>[vector<16xi32>], vector<16xf32>,
            %parallel_loop3A_482 = arith.constant 6 : i32
            %parallel_loop3A_483 = vector.broadcast %parallel_loop3A_482 : i32 to vector<16xi32>
            %parallel_loop3A_484 = arith.addi %parallel_loop3A_292, %parallel_loop3A_483 : vector<16xi32>
            %parallel_loop3A_485 = tpu.vector_load_idx %arg7[%parallel_loop3A_484] : memref<49152xf32, #tpu.memory_space<vmem>>[vector<16xi32>], vector<16xf32>,
            %parallel_loop3A_486 = arith.constant 6 : i32
            %parallel_loop3A_487 = vector.broadcast %parallel_loop3A_486 : i32 to vector<16xi32>
            %parallel_loop3A_488 = arith.addi %parallel_loop3A_295, %parallel_loop3A_487 : vector<16xi32>
            %parallel_loop3A_489 = tpu.vector_load_idx %arg7[%parallel_loop3A_488] : memref<49152xf32, #tpu.memory_space<vmem>>[vector<16xi32>], vector<16xf32>,
            %parallel_loop3A_490 = arith.constant 6 : i32
            %parallel_loop3A_491 = vector.broadcast %parallel_loop3A_490 : i32 to vector<16xi32>
            %parallel_loop3A_492 = arith.addi %parallel_loop3A_298, %parallel_loop3A_491 : vector<16xi32>
            %parallel_loop3A_493 = tpu.vector_load_idx %arg7[%parallel_loop3A_492] : memref<49152xf32, #tpu.memory_space<vmem>>[vector<16xi32>], vector<16xf32>,
            %parallel_loop3A_494 = arith.subf %parallel_loop3A_485, %parallel_loop3A_481 : vector<16xf32>
            %parallel_loop3A_495 = arith.mulf %parallel_loop3A_274, %parallel_loop3A_494 : vector<16xf32>
            %parallel_loop3A_496 = arith.addf %parallel_loop3A_481, %parallel_loop3A_495 : vector<16xf32>
            %parallel_loop3A_497 = arith.mulf %sub3A_246, %parallel_loop3A_496 : vector<16xf32>
            %parallel_loop3A_498 = arith.subf %parallel_loop3A_493, %parallel_loop3A_489 : vector<16xf32>
            %parallel_loop3A_499 = arith.mulf %parallel_loop3A_274, %parallel_loop3A_498 : vector<16xf32>
            %parallel_loop3A_500 = arith.addf %parallel_loop3A_489, %parallel_loop3A_499 : vector<16xf32>
            %parallel_loop3A_501 = arith.mulf %sub3A_243, %parallel_loop3A_500 : vector<16xf32>
            %parallel_loop3A_502 = arith.addf %parallel_loop3A_497, %parallel_loop3A_501 : vector<16xf32>
            %parallel_loop3A_503 = arith.mulf %parallel_loop3A_502, %parallel_loop3A_315 : vector<16xf32>
            %parallel_loop3A_504 = arith.addf %parallel_loop3A_477, %parallel_loop3A_503 : vector<16xf32>
            %parallel_loop3A_505 = arith.constant 7 : i32
            %parallel_loop3A_506 = vector.broadcast %parallel_loop3A_505 : i32 to vector<16xi32>
            %parallel_loop3A_507 = arith.addi %parallel_loop3A_288, %parallel_loop3A_506 : vector<16xi32>
            %parallel_loop3A_508 = tpu.vector_load_idx %arg7[%parallel_loop3A_507] : memref<49152xf32, #tpu.memory_space<vmem>>[vector<16xi32>], vector<16xf32>,
            %parallel_loop3A_509 = arith.constant 7 : i32
            %parallel_loop3A_510 = vector.broadcast %parallel_loop3A_509 : i32 to vector<16xi32>
            %parallel_loop3A_511 = arith.addi %parallel_loop3A_292, %parallel_loop3A_510 : vector<16xi32>
            %parallel_loop3A_512 = tpu.vector_load_idx %arg7[%parallel_loop3A_511] : memref<49152xf32, #tpu.memory_space<vmem>>[vector<16xi32>], vector<16xf32>,
            %parallel_loop3A_513 = arith.constant 7 : i32
            %parallel_loop3A_514 = vector.broadcast %parallel_loop3A_513 : i32 to vector<16xi32>
            %parallel_loop3A_515 = arith.addi %parallel_loop3A_295, %parallel_loop3A_514 : vector<16xi32>
            %parallel_loop3A_516 = tpu.vector_load_idx %arg7[%parallel_loop3A_515] : memref<49152xf32, #tpu.memory_space<vmem>>[vector<16xi32>], vector<16xf32>,
            %parallel_loop3A_517 = arith.constant 7 : i32
            %parallel_loop3A_518 = vector.broadcast %parallel_loop3A_517 : i32 to vector<16xi32>
            %parallel_loop3A_519 = arith.addi %parallel_loop3A_298, %parallel_loop3A_518 : vector<16xi32>
            %parallel_loop3A_520 = tpu.vector_load_idx %arg7[%parallel_loop3A_519] : memref<49152xf32, #tpu.memory_space<vmem>>[vector<16xi32>], vector<16xf32>,
            %parallel_loop3A_521 = arith.subf %parallel_loop3A_512, %parallel_loop3A_508 : vector<16xf32>
            %parallel_loop3A_522 = arith.mulf %parallel_loop3A_274, %parallel_loop3A_521 : vector<16xf32>
            %parallel_loop3A_523 = arith.addf %parallel_loop3A_508, %parallel_loop3A_522 : vector<16xf32>
            %parallel_loop3A_524 = arith.mulf %sub3A_246, %parallel_loop3A_523 : vector<16xf32>
            %parallel_loop3A_525 = arith.subf %parallel_loop3A_520, %parallel_loop3A_516 : vector<16xf32>
            %parallel_loop3A_526 = arith.mulf %parallel_loop3A_274, %parallel_loop3A_525 : vector<16xf32>
            %parallel_loop3A_527 = arith.addf %parallel_loop3A_516, %parallel_loop3A_526 : vector<16xf32>
            %parallel_loop3A_528 = arith.mulf %sub3A_243, %parallel_loop3A_527 : vector<16xf32>
            %parallel_loop3A_529 = arith.addf %parallel_loop3A_524, %parallel_loop3A_528 : vector<16xf32>
            %parallel_loop3A_530 = arith.addf %parallel_loop3A_504, %parallel_loop3A_529 : vector<16xf32>
            %parallel_loop3A_531 = arith.constant 1 : i32
            %parallel_loop3A_532 = vector.broadcast %parallel_loop3A_531 : i32 to vector<16xi32>
            %parallel_loop3A_533 = arith.addi %parallel_loop3A_303, %parallel_loop3A_532 : vector<16xi32>
            tpu.vector_store_idx %arg10[%broadcast_in_dim3A_249, %parallel_loop3A_533], %parallel_loop3A_530 : memref<16x1536xf32, #tpu.memory_space<vmem>>[vector<16xi32>, vector<16xi32>], vector<16xf32>,
            %parallel_loop3A_534 = arith.constant 8 : i32
            %parallel_loop3A_535 = vector.broadcast %parallel_loop3A_534 : i32 to vector<16xi32>
            %parallel_loop3A_536 = arith.addi %parallel_loop3A_288, %parallel_loop3A_535 : vector<16xi32>
            %parallel_loop3A_537 = tpu.vector_load_idx %arg7[%parallel_loop3A_536] : memref<49152xf32, #tpu.memory_space<vmem>>[vector<16xi32>], vector<16xf32>,
            %parallel_loop3A_538 = arith.constant 8 : i32
            %parallel_loop3A_539 = vector.broadcast %parallel_loop3A_538 : i32 to vector<16xi32>
            %parallel_loop3A_540 = arith.addi %parallel_loop3A_292, %parallel_loop3A_539 : vector<16xi32>
            %parallel_loop3A_541 = tpu.vector_load_idx %arg7[%parallel_loop3A_540] : memref<49152xf32, #tpu.memory_space<vmem>>[vector<16xi32>], vector<16xf32>,
            %parallel_loop3A_542 = arith.constant 8 : i32
            %parallel_loop3A_543 = vector.broadcast %parallel_loop3A_542 : i32 to vector<16xi32>
            %parallel_loop3A_544 = arith.addi %parallel_loop3A_295, %parallel_loop3A_543 : vector<16xi32>
            %parallel_loop3A_545 = tpu.vector_load_idx %arg7[%parallel_loop3A_544] : memref<49152xf32, #tpu.memory_space<vmem>>[vector<16xi32>], vector<16xf32>,
            %parallel_loop3A_546 = arith.constant 8 : i32
            %parallel_loop3A_547 = vector.broadcast %parallel_loop3A_546 : i32 to vector<16xi32>
            %parallel_loop3A_548 = arith.addi %parallel_loop3A_298, %parallel_loop3A_547 : vector<16xi32>
            %parallel_loop3A_549 = tpu.vector_load_idx %arg7[%parallel_loop3A_548] : memref<49152xf32, #tpu.memory_space<vmem>>[vector<16xi32>], vector<16xf32>,
            %parallel_loop3A_550 = arith.subf %parallel_loop3A_541, %parallel_loop3A_537 : vector<16xf32>
            %parallel_loop3A_551 = arith.mulf %parallel_loop3A_274, %parallel_loop3A_550 : vector<16xf32>
            %parallel_loop3A_552 = arith.addf %parallel_loop3A_537, %parallel_loop3A_551 : vector<16xf32>
            %parallel_loop3A_553 = arith.mulf %sub3A_246, %parallel_loop3A_552 : vector<16xf32>
            %parallel_loop3A_554 = arith.subf %parallel_loop3A_549, %parallel_loop3A_545 : vector<16xf32>
            %parallel_loop3A_555 = arith.mulf %parallel_loop3A_274, %parallel_loop3A_554 : vector<16xf32>
            %parallel_loop3A_556 = arith.addf %parallel_loop3A_545, %parallel_loop3A_555 : vector<16xf32>
            %parallel_loop3A_557 = arith.mulf %sub3A_243, %parallel_loop3A_556 : vector<16xf32>
            %parallel_loop3A_558 = arith.addf %parallel_loop3A_553, %parallel_loop3A_557 : vector<16xf32>
            %parallel_loop3A_559 = arith.mulf %parallel_loop3A_558, %parallel_loop3A_307 : vector<16xf32>
            %parallel_loop3A_560 = arith.constant 9 : i32
            %parallel_loop3A_561 = vector.broadcast %parallel_loop3A_560 : i32 to vector<16xi32>
            %parallel_loop3A_562 = arith.addi %parallel_loop3A_288, %parallel_loop3A_561 : vector<16xi32>
            %parallel_loop3A_563 = tpu.vector_load_idx %arg7[%parallel_loop3A_562] : memref<49152xf32, #tpu.memory_space<vmem>>[vector<16xi32>], vector<16xf32>,
            %parallel_loop3A_564 = arith.constant 9 : i32
            %parallel_loop3A_565 = vector.broadcast %parallel_loop3A_564 : i32 to vector<16xi32>
            %parallel_loop3A_566 = arith.addi %parallel_loop3A_292, %parallel_loop3A_565 : vector<16xi32>
            %parallel_loop3A_567 = tpu.vector_load_idx %arg7[%parallel_loop3A_566] : memref<49152xf32, #tpu.memory_space<vmem>>[vector<16xi32>], vector<16xf32>,
            %parallel_loop3A_568 = arith.constant 9 : i32
            %parallel_loop3A_569 = vector.broadcast %parallel_loop3A_568 : i32 to vector<16xi32>
            %parallel_loop3A_570 = arith.addi %parallel_loop3A_295, %parallel_loop3A_569 : vector<16xi32>
            %parallel_loop3A_571 = tpu.vector_load_idx %arg7[%parallel_loop3A_570] : memref<49152xf32, #tpu.memory_space<vmem>>[vector<16xi32>], vector<16xf32>,
            %parallel_loop3A_572 = arith.constant 9 : i32
            %parallel_loop3A_573 = vector.broadcast %parallel_loop3A_572 : i32 to vector<16xi32>
            %parallel_loop3A_574 = arith.addi %parallel_loop3A_298, %parallel_loop3A_573 : vector<16xi32>
            %parallel_loop3A_575 = tpu.vector_load_idx %arg7[%parallel_loop3A_574] : memref<49152xf32, #tpu.memory_space<vmem>>[vector<16xi32>], vector<16xf32>,
            %parallel_loop3A_576 = arith.subf %parallel_loop3A_567, %parallel_loop3A_563 : vector<16xf32>
            %parallel_loop3A_577 = arith.mulf %parallel_loop3A_274, %parallel_loop3A_576 : vector<16xf32>
            %parallel_loop3A_578 = arith.addf %parallel_loop3A_563, %parallel_loop3A_577 : vector<16xf32>
            %parallel_loop3A_579 = arith.mulf %sub3A_246, %parallel_loop3A_578 : vector<16xf32>
            %parallel_loop3A_580 = arith.subf %parallel_loop3A_575, %parallel_loop3A_571 : vector<16xf32>
            %parallel_loop3A_581 = arith.mulf %parallel_loop3A_274, %parallel_loop3A_580 : vector<16xf32>
            %parallel_loop3A_582 = arith.addf %parallel_loop3A_571, %parallel_loop3A_581 : vector<16xf32>
            %parallel_loop3A_583 = arith.mulf %sub3A_243, %parallel_loop3A_582 : vector<16xf32>
            %parallel_loop3A_584 = arith.addf %parallel_loop3A_579, %parallel_loop3A_583 : vector<16xf32>
            %parallel_loop3A_585 = arith.mulf %parallel_loop3A_584, %parallel_loop3A_311 : vector<16xf32>
            %parallel_loop3A_586 = arith.addf %parallel_loop3A_559, %parallel_loop3A_585 : vector<16xf32>
            %parallel_loop3A_587 = arith.constant 10 : i32
            %parallel_loop3A_588 = vector.broadcast %parallel_loop3A_587 : i32 to vector<16xi32>
            %parallel_loop3A_589 = arith.addi %parallel_loop3A_288, %parallel_loop3A_588 : vector<16xi32>
            %parallel_loop3A_590 = tpu.vector_load_idx %arg7[%parallel_loop3A_589] : memref<49152xf32, #tpu.memory_space<vmem>>[vector<16xi32>], vector<16xf32>,
            %parallel_loop3A_591 = arith.constant 10 : i32
            %parallel_loop3A_592 = vector.broadcast %parallel_loop3A_591 : i32 to vector<16xi32>
            %parallel_loop3A_593 = arith.addi %parallel_loop3A_292, %parallel_loop3A_592 : vector<16xi32>
            %parallel_loop3A_594 = tpu.vector_load_idx %arg7[%parallel_loop3A_593] : memref<49152xf32, #tpu.memory_space<vmem>>[vector<16xi32>], vector<16xf32>,
            %parallel_loop3A_595 = arith.constant 10 : i32
            %parallel_loop3A_596 = vector.broadcast %parallel_loop3A_595 : i32 to vector<16xi32>
            %parallel_loop3A_597 = arith.addi %parallel_loop3A_295, %parallel_loop3A_596 : vector<16xi32>
            %parallel_loop3A_598 = tpu.vector_load_idx %arg7[%parallel_loop3A_597] : memref<49152xf32, #tpu.memory_space<vmem>>[vector<16xi32>], vector<16xf32>,
            %parallel_loop3A_599 = arith.constant 10 : i32
            %parallel_loop3A_600 = vector.broadcast %parallel_loop3A_599 : i32 to vector<16xi32>
            %parallel_loop3A_601 = arith.addi %parallel_loop3A_298, %parallel_loop3A_600 : vector<16xi32>
            %parallel_loop3A_602 = tpu.vector_load_idx %arg7[%parallel_loop3A_601] : memref<49152xf32, #tpu.memory_space<vmem>>[vector<16xi32>], vector<16xf32>,
            %parallel_loop3A_603 = arith.subf %parallel_loop3A_594, %parallel_loop3A_590 : vector<16xf32>
            %parallel_loop3A_604 = arith.mulf %parallel_loop3A_274, %parallel_loop3A_603 : vector<16xf32>
            %parallel_loop3A_605 = arith.addf %parallel_loop3A_590, %parallel_loop3A_604 : vector<16xf32>
            %parallel_loop3A_606 = arith.mulf %sub3A_246, %parallel_loop3A_605 : vector<16xf32>
            %parallel_loop3A_607 = arith.subf %parallel_loop3A_602, %parallel_loop3A_598 : vector<16xf32>
            %parallel_loop3A_608 = arith.mulf %parallel_loop3A_274, %parallel_loop3A_607 : vector<16xf32>
            %parallel_loop3A_609 = arith.addf %parallel_loop3A_598, %parallel_loop3A_608 : vector<16xf32>
            %parallel_loop3A_610 = arith.mulf %sub3A_243, %parallel_loop3A_609 : vector<16xf32>
            %parallel_loop3A_611 = arith.addf %parallel_loop3A_606, %parallel_loop3A_610 : vector<16xf32>
            %parallel_loop3A_612 = arith.mulf %parallel_loop3A_611, %parallel_loop3A_315 : vector<16xf32>
            %parallel_loop3A_613 = arith.addf %parallel_loop3A_586, %parallel_loop3A_612 : vector<16xf32>
            %parallel_loop3A_614 = arith.constant 11 : i32
            %parallel_loop3A_615 = vector.broadcast %parallel_loop3A_614 : i32 to vector<16xi32>
            %parallel_loop3A_616 = arith.addi %parallel_loop3A_288, %parallel_loop3A_615 : vector<16xi32>
            %parallel_loop3A_617 = tpu.vector_load_idx %arg7[%parallel_loop3A_616] : memref<49152xf32, #tpu.memory_space<vmem>>[vector<16xi32>], vector<16xf32>,
            %parallel_loop3A_618 = arith.constant 11 : i32
            %parallel_loop3A_619 = vector.broadcast %parallel_loop3A_618 : i32 to vector<16xi32>
            %parallel_loop3A_620 = arith.addi %parallel_loop3A_292, %parallel_loop3A_619 : vector<16xi32>
            %parallel_loop3A_621 = tpu.vector_load_idx %arg7[%parallel_loop3A_620] : memref<49152xf32, #tpu.memory_space<vmem>>[vector<16xi32>], vector<16xf32>,
            %parallel_loop3A_622 = arith.constant 11 : i32
            %parallel_loop3A_623 = vector.broadcast %parallel_loop3A_622 : i32 to vector<16xi32>
            %parallel_loop3A_624 = arith.addi %parallel_loop3A_295, %parallel_loop3A_623 : vector<16xi32>
            %parallel_loop3A_625 = tpu.vector_load_idx %arg7[%parallel_loop3A_624] : memref<49152xf32, #tpu.memory_space<vmem>>[vector<16xi32>], vector<16xf32>,
            %parallel_loop3A_626 = arith.constant 11 : i32
            %parallel_loop3A_627 = vector.broadcast %parallel_loop3A_626 : i32 to vector<16xi32>
            %parallel_loop3A_628 = arith.addi %parallel_loop3A_298, %parallel_loop3A_627 : vector<16xi32>
            %parallel_loop3A_629 = tpu.vector_load_idx %arg7[%parallel_loop3A_628] : memref<49152xf32, #tpu.memory_space<vmem>>[vector<16xi32>], vector<16xf32>,
            %parallel_loop3A_630 = arith.subf %parallel_loop3A_621, %parallel_loop3A_617 : vector<16xf32>
            %parallel_loop3A_631 = arith.mulf %parallel_loop3A_274, %parallel_loop3A_630 : vector<16xf32>
            %parallel_loop3A_632 = arith.addf %parallel_loop3A_617, %parallel_loop3A_631 : vector<16xf32>
            %parallel_loop3A_633 = arith.mulf %sub3A_246, %parallel_loop3A_632 : vector<16xf32>
            %parallel_loop3A_634 = arith.subf %parallel_loop3A_629, %parallel_loop3A_625 : vector<16xf32>
            %parallel_loop3A_635 = arith.mulf %parallel_loop3A_274, %parallel_loop3A_634 : vector<16xf32>
            %parallel_loop3A_636 = arith.addf %parallel_loop3A_625, %parallel_loop3A_635 : vector<16xf32>
            %parallel_loop3A_637 = arith.mulf %sub3A_243, %parallel_loop3A_636 : vector<16xf32>
            %parallel_loop3A_638 = arith.addf %parallel_loop3A_633, %parallel_loop3A_637 : vector<16xf32>
            %parallel_loop3A_639 = arith.addf %parallel_loop3A_613, %parallel_loop3A_638 : vector<16xf32>
            %parallel_loop3A_640 = arith.constant 2 : i32
            %parallel_loop3A_641 = vector.broadcast %parallel_loop3A_640 : i32 to vector<16xi32>
            %parallel_loop3A_642 = arith.addi %parallel_loop3A_303, %parallel_loop3A_641 : vector<16xi32>
            tpu.vector_store_idx %arg10[%broadcast_in_dim3A_249, %parallel_loop3A_642], %parallel_loop3A_639 : memref<16x1536xf32, #tpu.memory_space<vmem>>[vector<16xi32>, vector<16xi32>], vector<16xf32>,
          } {sc.loop_unroll_factor = 2 : i64, sc.parallel_access}
          %scan3A_252 = arith.constant 0 : i32
          scf.yield %scan3A_252 : i32
        }
        %scan3A_221 = arith.constant 16 : i32
        %scan3A_222 = arith.constant 0 : i32
        scf.yield %scan3A_222 : i32
      }
      %scan3A_202 = arith.constant 2 : i32
      "tpu.region"() ({
        %run_scoped3A = tpu.sem_alloc : memref<!tpu.dma_semaphore, #tpu.memory_space<semaphore_mem>>
        %dma_start3A_204 = arith.constant 0 : i32
        %dma_start3A_205 = tpu.memref_slice %arg5[%select_n3A, %add3A_49, %dma_start3A_204] : memref<8x512x1536xf32, #tpu.memory_space<hbm>> -> memref<1x16x1536xf32, #tpu.memory_space<hbm>>
        %dma_start3A_206 = tpu.memref_squeeze %dma_start3A_205 : memref<1x16x1536xf32, #tpu.memory_space<hbm>> -> memref<16x1536xf32, #tpu.memory_space<hbm>>
        %dma_start3A_207 = arith.constant 0 : i32
        %dma_start3A_208 = tpu.memref_slice %arg5[%select_n3A, %add3A_49, %dma_start3A_207] : memref<8x512x1536xf32, #tpu.memory_space<hbm>> -> memref<1x16x1536xf32, #tpu.memory_space<hbm>>
        %dma_start3A_209 = tpu.memref_squeeze %dma_start3A_208 : memref<1x16x1536xf32, #tpu.memory_space<hbm>> -> memref<16x1536xf32, #tpu.memory_space<hbm>>
        tpu.enqueue_dma source(%arg10 : memref<16x1536xf32, #tpu.memory_space<vmem>>) target(%dma_start3A_209 : memref<16x1536xf32, #tpu.memory_space<hbm>>) target_semaphore(%run_scoped3A : memref<!tpu.dma_semaphore, #tpu.memory_space<semaphore_mem>>)
        %dma_wait3A_210 = arith.constant 0 : i32
        %dma_wait3A_211 = tpu.memref_slice %arg5[%select_n3A, %add3A_49, %dma_wait3A_210] : memref<8x512x1536xf32, #tpu.memory_space<hbm>> -> memref<1x16x1536xf32, #tpu.memory_space<hbm>>
        %dma_wait3A_212 = tpu.memref_squeeze %dma_wait3A_211 : memref<1x16x1536xf32, #tpu.memory_space<hbm>> -> memref<16x1536xf32, #tpu.memory_space<hbm>>
        %dma_wait3A_213 = arith.constant 0 : i32
        %dma_wait3A_214 = tpu.memref_slice %arg5[%select_n3A, %add3A_49, %dma_wait3A_213] : memref<8x512x1536xf32, #tpu.memory_space<hbm>> -> memref<1x16x1536xf32, #tpu.memory_space<hbm>>
        %dma_wait3A_215 = tpu.memref_squeeze %dma_wait3A_214 : memref<1x16x1536xf32, #tpu.memory_space<hbm>> -> memref<16x1536xf32, #tpu.memory_space<hbm>>
        tpu.wait_dma2 semaphore(%run_scoped3A : memref<!tpu.dma_semaphore, #tpu.memory_space<semaphore_mem>>) src(%arg10 : memref<16x1536xf32, #tpu.memory_space<vmem>>) dst(%dma_wait3A_215 : memref<16x1536xf32, #tpu.memory_space<hbm>>)
        tpu.yield
      }) : () -> ()
      %scan3A_203 = arith.constant 0 : i32
      scf.yield %scan3A_203 : i32
    }
    %scan3A_44 = arith.constant 8 : i32
    return
  }
}

</mosaic_0001>

<sc_bundles>
// kernel: _run.3.cloned.1.call-start
scs
__scs_entry_jumppad:
0x0: {  	(pc) =	sbr.rel $0x88, $3  }
0x1: {  	(tag) =	ssettag $0x0;
	lr =	simm.s32 $0x1  }
0x2: {  	[smem:$0x3F9E] =	sst lr;
	_ =	strace $0xD0000000  }
0x3: {  	_ = 	snop  }
0x4: {  	_ = 	snop  }
0x5: {  	_ = 	snop  }
0x6: {  	_ = 	snop  }
0x7: {  	_ = 	snop  }
__scs_overlays_trampoline_lowered:
0x8: {  	[smem:$0x3FAD] =	sst s0  }
0x9: {  	[smem:$0x3FAE] =	sst s1  }
0xa: {  	[smem:$0x3FAF] =	sst s2  }
0xb: {  	[smem:$0x3FB0] =	sst s3  }
0xc: {  	[smem:$0x3FB1] =	sst s4  }
0xd: {  	[smem:$0x3FB2] =	sst s5  }
0xe: {  	[smem:$0x3FB3] =	sst s6  }
0xf: {  	[smem:$0x3FB4] =	sst s7  }
0x10: {  	[smem:$0x3FB5] =	sst s8  }
0x11: {  	[smem:$0x3FB6] =	sst s9;
	s0 =	simm.s32 @!p0 $0x0  }
0x12: {  	s1 =	sld [smem:$0x3F9C];
	s0 =	simm.s32 @p0 $0x1  }
0x13: {  	[smem:$0x3FB7] =	sst s0;
	s0 =	simm.s32 @!p1 $0x0  }
0x14: {  	s2 =	sld [smem:$0x3F9B];
	s0 =	simm.s32 @p1 $0x1  }
0x15: {  	[smem:$0x3FB8] =	sst s0;
	s0 =	simm.s32 @!p2 $0x0  }
0x16: {  	s3 =	sld [smem:$0x3FDB];
	s0 =	simm.s32 @p2 $0x1  }
0x17: {  	s4 =	simm.s32 $0x1BF5;
	[smem:$0x3FBA] =	sst s0  }
0x18: {  	s0 =	sld [smem:$0x3F9D];
	_ =	swait.ge [sflag:s4], $0x0  }
0x19: {  	s7 =	sld [smem:$0x3F9E]  }
0x1a: {  	s8 =	sadd.s32 $0xFFFFE003, lr  }
0x1b: {  	s9 =	sadd.s32 $0xFFFFFEF7, lr;
	s5 =	simm.s32 $0xFFFFFFFF;
	p2 =	slt.u32 s8, $0xFFFFF086  }
0x1c: {  	p1 =	slt.u32 s9, $0xF7A;
	s5 =	simm.s32 @!p2 $0x0  }
0x1d: {  	s5 =	simm.s32 @p1 $0x1;
	p0 =	seq.s32 s7, s2  }
0x1e: {  	s7 =	smul.u32 @!p0 $0xF7A, s2;
	p2 =	seq.s32 @!p0 s5, $0x0  }
0x1f: {  	s9 =	smul.u32 $0xF7A, s1;
	s8 =	simm.s32 @!p0 $0x1BF5;
	p2 =	por !p2, p0  }
0x20: {  	[sflag:s8] =	ssyncset.s32 @!p0 $0xFFFFF086;
	s6 =	sadd.s32 @!p0 s3, s7;
	s7 =	simm.s32 @!p0 $0x108  }
0x21: {  	s3 =	sadd.s32 s3, s9;
	s6 =	sadd.s32 @!p0 $0x88, s6;
	s7 =	simm.s32 @p2 $0x1082  }
0x22: {  	[simem:s7], [sflag:s8] =	dma.local @!p0 [hbm:s6], $0xF7A  }
0x23: {  	s9 =	sor.u32 $0xD0000000, s2;
	s6 =	simm.s32 $0x108;
	_ =	swait.ge @!p0 [sflag:s8], $0x0  }
0x24: {  	s3 =	sadd.s32 $0x88, s3;
	s6 =	simm.s32 @!p1 $0x1082;
	[sflag:s4] =	ssyncset.s32 $0xFFFFF086  }
0x25: {  	[simem:s6], [sflag:s4] =	dma.local [hbm:s3], $0xF7A  }
0x26: {  	[smem:$0x3F9E] =	sst s1;
	(tag) =	ssettag s2;
	_ =	strace s9  }
0x27: {  	s1 =	sld [smem:$0x3FAE]  }
0x28: {  	s2 =	sld [smem:$0x3FAF]  }
0x29: {  	s4 =	sld [smem:$0x3FB1]  }
0x2a: {  	p0 =	seq.s32 s5, $0x0;
	s5 =	sld [smem:$0x3FB2]  }
0x2b: {  	s6 =	sld [smem:$0x3FB3]  }
0x2c: {  	s7 =	sld [smem:$0x3FB4]  }
0x2d: {  	s3 =	simm.s32 $0x108;
	s8 =	sld [smem:$0x3FB5]  }
0x2e: {  	s3 =	simm.s32 @!p0 $0x1082;
	s9 =	sld [smem:$0x3FB6]  }
0x2f: {  	lr =	sadd.s32 s0, s3;
	s0 =	sld [smem:$0x3FAD]  }
0x30: {  	s3 =	sld [smem:$0x3FB0]  }
0x31: {  	[smem:$0x3FB9] =	sst s10  }
0x32: {  	s10 =	sld [smem:$0x3FB7];
	_ =	sdelay $0x3  }
0x33: {  	p0 =	seq.s32 s10, $0x1;
	s10 =	sld [smem:$0x3FB9];
	_ =	sdelay $0x3  }
0x34: {  	[smem:$0x3FB9] =	sst s10  }
0x35: {  	s10 =	sld [smem:$0x3FB8];
	_ =	sdelay $0x3  }
0x36: {  	p1 =	seq.s32 s10, $0x1;
	s10 =	sld [smem:$0x3FB9];
	_ =	sdelay $0x3  }
0x37: {  	[smem:$0x3FB9] =	sst s10  }
0x38: {  	s10 =	sld [smem:$0x3FBA]  }
0x39: {  	_ = 	snop;
	(pc) =	sbr.ind lr, $3  }
0x3a: {  	_ = 	snop  }
0x3b: {  	_ = 	snop  }
0x3c: {  	p2 =	seq.s32 s10, $0x1;
	s10 =	sld [smem:$0x3FB9]  }
0x3d: {  	_ =	shalt  }
0x3e: {  	_ =	shalt  }
0x3f: {  	_ =	shalt  }
0x40: {  	_ =	shalt  }
0x41: {  	_ =	shalt  }
0x42: {  	_ =	shalt  }
0x43: {  	_ =	shalt  }
0x44: {  	_ =	shalt  }
0x45: {  	_ =	shalt  }
0x46: {  	_ =	shalt  }
0x47: {  	_ =	shalt  }
0x48: {  	_ =	shalt  }
0x49: {  	_ =	shalt  }
0x4a: {  	_ =	shalt  }
0x4b: {  	_ =	shalt  }
0x4c: {  	_ =	shalt  }
0x4d: {  	_ =	shalt  }
0x4e: {  	_ =	shalt  }
0x4f: {  	_ =	shalt  }
0x50: {  	_ =	shalt  }
0x51: {  	_ =	shalt  }
0x52: {  	_ =	shalt  }
0x53: {  	_ =	shalt  }
0x54: {  	_ =	shalt  }
0x55: {  	_ =	shalt  }
0x56: {  	_ =	shalt  }
0x57: {  	_ =	shalt  }
0x58: {  	_ =	shalt  }
0x59: {  	_ =	shalt  }
0x5a: {  	_ =	shalt  }
0x5b: {  	_ =	shalt  }
0x5c: {  	_ =	shalt  }
0x5d: {  	_ =	shalt  }
0x5e: {  	_ =	shalt  }
0x5f: {  	_ =	shalt  }
0x60: {  	_ =	shalt  }
0x61: {  	_ =	shalt  }
0x62: {  	_ =	shalt  }
0x63: {  	_ =	shalt  }
0x64: {  	_ =	shalt  }
0x65: {  	_ =	shalt  }
0x66: {  	_ =	shalt  }
0x67: {  	_ =	shalt  }
0x68: {  	_ =	shalt  }
0x69: {  	_ =	shalt  }
0x6a: {  	_ =	shalt  }
0x6b: {  	_ =	shalt  }
0x6c: {  	_ =	shalt  }
0x6d: {  	_ =	shalt  }
0x6e: {  	_ =	shalt  }
0x6f: {  	_ =	shalt  }
0x70: {  	_ =	shalt  }
0x71: {  	_ =	shalt  }
0x72: {  	_ =	shalt  }
0x73: {  	_ =	shalt  }
0x74: {  	_ =	shalt  }
0x75: {  	_ =	shalt  }
0x76: {  	_ =	shalt  }
0x77: {  	_ =	shalt  }
0x78: {  	_ =	shalt  }
0x79: {  	_ =	shalt  }
0x7a: {  	_ =	shalt  }
0x7b: {  	_ =	shalt  }
0x7c: {  	_ =	shalt  }
0x7d: {  	_ =	shalt  }
0x7e: {  	_ =	shalt  }
0x7f: {  	_ =	shalt  }
0x80: {  	_ =	shalt  }
0x81: {  	_ =	shalt  }
0x82: {  	_ =	shalt  }
0x83: {  	_ =	shalt  }
0x84: {  	_ =	shalt  }
0x85: {  	_ =	shalt  }
0x86: {  	_ =	shalt  }
0x87: {  	_ =	shalt  }
.Lfunc_end0:
.L_simem_size_0:
called_computation_lowered:
.L_overlay_start_0:
0x88: {  	s2 =	sld [smem:$0x3FD9]  }
0x89: {  	s3 =	sld [smem:$0x3FFE];
	_ =	sdelay $0x1  }
0x8a: {  	s1 =	srdreg.scid  }
0x8b: {  	s0 =	sand.u32 $0x1, s1  }
0x8c: {  	s17 =	sshll.u32 s0, $0xA;
	s2 =	sadd.s32 s3, s2  }
0x8d: {  	s2 =	sadd.s32 s2, s17  }
0x8e: {  	[smem:$0x3FC5] =	sst s2  }
0x8f: {  	_ = 	snop  }
0x90: {  	s2 =	sld [smem:$0x3FD0];
	(tm) =	ssettm $0x1  }
0x91: {  	s18 =	sld [smem:$0x3FFB];
	_ =	sdelay $0x3  }
0x92: {  	_ =	strace s18  }
0x93: {  	s3 =	sld [smem:$0x3FFC];
	_ =	sdelay $0x3  }
0x94: {  	_ =	strace s3  }
0x95: {  	s3 =	sld [smem:$0x3FFD];
	_ =	sdelay $0x3  }
0x96: {  	_ =	strace s3  }
0x97: {  	_ =	strace $0x8FFFFFFF  }
0x98: {  	s19 =	sld [smem:$0x3FDB];
	_ =	sdelay $0x1  }
0x99: {  	s4 =	simm.s32 $_scs_section_size  }
0x9a: {  	s5 =	simm.s32 $_size__tile_overlayer_lowered;
	s6 =	simm.s32 $_tile_overlayer_lowered  }
0x9b: {  	s22 =	simm.s32 $0x1BFF;
	s21 =	sshll.u32 s6, $0x1;
	s3 =	sadd.s32 s4, s19  }
0x9c: {  	s7 =	simm.s32 $0x0;
	s20 =	sshll.u32 s5, $0x1;
	s5 =	sadd.s32 s21, s3  }
0x9d: {  	[timem:s7], [sflag:s22] =	dma.local [hbm:s5], s20  }
0x9e: {  	_ =	swait.ge [sflag:s22], s20  }
0x9f: {  	s4 =	ssub.s32 $0x0, s20;
	[sflag:s22] =	ssyncset.done $0x0  }
0xa0: {  	[sflag:s22] =	ssyncadd.s32 s4;
	_ =	sdelay $0x1  }
0xa1: {  	s23 =	simm.s32 $0x1B8B  }
0xa2: {  	_ =	swait.ge [sflag:s23], $0x1  }
0xa3: {  	[sflag:s23] =	ssyncset.done $0x0  }
0xa4: {  	s25 =	simm.s32 $0x1B8E;
	s24 =	sld [smem:$0x3FFE];
	[sflag:s23] =	ssyncadd.s32 $0xFFFFFFFF  }
0xa5: {  	s26 =	simm.s32 $execute0_lowered;
	[smem:$0x3FD2] =	sst s25  }
0xa6: {  	s5 =	sshll.u32 s26, $0x1;
	_ =	strace $0x80000046;
	[dreg:$0x1] =	wrdreg $0xFFFFFFFF  }
0xa7: {  	s28 =	simm.s32 $_size_execute0_lowered;
	s3 =	sadd.s32 s3, s5;
	[dreg:$0x0] =	wrdreg $0x0  }
0xa8: {  	s5 =	sshll.u32 s28, $0x1;
	[dreg:$0x2] =	wrdreg s3  }
0xa9: {  	[dreg:$0x3] =	wrdreg s5  }
0xaa: {  	[dreg:$0x4] =	wrdreg $0xC0  }
0xab: {  	_ =	task [dreg:s7], $0x5FFFF  }
0xac: {  	[dreg:$0x1] =	wrdreg $0xFFFFFFFF  }
0xad: {  	[dreg:$0x0] =	wrdreg $0x60  }
0xae: {  	[dreg:$0x2] =	wrdreg s24  }
0xaf: {  	[dreg:$0x3] =	wrdreg s2  }
0xb0: {  	[dreg:$0x4] =	wrdreg $0x9  }
0xb1: {  	_ =	task.clear_ibuf [dreg:s7], $0x5FFFF;
	_ =	strace $0x90000046  }
0xb2: {  	s29 =	simm.s32 $0x9;
	_ =	strace $0x80000048  }
0xb3: {  	_ =	swait.ge [sflag:s29], $0x1  }
0xb4: {  	[sflag:s29] =	ssyncadd.s32 $0xFFFFFFFF  }
0xb5: {  	_ =	strace $0x90000048  }
0xb6: {  	_ =	sfence  }
0xb7: {  	s30 =	sld [smem:$0x0];
	_ =	sdelay $0x2  }
0xb8: {  	s31 =	sshll.u32 s1, $0xD;
	s1 =	sshrl.u32 s1, $0x2  }
0xb9: {  	s3 =	sand.u32 $0x4000, s31;
	s1 =	sadd.s32 s1, s30  }
0xba: {  	s0 =	sor.u32 s3, s0;
	s1 =	sshll.u32 s1, $0x11  }
0xbb: {  	s0 =	sor.u32 s1, s0  }
0xbc: {  	s0 =	sadd.s32 $0x8F2B, s0  }
0xbd: {  	[sflag:s0] =	ssyncadd.remote.s32 $0x1  }
0xbe: {  	_ =	sfence.sel $0xFFFF  }
0xbf: {  	[dreg:$0x0] =	wrdreg $0xFFFFFFFF;
	(pc) =	sbr.abs _section_cstart, $3  }
0xc0: {  	[dreg:$0x1] =	wrdreg $0xFFFFFFFF  }
0xc1: {  	_ =	task.clear_ibuf [dreg:s7], $0x2FFFF;
	_ =	strace $0x9FFFFFFF  }
0xc2: {  	(tm) =	ssettm $0x7FFFFFFF  }
0xc3: {  	_ =	shalt  }
tec
execute0_lowered:
.L_overlay_start_1:
0x0: {  	(tag) =	ssettag $0x1  }
0x1: {  	s6 =	rddreg [dreg:$0x0]  }
0x2: {  	s1 =	rddreg [dreg:$0x1];
	s3 =	simm.s32 $0x0  }
0x3: {  	s2 =	stileid.u32;
	s5 =	srdreg.scid;
	v3 =	vlaneseq.u32;
	s12 =	simm.s32 $0x600  }
0x4: {  	v0 =	vimm.s32 $0x52741630;
	s13 =	simm.s32 $0xCC00;
	s14 =	simm.s32 $0xEC00;
	s15 =	simm.s32 $0x1;
	v61 =	vmul.u32 $0x3, v3  }
0x5: {  	v2 =	vimm.s32 $0x74163052;
	s16 =	simm.s32 $0xC00;
	s17 =	simm.s32 $0x14C00;
	[smem:$0x7FF] =	sst s3;
	v0 =	vunpack.c.l.s4.s8 v0  }
0x6: {  	v1 =	vimm.s32 $0x63052741;
	s18 =	simm.s32 $0x2;
	s19 =	simm.s32 $0x0;
	v2 =	vunpack.c.l.s4.s8 v2;
	_ =	strace $0x80000047;
	v4 =	vadd.s32 $0x2, v61;
	[tilespmem:$0x1FFC0] =	vst v61  }
0x7: {  	s4 =	sadd.s32 $0xC00, s6;
	s10 =	sshrl.u32 s2, $0x1;
	s5 =	sand.u32 $0x1, s5;
	v1 =	vunpack.c.l.s4.s8 v1;
	v0 =	vunpack.c.0.s8.s32 v0;
	v37 =	vadd.s32 $0x1, v61;
	[tilespmem:$0x1FFE0] =	vst v4  }
0x8: {  	s8 =	sshll.u32 s2, $0x1;
	s7 =	sshll.u32 s10, $0xF;
	s31 =	ssub.s32 $0x2, s5;
	v63 =	vunpack.c.0.s8.s32 v2;
	[tilespmem:$0x1FFF0] =	vst v37  }
0x9: {  	s8 =	sand.u32 $0x2, s8;
	s9 =	sadd.s32 s7, s6;
	s11 =	sshrl.u32 s31, $0x1;
	v62 =	vunpack.c.0.s8.s32 v1;
	[tilespmem:$0x1FF90] =	vst v0  }
0xa: {  	s8 =	sor.u32 s5, s8;
	s5 =	smul.u32 $0x6000, s10;
	s6 =	sadd.s32 $0x46C00, s6;
	[tilespmem:$0x1FFB0] =	vst v63;
	v63 =	vmul.u32 $0x60, v3  }
0xb: {  	s10 =	smul.u32 $0xC0000, s10;
	s11 =	ssub.s32 s31, s11;
	s7 =	sshll.u32 s8, $0x7;
	[tilespmem:$0x1FFA0] =	vst v62  }
0xc: {  	s9 =	sadd.s32 $0x6C00, s9;
	s8 =	sadd.s32 $0xFFFFFA00, s5;
	s11 =	smax.u32 s11, $0x1;
	[tilespmem:$0x1FFD0] =	vst v63  }
.LBB2_1:
0xd: {  	s20 =	simm.s32 $0x0  }
.LBB2_2:
0xe: {  	s21 =	sshll.u32 s20, $0x4  }
0xf: {  	s21 =	sadd.s32 s7, s21  }
0x10: {  	s22 =	sshrl.u32 s21, $0x4  }
0x11: {  	s22 =	sadd.s32 $0x1, s22  }
0x12: {  	s22 =	sshrl.u32 s22, $0x1  }
0x13: {  	s23 =	smax.u32 s22, $0x1  }
0x14: {  	s23 =	smin.u32 s23, $0x10  }
0x15: {  	s22 =	smin.u32 s22, $0xF;
	s23 =	smul.u32 $0x600, s23  }
0x16: {  	s22 =	smul.u32 $0x600, s22  }
0x17: {  	s23 =	sadd.s32 s23, s8  }
0x18: {  	s22 =	sadd.s32 s5, s22;
	s23 =	sshrl.u32 s23, $0x3  }
0x19: {  	s22 =	sshrl.u32 s22, $0x3;
	s24 =	sadd.s32 s4, s23;
	s23 =	simm.s32 $0x0  }
0x1a: {  	[tilespmem:s23], [sflag:$0x1] =	stream.linear.gather [hbm4b:s24+s23], $0x600, $0x38;
	[tilespmem:$0x1AC00] =	vst v63  }
0x1b: {  	s28 =	sshll.u32 s21, $0x6;
	s29 =	smul.u32 $0x600, s21;
	s22 =	sadd.s32 s4, s22  }
0x1c: {  	[tilespmem:s12], [sflag:$0x1] =	stream.linear.gather [hbm4b:s22+s23], $0x600, $0x38;
	[tilespmem:$0x1AC00] =	vst v63  }
0x1d: {  	s30 =	sadd.s32 s10, s29;
	s22 =	sadd.s32 s28, s9  }
0x1e: {  	[tilespmem:s13], [sflag:$0x1] =	stream.linear.gather [hbm4b:s22+s23], $0x2000, $0x38;
	[tilespmem:$0x1AC00] =	vst v63  }
0x1f: {  	s22 =	sshrl.u32 s30, $0x3  }
0x20: {  	s31 =	sadd.s32 s1, s22  }
0x21: {  	[tilespmem:s14], [sflag:$0x1] =	stream.linear.gather [hbm4b:s31+s23], $0x6000, $0x38;
	[tilespmem:$0x1AC00] =	vst v63  }
0x22: {  	_ =	swait.ge [sflag:s15], $0x600  }
0x23: {  	[sflag:s15] =	ssyncset.done $0x0  }
0x24: {  	[sflag:s15] =	ssyncadd.s32 $0xFFFFFA00  }
0x25: {  	_ =	swait.ge [sflag:s15], $0x600  }
0x26: {  	[sflag:s15] =	ssyncset.done $0x0  }
0x27: {  	[sflag:s15] =	ssyncadd.s32 $0xFFFFFA00  }
0x28: {  	_ =	swait.ge [sflag:s15], $0x2000  }
0x29: {  	[sflag:s15] =	ssyncset.done $0x0  }
0x2a: {  	[sflag:s15] =	ssyncadd.s32 $0xFFFFE000  }
0x2b: {  	_ =	swait.ge [sflag:s15], $0x6000  }
0x2c: {  	[sflag:s15] =	ssyncset.done $0x0  }
0x2d: {  	p1 =	por $0x1, $0x1;
	[sflag:s15] =	ssyncadd.s32 $0xFFFFA000  }
.LBB2_3:
0x2e: {  	s24 =	sshll.u32 s23, $0x8  }
0x2f: {  	s25 =	sadd.s32 $0x10, s24  }
0x30: {  	s25 =	sshrl.u32 s25, $0x5  }
0x31: {  	s26 =	sadd.s32 $0xFFFFFFFF, s25  }
0x32: {  	p0 =	por p1, p1;
	s28 =	scvt.s32.f32 s24;
	p1 =	sgt.s32 s26, $0x0  }
0x33: {  	s25 =	smin.u32 s25, $0xF;
	s30 =	scvt.s32.f32 s26;
	s26 =	simm.s32 @!p1 $0x0  }
0x34: {  	v0 =	vmov s28;
	s25 =	smul.u32 $0x180, s25;
	s26 =	smin.u32 s26, $0xF  }
0x35: {  	v0 =	vadd.f32 $5.000000000e-01, v0;
	s28 =	smul.u32 $0x180, s26  }
0x36: {  	s26 =	sshrl.u32 s25, $0x2  }
0x37: {  	v0 =	vmul.f32 $3.125000000e-02, v0;
	v2 =	vld [tilespmem:s26+$0x0];
	s29 =	sshrl.u32 s28, $0x2  }
0x38: {  	v3 =	vld [tilespmem:s29+$0x0]  }
0x39: {  	v0 =	vadd.f32 $-5.000000000e-01, v0  }
0x3a: {  	v1 =	vmov s30  }
0x3b: {  	v0 =	vsub.f32 v0, v1;
	_ =	sdelay $0x1  }
0x3c: {  	v1 =	vbroadcast v0, $0x0;
	v0 =	vsub.f32 v2, v3;
	_ =	sdelay $0x1  }
0x3d: {  	v0 =	vmul.f32 v0, v1;
	_ =	sdelay $0x1  }
0x3e: {  	v0 =	vadd.f32 v0, v3  }
0x3f: {  	s25 =	simm.s32 $0x0  }
0x40: {  	[tilespmem:s25+$0xC00] =	vst v0  }
0x41: {  	v0 =	vld [tilespmem:s29+$0x10]  }
0x42: {  	v2 =	vld [tilespmem:s26+$0x10];
	_ =	sdelay $0x4  }
0x43: {  	v2 =	vsub.f32 v2, v0;
	_ =	sdelay $0x1  }
0x44: {  	v2 =	vmul.f32 v2, v1;
	_ =	sdelay $0x1  }
0x45: {  	v0 =	vadd.f32 v2, v0;
	_ =	sdelay $0x1  }
0x46: {  	[tilespmem:s25+$0xC10] =	vst v0  }
0x47: {  	v0 =	vld [tilespmem:s29+$0x20]  }
0x48: {  	v2 =	vld [tilespmem:s26+$0x20];
	_ =	sdelay $0x4  }
0x49: {  	v2 =	vsub.f32 v2, v0;
	_ =	sdelay $0x1  }
0x4a: {  	v2 =	vmul.f32 v2, v1;
	_ =	sdelay $0x1  }
0x4b: {  	v0 =	vadd.f32 v2, v0;
	_ =	sdelay $0x1  }
0x4c: {  	[tilespmem:s25+$0xC20] =	vst v0  }
0x4d: {  	v0 =	vld [tilespmem:s29+$0x30]  }
0x4e: {  	v2 =	vld [tilespmem:s26+$0x30];
	_ =	sdelay $0x4  }
0x4f: {  	v2 =	vsub.f32 v2, v0;
	_ =	sdelay $0x1  }
0x50: {  	v2 =	vmul.f32 v2, v1;
	_ =	sdelay $0x1  }
0x51: {  	v0 =	vadd.f32 v2, v0;
	_ =	sdelay $0x1  }
0x52: {  	[tilespmem:s25+$0xC30] =	vst v0  }
0x53: {  	v0 =	vld [tilespmem:s29+$0x40]  }
0x54: {  	v2 =	vld [tilespmem:s26+$0x40];
	_ =	sdelay $0x4  }
0x55: {  	v2 =	vsub.f32 v2, v0;
	_ =	sdelay $0x1  }
0x56: {  	v2 =	vmul.f32 v2, v1;
	_ =	sdelay $0x1  }
0x57: {  	v0 =	vadd.f32 v2, v0;
	_ =	sdelay $0x1  }
0x58: {  	[tilespmem:s25+$0xC40] =	vst v0  }
0x59: {  	v0 =	vld [tilespmem:s29+$0x50]  }
0x5a: {  	v2 =	vld [tilespmem:s26+$0x50];
	_ =	sdelay $0x4  }
0x5b: {  	v2 =	vsub.f32 v2, v0;
	_ =	sdelay $0x1  }
0x5c: {  	v2 =	vmul.f32 v2, v1;
	_ =	sdelay $0x1  }
0x5d: {  	v0 =	vadd.f32 v2, v0;
	_ =	sdelay $0x1  }
0x5e: {  	[tilespmem:s25+$0xC50] =	vst v0  }
0x5f: {  	v0 =	vld [tilespmem:s29+$0x600]  }
0x60: {  	v2 =	vld [tilespmem:s26+$0x600];
	_ =	sdelay $0x4  }
0x61: {  	v2 =	vsub.f32 v2, v0;
	_ =	sdelay $0x1  }
0x62: {  	v2 =	vmul.f32 v2, v1;
	_ =	sdelay $0x1  }
0x63: {  	v0 =	vadd.f32 v2, v0;
	_ =	sdelay $0x1  }
0x64: {  	[tilespmem:s25+$0x6C00] =	vst v0  }
0x65: {  	v0 =	vld [tilespmem:s29+$0x610]  }
0x66: {  	v2 =	vld [tilespmem:s26+$0x610];
	_ =	sdelay $0x4  }
0x67: {  	v2 =	vsub.f32 v2, v0;
	_ =	sdelay $0x1  }
0x68: {  	v2 =	vmul.f32 v2, v1;
	_ =	sdelay $0x1  }
0x69: {  	v0 =	vadd.f32 v2, v0;
	_ =	sdelay $0x1  }
0x6a: {  	[tilespmem:s25+$0x6C10] =	vst v0  }
0x6b: {  	v0 =	vld [tilespmem:s29+$0x620]  }
0x6c: {  	v2 =	vld [tilespmem:s26+$0x620];
	_ =	sdelay $0x4  }
0x6d: {  	v2 =	vsub.f32 v2, v0;
	_ =	sdelay $0x1  }
0x6e: {  	v2 =	vmul.f32 v2, v1;
	_ =	sdelay $0x1  }
0x6f: {  	v0 =	vadd.f32 v2, v0;
	_ =	sdelay $0x1  }
0x70: {  	[tilespmem:s25+$0x6C20] =	vst v0  }
0x71: {  	v0 =	vld [tilespmem:s29+$0x630]  }
0x72: {  	v2 =	vld [tilespmem:s26+$0x630];
	_ =	sdelay $0x4  }
0x73: {  	v2 =	vsub.f32 v2, v0;
	_ =	sdelay $0x1  }
0x74: {  	v2 =	vmul.f32 v2, v1;
	_ =	sdelay $0x1  }
0x75: {  	v0 =	vadd.f32 v2, v0;
	_ =	sdelay $0x1  }
0x76: {  	[tilespmem:s25+$0x6C30] =	vst v0  }
0x77: {  	v0 =	vld [tilespmem:s29+$0x640]  }
0x78: {  	v2 =	vld [tilespmem:s26+$0x640];
	_ =	sdelay $0x4  }
0x79: {  	v2 =	vsub.f32 v2, v0;
	_ =	sdelay $0x1  }
0x7a: {  	v2 =	vmul.f32 v2, v1;
	_ =	sdelay $0x1  }
0x7b: {  	v0 =	vadd.f32 v2, v0;
	_ =	sdelay $0x1  }
0x7c: {  	[tilespmem:s25+$0x6C40] =	vst v0  }
0x7d: {  	s28 =	simm.s32 $0x180;
	v0 =	vld [tilespmem:s29+$0x650];
	s29 =	sadd.s32 $0x1, s24  }
.LBB2_4:
0x7e: {  	s30 =	scvt.s32.f32 s29  }
0x7f: {  	p1 =	seq.s32 s28, $0x17E80;
	v2 =	vld [tilespmem:s26+$0x650];
	s31 =	smov.u32 s28;
	s28 =	sadd.s32 $0x180, s28  }
0x80: {  	_ = 	snop  }
0x81: {  	v3 =	vmov s30  }
0x82: {  	v3 =	vadd.f32 $5.000000000e-01, v3  }
0x83: {  	s26 =	sadd.s32 $0x10, s29  }
0x84: {  	s26 =	sshrl.u32 s26, $0x5;
	v2 =	vsub.f32 v2, v0  }
0x85: {  	s30 =	sadd.s32 $0xFFFFFFFF, s26;
	s26 =	smin.u32 s26, $0xF;
	v3 =	vmul.f32 $3.125000000e-02, v3  }
0x86: {  	p2 =	sgt.s32 s30, $0x0;
	s0 =	scvt.s32.f32 s30;
	s26 =	smul.u32 $0x180, s26;
	v1 =	vmul.f32 v2, v1  }
0x87: {  	s30 =	simm.s32 @!p2 $0x0;
	v2 =	vadd.f32 $-5.000000000e-01, v3  }
0x88: {  	s30 =	smin.u32 s30, $0xF;
	v3 =	vmov s0;
	v0 =	vadd.f32 v1, v0  }
0x89: {  	s0 =	smul.u32 $0x180, s30;
	v1 =	vsub.f32 v2, v3  }
0x8a: {  	s26 =	sshrl.u32 s26, $0x2;
	[tilespmem:s25+$0x6C50] =	vst v0  }
0x8b: {  	s30 =	sshrl.u32 s0, $0x2;
	v0 =	vld [tilespmem:s26+$0x0]  }
0x8c: {  	v2 =	vld [tilespmem:s30+$0x0];
	_ =	sdelay $0x4  }
0x8d: {  	v1 =	vbroadcast v1, $0x0;
	v0 =	vsub.f32 v0, v2;
	_ =	sdelay $0x1  }
0x8e: {  	v0 =	vmul.f32 v0, v1;
	_ =	sdelay $0x1  }
0x8f: {  	v0 =	vadd.f32 v0, v2  }
0x90: {  	s25 =	sshra.s32 s31, $0x2  }
0x91: {  	[tilespmem:s25+$0xC00] =	vst v0  }
0x92: {  	v0 =	vld [tilespmem:s30+$0x10]  }
0x93: {  	v2 =	vld [tilespmem:s26+$0x10];
	_ =	sdelay $0x4  }
0x94: {  	v2 =	vsub.f32 v2, v0;
	_ =	sdelay $0x1  }
0x95: {  	v2 =	vmul.f32 v2, v1;
	_ =	sdelay $0x1  }
0x96: {  	v0 =	vadd.f32 v2, v0;
	_ =	sdelay $0x1  }
0x97: {  	[tilespmem:s25+$0xC10] =	vst v0  }
0x98: {  	v0 =	vld [tilespmem:s30+$0x20]  }
0x99: {  	v2 =	vld [tilespmem:s26+$0x20];
	_ =	sdelay $0x4  }
0x9a: {  	v2 =	vsub.f32 v2, v0;
	_ =	sdelay $0x1  }
0x9b: {  	v2 =	vmul.f32 v2, v1;
	_ =	sdelay $0x1  }
0x9c: {  	v0 =	vadd.f32 v2, v0;
	_ =	sdelay $0x1  }
0x9d: {  	[tilespmem:s25+$0xC20] =	vst v0  }
0x9e: {  	v0 =	vld [tilespmem:s30+$0x30]  }
0x9f: {  	v2 =	vld [tilespmem:s26+$0x30];
	_ =	sdelay $0x4  }
0xa0: {  	v2 =	vsub.f32 v2, v0;
	_ =	sdelay $0x1  }
0xa1: {  	v2 =	vmul.f32 v2, v1;
	_ =	sdelay $0x1  }
0xa2: {  	v0 =	vadd.f32 v2, v0;
	_ =	sdelay $0x1  }
0xa3: {  	[tilespmem:s25+$0xC30] =	vst v0  }
0xa4: {  	v0 =	vld [tilespmem:s30+$0x40]  }
0xa5: {  	v2 =	vld [tilespmem:s26+$0x40];
	_ =	sdelay $0x4  }
0xa6: {  	v2 =	vsub.f32 v2, v0;
	_ =	sdelay $0x1  }
0xa7: {  	v2 =	vmul.f32 v2, v1;
	_ =	sdelay $0x1  }
0xa8: {  	v0 =	vadd.f32 v2, v0;
	_ =	sdelay $0x1  }
0xa9: {  	[tilespmem:s25+$0xC40] =	vst v0  }
0xaa: {  	v0 =	vld [tilespmem:s30+$0x50]  }
0xab: {  	v2 =	vld [tilespmem:s26+$0x50];
	_ =	sdelay $0x4  }
0xac: {  	v2 =	vsub.f32 v2, v0;
	_ =	sdelay $0x1  }
0xad: {  	v2 =	vmul.f32 v2, v1;
	_ =	sdelay $0x1  }
0xae: {  	v0 =	vadd.f32 v2, v0;
	_ =	sdelay $0x1  }
0xaf: {  	[tilespmem:s25+$0xC50] =	vst v0  }
0xb0: {  	v0 =	vld [tilespmem:s30+$0x600]  }
0xb1: {  	v2 =	vld [tilespmem:s26+$0x600];
	_ =	sdelay $0x4  }
0xb2: {  	v2 =	vsub.f32 v2, v0;
	_ =	sdelay $0x1  }
0xb3: {  	v2 =	vmul.f32 v2, v1;
	_ =	sdelay $0x1  }
0xb4: {  	v0 =	vadd.f32 v2, v0;
	_ =	sdelay $0x1  }
0xb5: {  	[tilespmem:s25+$0x6C00] =	vst v0  }
0xb6: {  	v0 =	vld [tilespmem:s30+$0x610]  }
0xb7: {  	v2 =	vld [tilespmem:s26+$0x610];
	_ =	sdelay $0x4  }
0xb8: {  	v2 =	vsub.f32 v2, v0;
	_ =	sdelay $0x1  }
0xb9: {  	v2 =	vmul.f32 v2, v1;
	_ =	sdelay $0x1  }
0xba: {  	v0 =	vadd.f32 v2, v0;
	_ =	sdelay $0x1  }
0xbb: {  	[tilespmem:s25+$0x6C10] =	vst v0  }
0xbc: {  	v0 =	vld [tilespmem:s30+$0x620]  }
0xbd: {  	v2 =	vld [tilespmem:s26+$0x620];
	_ =	sdelay $0x4  }
0xbe: {  	v2 =	vsub.f32 v2, v0;
	_ =	sdelay $0x1  }
0xbf: {  	v2 =	vmul.f32 v2, v1;
	_ =	sdelay $0x1  }
0xc0: {  	v0 =	vadd.f32 v2, v0;
	_ =	sdelay $0x1  }
0xc1: {  	[tilespmem:s25+$0x6C20] =	vst v0  }
0xc2: {  	v0 =	vld [tilespmem:s30+$0x630]  }
0xc3: {  	v2 =	vld [tilespmem:s26+$0x630];
	_ =	sdelay $0x4  }
0xc4: {  	v2 =	vsub.f32 v2, v0;
	_ =	sdelay $0x1  }
0xc5: {  	v2 =	vmul.f32 v2, v1;
	_ =	sdelay $0x1  }
0xc6: {  	v0 =	vadd.f32 v2, v0;
	_ =	sdelay $0x1  }
0xc7: {  	[tilespmem:s25+$0x6C30] =	vst v0  }
0xc8: {  	v0 =	vld [tilespmem:s30+$0x640]  }
0xc9: {  	v2 =	vld [tilespmem:s26+$0x640];
	_ =	sdelay $0x4  }
0xca: {  	v2 =	vsub.f32 v2, v0;
	_ =	sdelay $0x1  }
0xcb: {  	v2 =	vmul.f32 v2, v1  }
.Ltmp0:
0xcc: {  	(pc) =	sbr.rel @!p1 .LBB2_4-.Ltmp0, $3  }
0xcd: {  	v0 =	vadd.f32 v2, v0;
	_ =	sdelay $0x1  }
0xce: {  	[tilespmem:s25+$0x6C40] =	vst v0  }
0xcf: {  	s29 =	sadd.s32 $0x1, s29;
	v0 =	vld [tilespmem:s30+$0x650]  }
0xd0: {  	v2 =	vld [tilespmem:s26+$0x650];
	_ =	sdelay $0x4  }
0xd1: {  	v2 =	vsub.f32 v2, v0;
	_ =	sdelay $0x1  }
0xd2: {  	v1 =	vmul.f32 v2, v1;
	_ =	sdelay $0x1  }
0xd3: {  	s30 =	smul.u32 $0x300, s23;
	v62 =	vadd.f32 v1, v0  }
0xd4: {  	s31 =	sand.u32 $0x3FFFFF00, s24  }
0xd5: {  	s23 =	sadd.s32 $0xCC10, s31;
	s24 =	sor.u32 $0x30, s30;
	[tilespmem:s25+$0x6C50] =	vst v62;
	s25 =	simm.s32 $0x0  }
.LBB2_6:
0xd6: {  	s0 =	sor.u32 s21, s25;
	v1 =	vld [tilespmem:s23+$0x0]  }
0xd7: {  	s0 =	scvt.s32.f32 s0;
	_ =	sdelay $0x1  }
0xd8: {  	v0 =	vmov s0  }
0xd9: {  	v0 =	vadd.f32 $5.000000000e-01, v0  }
0xda: {  	v1 =	vmul.f32 $8.000000000e+00, v1  }
0xdb: {  	v0 =	vmul.f32 $3.125000000e-02, v0  }
0xdc: {  	v1 =	vadd.f32 $-5.000000000e-01, v1  }
0xdd: {  	v0 =	vadd.f32 $-5.000000000e-01, v0  }
0xde: {  	v3 =	vld [tilespmem:s23+$0xFFFFFFF0];
	v1 =	vmax.f32 v1, $0.0e+00  }
0xdf: {  	v0 =	vbroadcast v0, $0x0;
	v6 =	vmin.f32 v1, $7.000000000e+00  }
0xe0: {  	v1 =	vtrunc.f32 v6  }
0xe1: {  	v2 =	vadd.f32 $1.000000000e+00, v0;
	v10 =	vcvt.f32.s32 v1;
	_ =	sdelay $0x1  }
0xe2: {  	s26 =	simm.s32 $0x600;
	v1 =	vmul.f32 $8.000000000e+00, v3;
	v2 =	vtrunc.f32 v2;
	v3 =	vmul.u32 $0xC, v10  }
0xe3: {  	v11 =	vadd.s32 s26, v63;
	v2 =	vcvt.f32.s32 v2  }
0xe4: {  	v4 =	vadd.f32 $-5.000000000e-01, v1;
	v1 =	vadd.s32 v11, v3  }
0xe5: {  	v2 =	vcvt.s32.f32 v2;
	v13 =	vadd.s32 $0x6001, v1;
	_ =	sdelay $0x1  }
0xe6: {  	v3 =	vand.u32 $0x4, v3;
	v8 =	vand.u32 $0xFFFFFFF8, v1;
	v2 =	vadd.f32 $-1.000000000e+00, v2  }
0xe7: {  	v12 =	vadd.s32 $0x6002, v1;
	v21 =	vor.u32 v3, v8  }
0xe8: {  	v7 =	vsub.f32 v0, v2;
	v2 =	vmax.f32 v4, $0.0e+00;
	v4 =	vadd.s32 $0x6003, v1  }
0xe9: {  	v3 =	vor.u32 $0x3, v21;
	v5 =	vmin.f32 v2, $7.000000000e+00;
	v2 =	vadd.s32 $0x1, v10;
	v18 =	vld.idx.msk [tilespmem:v13+s16+$0x0], $0xffff  }
0xea: {  	v0 =	vmov s25;
	v13 =	vld [tilespmem:$0x1FF90];
	v9 =	vtrunc.f32 v5;
	vm0 =	vlt.s32 v2, $0x7  }
0xeb: {  	v0 =	vmul.u32 $0x600, v0;
	v9 =	vcvt.f32.s32 v9;
	v2 =	vnsel vm0, $0x7, v2  }
0xec: {  	v62 =	vld [tilespmem:$0x1FFE0];
	v14 =	vmul.u32 $0xC, v2  }
0xed: {  	v15 =	vor.u32 $0x2, v21;
	v0 =	vbroadcast v0, $0x0;
	v16 =	vld.idx.msk [tilespmem:v4+s16+$0x0], $0xffff;
	v4 =	vadd.s32 $0x1, v9  }
0xee: {  	v17 =	vadd.s32 $0x6000, v21;
	v12 =	vld.idx.msk [tilespmem:v12+s16+$0x0], $0xffff;
	vm11 =	vlt.s32 v4, $0x7;
	v2 =	vadd.s32 v11, v14  }
0xef: {  	v24 =	vld.idx.msk [tilespmem:v3+s16+$0x0], $0xffff;
	v11 =	vor.u32 $0x1, v21;
	v56 =	vor.u32 v13, v0;
	v4 =	vnsel vm11, $0x7, v4  }
0xf0: {  	v13 =	vld [tilespmem:$0x1FFA0];
	v3 =	vand.u32 $0xFFFFFFF8, v2;
	v22 =	vmul.u32 $0xC, v4;
	v4 =	vand.u32 $0x4, v14  }
0xf1: {  	v20 =	vadd.s32 $0x6003, v2;
	v4 =	vor.u32 v4, v3;
	v3 =	vld [tilespmem:$0x1FFB0]  }
0xf2: {  	v19 =	vld.idx.msk [tilespmem:v21+s16+$0x0], $0xffff;
	v23 =	vadd.s32 $0x6002, v2  }
0xf3: {  	v26 =	vld.idx.msk [tilespmem:v15+s16+$0x0], $0xffff;
	v25 =	vadd.s32 $0x6001, v2  }
0xf4: {  	v51 =	vadd.s32 s24, v37;
	v8 =	vsub.f32 $1.000000000e+00, v7;
	v27 =	vld.idx.msk [tilespmem:v17+s16+$0x0], $0xffff;
	v15 =	vmul.u32 $0xC, v9  }
0xf5: {  	s31 =	simm.s32 $0x0;
	v17 =	vor.u32 $0x1, v4;
	v29 =	vor.u32 $0x3, v4;
	v57 =	vor.u32 v13, v0;
	v11 =	vld.idx.msk [tilespmem:v11+s16+$0x0], $0xffff  }
0xf6: {  	v13 =	vadd.s32 s31, v63;
	v20 =	vld.idx.msk [tilespmem:v20+s16+$0x0], $0xffff;
	v58 =	vor.u32 v3, v0;
	v3 =	vadd.s32 $0x6000, v4  }
0xf7: {  	v30 =	vor.u32 $0x2, v4;
	v14 =	vadd.s32 v13, v22;
	v13 =	vadd.s32 v13, v15;
	v23 =	vld.idx.msk [tilespmem:v23+s16+$0x0], $0xffff  }
0xf8: {  	v22 =	vand.u32 $0x4, v22;
	v15 =	vand.u32 $0x4, v15;
	v25 =	vld.idx.msk [tilespmem:v25+s16+$0x0], $0xffff;
	v0 =	vand.u32 $0xFFFFFFF8, v14  }
0xf9: {  	v28 =	vand.u32 $0xFFFFFFF8, v13;
	v33 =	vadd.s32 $0x6001, v14;
	v32 =	vld.idx.msk [tilespmem:v4+s16+$0x0], $0xffff;
	v0 =	vor.u32 v22, v0  }
0xfa: {  	v22 =	vor.u32 v15, v28;
	v17 =	vld.idx.msk [tilespmem:v17+s16+$0x0], $0xffff;
	v15 =	vadd.s32 s24, v62;
	v28 =	vadd.s32 $0x6000, v0  }
0xfb: {  	v31 =	vor.u32 $0x1, v0;
	v34 =	vadd.s32 $0x6000, v22;
	v15 =	vand.u32 $0x7FFFFFF8, v15;
	v36 =	vld.idx.msk [tilespmem:v3+s16+$0x0], $0xffff  }
0xfc: {  	v29 =	vld.idx.msk [tilespmem:v29+s16+$0x0], $0xffff;
	v15 =	vadd.s32 v58, v15;
	v23 =	vsub.f32 v23, v12;
	v3 =	vcvt.s32.f32 v10  }
0xfd: {  	v30 =	vld.idx.msk [tilespmem:v30+s16+$0x0], $0xffff;
	v20 =	vsub.f32 v20, v16;
	v25 =	vsub.f32 v25, v18;
	v10 =	vadd.s32 s24, v61  }
0xfe: {  	v32 =	vsub.f32 v32, v19;
	v10 =	vand.u32 $0x7FFFFFF8, v10;
	v3 =	vsub.f32 v6, v3  }
0xff: {  	v17 =	vsub.f32 v17, v11;
	v6 =	vand.u32 $0x7FFFFFF8, v51;
	v10 =	vadd.s32 v56, v10  }
0x100: {  	v6 =	vadd.s32 v57, v6;
	v20 =	vmul.f32 v20, v3;
	v36 =	vsub.f32 v36, v27  }
0x101: {  	[tilespmem:$0x1FE90] =	vst v58;
	v29 =	vsub.f32 v29, v24;
	v32 =	vmul.f32 v3, v32;
	v25 =	vmul.f32 v25, v3  }
0x102: {  	[tilespmem:$0x1FF00] =	vst v15;
	v30 =	vsub.f32 v30, v26;
	v53 =	vmul.f32 v17, v3;
	v36 =	vmul.f32 v36, v3  }
0x103: {  	[tilespmem:$0x1FE80] =	vst v57;
	v23 =	vmul.f32 v23, v3;
	v19 =	vadd.f32 v32, v19;
	v25 =	vadd.f32 v25, v18  }
0x104: {  	v30 =	vmul.f32 v30, v3;
	v11 =	vadd.f32 v53, v11;
	v17 =	vld.idx.msk [tilespmem:v10+s14+$0x0], $0xffff;
	v27 =	vadd.f32 v36, v27  }
0x105: {  	v12 =	vadd.f32 v23, v12;
	v18 =	vld.idx.msk [tilespmem:v6+s14+$0x0], $0xffff;
	v32 =	vmul.f32 v19, v8;
	v25 =	vmul.f32 v25, v7  }
0x106: {  	v26 =	vadd.f32 v30, v26;
	v11 =	vmul.f32 v11, v8;
	v27 =	vmul.f32 v27, v7  }
0x107: {  	v35 =	vor.u32 $0x1, v22;
	v29 =	vmul.f32 v29, v3;
	v19 =	vld.idx.msk [tilespmem:v15+s14+$0x0], $0xffff;
	v12 =	vmul.f32 v12, v7  }
0x108: {  	v11 =	vadd.f32 v25, v11;
	v25 =	vmul.f32 v26, v8;
	v27 =	vadd.f32 v27, v32  }
0x109: {  	v23 =	vld.idx.msk [tilespmem:v28+s16+$0x0], $0xffff;
	v28 =	vadd.s32 $0x6001, v13;
	v24 =	vadd.f32 v29, v24;
	v16 =	vadd.f32 v20, v16  }
0x10a: {  	v30 =	vld.idx.msk [tilespmem:v31+s16+$0x0], $0xffff;
	v12 =	vadd.f32 v12, v25;
	v11 =	vmul.f32 v11, v18;
	v20 =	vmul.f32 v27, v17  }
0x10b: {  	v31 =	vld.idx.msk [tilespmem:v0+s16+$0x0], $0xffff;
	v16 =	vmul.f32 v16, v7;
	v26 =	vor.u32 $0x2, v0  }
0x10c: {  	v29 =	vld.idx.msk [tilespmem:v33+s16+$0x0], $0xffff;
	v12 =	vmul.f32 v12, v19;
	v11 =	vadd.f32 v11, v20;
	v20 =	vmul.f32 v24, v8  }
0x10d: {  	v33 =	vld.idx.msk [tilespmem:v35+s16+$0x0], $0xffff;
	v25 =	vor.u32 $0x2, v22  }
0x10e: {  	v28 =	vld.idx.msk [tilespmem:v28+s16+$0x0], $0xffff;
	v11 =	vadd.f32 v12, v11;
	v12 =	vadd.f32 v16, v20;
	v16 =	vadd.s32 $0x7, v1  }
0x10f: {  	v32 =	vld.idx.msk [tilespmem:v34+s16+$0x0], $0xffff;
	v20 =	vadd.s32 $0x7, v2  }
0x110: {  	v54 =	vadd.s32 $0x6007, v2;
	v34 =	vld.idx.msk [tilespmem:v22+s16+$0x0], $0xffff;
	v11 =	vadd.f32 v12, v11  }
0x111: {  	v59 =	vadd.s32 $0x4, v1;
	v26 =	vld.idx.msk [tilespmem:v26+s16+$0x0], $0xffff  }
0x112: {  	v52 =	vadd.s32 $0x4, v2;
	v25 =	vld.idx.msk [tilespmem:v25+s16+$0x0], $0xffff;
	[tilespmem:v10+s17+$0x0] =	vst.idx.msk $0xffff, v11  }
0x113: {  	v42 =	vadd.s32 $0x6004, v2;
	v16 =	vld.idx.msk [tilespmem:v16+s16+$0x0], $0xffff  }
0x114: {  	v45 =	vadd.s32 $0x5, v1;
	v60 =	vld.idx.msk [tilespmem:v20+s16+$0x0], $0xffff  }
0x115: {  	v48 =	vadd.s32 $0x5, v2;
	v35 =	vld.idx.msk [tilespmem:v54+s16+$0x0], $0xffff  }
0x116: {  	v38 =	vmov v37;
	v12 =	vadd.s32 $0x6007, v1;
	v36 =	vld.idx.msk [tilespmem:v59+s16+$0x0], $0xffff  }
0x117: {  	v55 =	vmov v38;
	v49 =	vadd.s32 $0x6005, v1;
	v38 =	vld.idx.msk [tilespmem:v52+s16+$0x0], $0xffff  }
0x118: {  	s26 =	sadd.s32 $0xFFFFFFD0, s24;
	v51 =	vadd.s32 $0x6005, v2;
	v42 =	vld.idx.msk [tilespmem:v42+s16+$0x0], $0xffff  }
0x119: {  	v55 =	vadd.s32 s26, v55;
	v9 =	vcvt.s32.f32 v9;
	v10 =	vadd.s32 $0x6, v1;
	v45 =	vld.idx.msk [tilespmem:v45+s16+$0x0], $0xffff  }
0x11a: {  	v55 =	vand.u32 $0xFF8, v55;
	v41 =	vadd.s32 $0x6003, v14;
	v53 =	vadd.s32 $0x6006, v2;
	v48 =	vld.idx.msk [tilespmem:v48+s16+$0x0], $0xffff  }
0x11b: {  	v29 =	vsub.f32 v29, v28;
	v20 =	vsub.f32 v5, v9;
	v39 =	vld.idx.msk [tilespmem:v12+s16+$0x0], $0xffff;
	v12 =	vadd.s32 $0x6004, v1  }
0x11c: {  	v47 =	vadd.s32 $0x6003, v13;
	v30 =	vsub.f32 v30, v33;
	v52 =	vadd.s32 $0x6006, v1;
	v49 =	vld.idx.msk [tilespmem:v49+s16+$0x0], $0xffff  }
0x11d: {  	v26 =	vsub.f32 v26, v25;
	v11 =	vadd.s32 $0x6, v2;
	v51 =	vld.idx.msk [tilespmem:v51+s16+$0x0], $0xffff;
	v29 =	vmul.f32 v29, v20  }
0x11e: {  	v40 =	vor.u32 $0x3, v0;
	v23 =	vsub.f32 v23, v32;
	v31 =	vsub.f32 v31, v34;
	v43 =	vld.idx.msk [tilespmem:v10+s16+$0x0], $0xffff  }
0x11f: {  	v30 =	vmul.f32 v30, v20;
	v28 =	vadd.f32 v29, v28;
	v29 =	vmul.f32 v26, v20;
	v26 =	vld.idx.msk [tilespmem:v53+s16+$0x0], $0xffff  }
0x120: {  	v44 =	vor.u32 $0x3, v22;
	v23 =	vmul.f32 v23, v20;
	v31 =	vmul.f32 v20, v31;
	v50 =	vld.idx.msk [tilespmem:v12+s16+$0x0], $0xffff  }
0x121: {  	v27 =	vadd.s32 $0x6002, v14;
	v54 =	vadd.s32 s26, v61;
	v30 =	vadd.f32 v30, v33;
	v33 =	vld.idx.msk [tilespmem:v52+s16+$0x0], $0xffff  }
0x122: {  	v54 =	vand.u32 $0xFF8, v54;
	v46 =	vld.idx.msk [tilespmem:v11+s16+$0x0], $0xffff;
	v32 =	vadd.f32 v23, v32;
	v31 =	vadd.f32 v31, v34  }
0x123: {  	v23 =	vadd.s32 v56, v54;
	v53 =	vsub.f32 v60, v16;
	v54 =	vsub.f32 v38, v36  }
0x124: {  	v24 =	vadd.s32 $0x6002, v13;
	v59 =	vsub.f32 v48, v45;
	v60 =	vsub.f32 v51, v49  }
0x125: {  	v15 =	vmovc v56;
	v35 =	vsub.f32 v35, v39;
	v34 =	vmul.f32 v53, v3;
	v56 =	vsub.f32 v42, v50  }
0x126: {  	v37 =	vmul.f32 v54, v3;
	v48 =	vmul.f32 v60, v3;
	v26 =	vsub.f32 v26, v33  }
0x127: {  	v46 =	vsub.f32 v46, v43;
	v42 =	vmul.f32 v59, v3;
	v38 =	vmul.f32 v56, v3  }
0x128: {  	v36 =	vadd.f32 v37, v36;
	v52 =	vadd.f32 v48, v49;
	v26 =	vmul.f32 v26, v3  }
0x129: {  	v51 =	vmul.f32 v46, v3;
	v42 =	vadd.f32 v42, v45;
	v50 =	vadd.f32 v38, v50  }
0x12a: {  	v27 =	vld.idx.msk [tilespmem:v27+s16+$0x0], $0xffff;
	v36 =	vmul.f32 v36, v8;
	v53 =	vmul.f32 v52, v7;
	v33 =	vadd.f32 v26, v33  }
0x12b: {  	v24 =	vld.idx.msk [tilespmem:v24+s16+$0x0], $0xffff;
	v38 =	vadd.f32 v51, v43;
	v42 =	vmul.f32 v42, v8;
	v37 =	vmul.f32 v50, v7  }
0x12c: {  	v35 =	vmul.f32 v35, v3;
	v16 =	vadd.f32 v34, v16;
	v33 =	vmul.f32 v33, v7  }
0x12d: {  	v38 =	vmul.f32 v38, v8;
	v54 =	vadd.f32 v53, v42;
	v36 =	vadd.f32 v37, v36  }
0x12e: {  	v26 =	vadd.s32 v57, v55;
	v55 =	vadd.s32 s26, v62;
	v56 =	vadd.f32 v35, v39  }
0x12f: {  	v37 =	vmul.f32 v54, v18;
	v33 =	vadd.f32 v33, v38;
	v36 =	vmul.f32 v36, v17  }
0x130: {  	v27 =	vsub.f32 v27, v24;
	v16 =	vmul.f32 v16, v8;
	v59 =	vand.u32 $0xFF8, v55  }
0x131: {  	v40 =	vld.idx.msk [tilespmem:v40+s16+$0x0], $0xffff;
	v34 =	vmul.f32 v56, v7;
	v33 =	vmul.f32 v33, v19;
	v36 =	vadd.f32 v37, v36  }
0x132: {  	v27 =	vmul.f32 v27, v20;
	v29 =	vadd.f32 v29, v25;
	v60 =	vld.idx.msk [tilespmem:v47+s16+$0x0], $0xffff;
	v48 =	vadd.s32 v58, v59  }
0x133: {  	v49 =	vadd.s32 $0xB, v1;
	v25 =	vld.idx.msk [tilespmem:v23+s14+$0x0], $0xffff;
	v16 =	vadd.f32 v34, v16;
	v33 =	vadd.f32 v33, v36  }
0x134: {  	v30 =	vmul.f32 v30, v8;
	v28 =	vmul.f32 v28, v7;
	v57 =	vld.idx.msk [tilespmem:v41+s16+$0x0], $0xffff;
	v50 =	vadd.s32 $0xB, v2  }
0x135: {  	v27 =	vadd.f32 v27, v24;
	v51 =	vadd.s32 $0x600B, v1;
	v24 =	vld.idx.msk [tilespmem:v26+s14+$0x0], $0xffff;
	v33 =	vadd.f32 v16, v33  }
0x136: {  	v9 =	vadd.s32 $0x6004, v14;
	v53 =	vadd.s32 $0x600B, v2;
	v38 =	vld.idx.msk [tilespmem:v44+s16+$0x0], $0xffff;
	[tilespmem:$0x1FE70] =	vst v48  }
0x137: {  	v5 =	vadd.s32 $0x5, v14;
	v28 =	vadd.f32 v28, v30;
	v30 =	vadd.s32 $0xA, v2;
	v16 =	vld.idx.msk [tilespmem:v48+s14+$0x0], $0xffff;
	[tilespmem:v6+s17+$0x0] =	vst.idx.msk $0xffff, v33  }
0x138: {  	v10 =	vadd.s32 $0x4, v14;
	v11 =	vadd.s32 $0x4, v13;
	v55 =	vadd.s32 $0x8, v21;
	v43 =	vld.idx.msk [tilespmem:v49+s16+$0x0], $0xffff  }
0x139: {  	v32 =	vmul.f32 v32, v7;
	v35 =	vsub.f32 v57, v60;
	v57 =	vadd.s32 $0x8, v4;
	v39 =	vld.idx.msk [tilespmem:v50+s16+$0x0], $0xffff  }
0x13a: {  	v31 =	vmul.f32 v31, v8;
	v12 =	vadd.s32 $0x6004, v13;
	v21 =	vadd.s32 $0x6008, v21;
	v45 =	vld.idx.msk [tilespmem:v51+s16+$0x0], $0xffff  }
0x13b: {  	v47 =	vadd.s32 $0x6006, v14;
	v4 =	vadd.s32 $0x6008, v4;
	v52 =	vsub.f32 v40, v38;
	v40 =	vld.idx.msk [tilespmem:v53+s16+$0x0], $0xffff  }
0x13c: {  	v31 =	vadd.f32 v32, v31;
	v29 =	vmul.f32 v29, v8;
	v6 =	vadd.s32 $0xA, v1;
	v41 =	vld.idx.msk [tilespmem:v30+s16+$0x0], $0xffff  }
0x13d: {  	v27 =	vmul.f32 v27, v7;
	v46 =	vadd.s32 $0x6, v14;
	v59 =	vadd.s32 $0x9, v1;
	v50 =	vld.idx.msk [tilespmem:v55+s16+$0x0], $0xffff  }
0x13e: {  	v56 =	vmul.f32 v35, v20;
	v54 =	vmul.f32 v52, v20;
	v30 =	vadd.s32 $0x9, v2;
	v52 =	vld.idx.msk [tilespmem:v57+s16+$0x0], $0xffff  }
0x13f: {  	v27 =	vadd.f32 v27, v29;
	v31 =	vmul.f32 v31, v25;
	v33 =	vadd.s32 $0x6009, v1;
	v21 =	vld.idx.msk [tilespmem:v21+s16+$0x0], $0xffff  }
0x140: {  	v35 =	vadd.s32 $0x6009, v2;
	v58 =	vadd.f32 v56, v60;
	v28 =	vmul.f32 v28, v24;
	v4 =	vld.idx.msk [tilespmem:v4+s16+$0x0], $0xffff  }
0x141: {  	v42 =	vadd.s32 $0x6005, v14;
	v29 =	vadd.f32 v54, v38;
	v1 =	vadd.s32 $0x600A, v1;
	v6 =	vld.idx.msk [tilespmem:v6+s16+$0x0], $0xffff;
	[tilespmem:$0x1FED0] =	vst v16  }
0x142: {  	v32 =	vmul.f32 v58, v7;
	v31 =	vadd.f32 v28, v31;
	v55 =	vadd.s32 $0x600A, v2;
	v54 =	vld.idx.msk [tilespmem:v59+s16+$0x0], $0xffff  }
0x143: {  	v29 =	vmul.f32 v29, v8;
	v2 =	vadd.s32 $0x6009, v14;
	v60 =	vmul.f32 v27, v16;
	v58 =	vld.idx.msk [tilespmem:v30+s16+$0x0], $0xffff  }
0x144: {  	v44 =	vadd.s32 $0x5, v13;
	v56 =	vadd.s32 $0x7, v13;
	v28 =	vadd.s32 $0x8, v0;
	v59 =	vld.idx.msk [tilespmem:v33+s16+$0x0], $0xffff;
	[tilespmem:$0x1FEB0] =	vst v2  }
0x145: {  	v30 =	vadd.s32 $0x6008, v0;
	v0 =	vadd.f32 v32, v29;
	v29 =	vadd.f32 v60, v31;
	v60 =	vld.idx.msk [tilespmem:v35+s16+$0x0], $0xffff  }
0x146: {  	v37 =	vadd.s32 $0x6005, v13;
	v48 =	vadd.s32 $0x6, v13;
	v4 =	vsub.f32 v4, v21;
	v1 =	vld.idx.msk [tilespmem:v1+s16+$0x0], $0xffff  }
0x147: {  	v38 =	vadd.s32 $0x6008, v22;
	v2 =	vadd.s32 $0x8, v22;
	v22 =	vld.idx.msk [tilespmem:v55+s16+$0x0], $0xffff;
	v0 =	vadd.f32 v0, v29  }
0x148: {  	v49 =	vadd.s32 $0x6006, v13;
	v51 =	vadd.s32 $0x7, v14;
	v4 =	vmul.f32 v4, v3  }
0x149: {  	v53 =	vadd.s32 $0x6007, v14;
	[tilespmem:v23+s17+$0x0] =	vst.idx.msk $0xffff, v0;
	v0 =	vsub.f32 v39, v43;
	v39 =	vsub.f32 v52, v50  }
0x14a: {  	v57 =	vadd.s32 $0x6007, v13;
	v41 =	vsub.f32 v41, v6;
	v4 =	vadd.f32 v4, v21;
	v11 =	vld.idx.msk [tilespmem:v11+s16+$0x0], $0xffff  }
0x14b: {  	v10 =	vld.idx.msk [tilespmem:v10+s16+$0x0], $0xffff;
	v58 =	vsub.f32 v58, v54;
	v60 =	vsub.f32 v60, v59;
	v0 =	vmul.f32 v0, v3  }
0x14c: {  	v12 =	vld.idx.msk [tilespmem:v12+s16+$0x0], $0xffff;
	v39 =	vmul.f32 v39, v3;
	v22 =	vsub.f32 v22, v1;
	v21 =	vmul.f32 v41, v3  }
0x14d: {  	v23 =	vsub.f32 v40, v45;
	v9 =	vld.idx.msk [tilespmem:v9+s16+$0x0], $0xffff;
	v4 =	vmul.f32 v4, v7;
	v40 =	vmul.f32 v58, v3  }
0x14e: {  	v44 =	vld.idx.msk [tilespmem:v44+s16+$0x0], $0xffff;
	v52 =	vmul.f32 v60, v3;
	v39 =	vadd.f32 v39, v50;
	v22 =	vmul.f32 v22, v3  }
0x14f: {  	v5 =	vld.idx.msk [tilespmem:v5+s16+$0x0], $0xffff;
	v6 =	vadd.f32 v21, v6;
	v3 =	vmul.f32 v23, v3;
	v0 =	vadd.f32 v0, v43  }
0x150: {  	v55 =	vld.idx.msk [tilespmem:v49+s16+$0x0], $0xffff;
	v40 =	vadd.f32 v40, v54;
	v58 =	vadd.f32 v52, v59;
	v60 =	vmul.f32 v39, v8  }
0x151: {  	v21 =	vld.idx.msk [tilespmem:v42+s16+$0x0], $0xffff;
	v1 =	vadd.f32 v22, v1;
	v10 =	vsub.f32 v10, v11;
	v6 =	vmul.f32 v6, v8  }
0x152: {  	v23 =	vld.idx.msk [tilespmem:v46+s16+$0x0], $0xffff;
	v3 =	vadd.f32 v3, v45;
	v52 =	vmul.f32 v40, v8;
	v54 =	vmul.f32 v58, v7  }
0x153: {  	v59 =	vld.idx.msk [tilespmem:v37+s16+$0x0], $0xffff;
	v9 =	vsub.f32 v9, v12;
	v0 =	vmul.f32 v0, v8;
	v4 =	vadd.f32 v4, v60  }
0x154: {  	v22 =	vld.idx.msk [tilespmem:v48+s16+$0x0], $0xffff;
	v1 =	vmul.f32 v1, v7;
	v3 =	vmul.f32 v3, v7;
	v39 =	vadd.f32 v54, v52  }
0x155: {  	v5 =	vsub.f32 v5, v44;
	v58 =	vld.idx.msk [tilespmem:v47+s16+$0x0], $0xffff;
	v9 =	vmul.f32 v9, v20;
	v4 =	vmul.f32 v4, v17  }
0x156: {  	v1 =	vadd.f32 v1, v6;
	v6 =	vmul.f32 v10, v20;
	v10 =	vld.idx.msk [tilespmem:v56+s16+$0x0], $0xffff;
	v17 =	vmul.f32 v39, v18  }
0x157: {  	v5 =	vmul.f32 v5, v20;
	v0 =	vadd.f32 v3, v0;
	v18 =	vld.idx.msk [tilespmem:v51+s16+$0x0], $0xffff  }
0x158: {  	v9 =	vadd.f32 v9, v12;
	v1 =	vmul.f32 v1, v19;
	v19 =	vld.idx.msk [tilespmem:v57+s16+$0x0], $0xffff;
	v4 =	vadd.f32 v17, v4  }
0x159: {  	s26 =	sadd.s32 $0x20, s23;
	v5 =	vadd.f32 v5, v44;
	v17 =	vsub.f32 v21, v59;
	v21 =	vld.idx.msk [tilespmem:v53+s16+$0x0], $0xffff  }
0x15a: {  	v34 =	vadd.s32 $0x9, v14;
	v1 =	vadd.f32 v1, v4;
	v4 =	vsub.f32 v23, v22;
	v23 =	vld [tilespmem:s26+$0x0]  }
0x15b: {  	v6 =	vadd.f32 v6, v11;
	v3 =	vmul.f32 v17, v20;
	v17 =	vsub.f32 v58, v55  }
0x15c: {  	v31 =	vadd.s32 $0xA, v14;
	v9 =	vmul.f32 v9, v7;
	v5 =	vmul.f32 v5, v8  }
0x15d: {  	v12 =	vld [tilespmem:s26+$0xFFFFFFF0];
	v6 =	vmul.f32 v6, v8;
	v3 =	vadd.f32 v3, v59;
	v11 =	vmul.f32 v17, v20  }
0x15e: {  	v4 =	vmul.f32 v4, v20;
	v17 =	vsub.f32 v18, v10;
	v18 =	vsub.f32 v21, v19  }
0x15f: {  	v3 =	vmul.f32 v3, v7;
	v11 =	vadd.f32 v11, v55;
	v21 =	vmul.f32 $8.000000000e+00, v23  }
0x160: {  	v29 =	vadd.s32 $0x600A, v14;
	v6 =	vadd.f32 v9, v6;
	v4 =	vadd.f32 v4, v22  }
0x161: {  	v3 =	vadd.f32 v3, v5;
	v5 =	vmul.f32 v11, v7;
	v11 =	vadd.f32 $-5.000000000e-01, v21  }
0x162: {  	v0 =	vadd.f32 v0, v1;
	v1 =	vmul.f32 $8.000000000e+00, v12;
	v4 =	vmul.f32 v4, v8  }
0x163: {  	v6 =	vmul.f32 v6, v25;
	v9 =	vmul.f32 v17, v20;
	v11 =	vmax.f32 v11, $0.0e+00  }
0x164: {  	v3 =	vmul.f32 v3, v24;
	v4 =	vadd.f32 v5, v4;
	v5 =	vmin.f32 v11, $7.000000000e+00  }
0x165: {  	[tilespmem:$0x1FF10] =	vst v0;
	v0 =	vmul.f32 v18, v20;
	v9 =	vadd.f32 v9, v10;
	v10 =	vtrunc.f32 v5  }
0x166: {  	s31 =	simm.s32 $0x1200;
	v1 =	vadd.f32 $-5.000000000e-01, v1;
	v3 =	vadd.f32 v3, v6;
	v6 =	vcvt.f32.s32 v10  }
0x167: {  	v37 =	vadd.s32 $0xB, v14;
	v12 =	vadd.s32 s31, v63;
	v0 =	vadd.f32 v0, v19  }
0x168: {  	v1 =	vmax.f32 v1, $0.0e+00;
	v9 =	vmul.f32 v9, v8;
	v11 =	vmul.u32 $0xC, v6  }
0x169: {  	v0 =	vmul.f32 v0, v7;
	v4 =	vmul.f32 v4, v16;
	v10 =	vmin.f32 v1, $7.000000000e+00  }
0x16a: {  	v1 =	vtrunc.f32 v10;
	v18 =	vadd.s32 $0x1, v6;
	v39 =	vadd.s32 v12, v11  }
0x16b: {  	v1 =	vcvt.f32.s32 v1;
	vm12 =	vlt.s32 v18, $0x7;
	v19 =	vadd.s32 $0x6003, v39  }
0x16c: {  	v18 =	vnsel vm12, $0x7, v18;
	v11 =	vand.u32 $0x4, v11;
	v21 =	vadd.s32 $0x6002, v39  }
0x16d: {  	v18 =	vmul.u32 $0xC, v18;
	v22 =	vand.u32 $0xFFFFFFF8, v39;
	v23 =	vadd.s32 $0x6001, v39  }
0x16e: {  	v17 =	vld [tilespmem:$0x1FE90];
	v0 =	vadd.f32 v0, v9;
	v3 =	vadd.f32 v4, v3;
	v44 =	vor.u32 v11, v22  }
0x16f: {  	v16 =	vld [tilespmem:$0x1FFF0];
	v4 =	vadd.s32 $0x1, v1;
	v41 =	vadd.s32 v12, v18;
	v22 =	vor.u32 $0x2, v44  }
0x170: {  	v46 =	vadd.f32 v0, v3;
	vm13 =	vlt.s32 v4, $0x7;
	v0 =	vadd.s32 $0x6001, v41;
	v9 =	vld.idx.msk [tilespmem:v19+s16+$0x0], $0xffff  }
0x171: {  	v18 =	vand.u32 $0x4, v18;
	v12 =	vand.u32 $0xFFFFFFF8, v41;
	v51 =	vadd.s32 $0x6003, v41;
	v42 =	vld.idx.msk [tilespmem:v21+s16+$0x0], $0xffff  }
0x172: {  	v6 =	vcvt.s32.f32 v6;
	v4 =	vnsel vm13, $0x7, v4;
	v45 =	vor.u32 v18, v12;
	v3 =	vld.idx.msk [tilespmem:v23+s16+$0x0], $0xffff  }
0x173: {  	s31 =	simm.s32 $0xC00;
	v11 =	vor.u32 $0x3, v44;
	v4 =	vmul.u32 $0xC, v4;
	v21 =	vadd.s32 $0x6000, v44;
	v43 =	vld.idx.msk [tilespmem:v44+s16+$0x0], $0xffff  }
0x174: {  	v12 =	vmul.u32 $0xC, v1;
	v19 =	vadd.s32 s31, v63;
	v48 =	vadd.s32 $0x6000, v45;
	v47 =	vld.idx.msk [tilespmem:v22+s16+$0x0], $0xffff  }
0x175: {  	v60 =	vadd.s32 $0x6002, v41;
	v50 =	vor.u32 $0x1, v45;
	v18 =	vadd.s32 v19, v4;
	v0 =	vld.idx.msk [tilespmem:v0+s16+$0x0], $0xffff  }
0x176: {  	v23 =	vadd.s32 v19, v12;
	v4 =	vand.u32 $0x4, v4;
	v19 =	vand.u32 $0xFFFFFFF8, v18;
	v51 =	vld.idx.msk [tilespmem:v51+s16+$0x0], $0xffff  }
0x177: {  	v55 =	vor.u32 $0x2, v45;
	v40 =	vor.u32 v4, v19;
	v4 =	vor.u32 $0x1, v44;
	v49 =	vld.idx.msk [tilespmem:v45+s16+$0x0], $0xffff  }
0x178: {  	v58 =	vor.u32 $0x3, v45;
	v12 =	vand.u32 $0x4, v12;
	v22 =	vcvt.s32.f32 v1;
	v21 =	vld.idx.msk [tilespmem:v21+s16+$0x0], $0xffff  }
0x179: {  	v59 =	vand.u32 $0xFFFFFFF8, v23;
	v54 =	vadd.s32 $0x6001, v18;
	v1 =	vsub.f32 v5, v6;
	v48 =	vld.idx.msk [tilespmem:v48+s16+$0x0], $0xffff  }
0x17a: {  	v6 =	vadd.s32 $0x6001, v23;
	v27 =	vor.u32 v12, v59;
	v22 =	vsub.f32 v10, v22;
	v10 =	vld.idx.msk [tilespmem:v50+s16+$0x0], $0xffff  }
0x17b: {  	s28 =	sadd.s32 $0x60, s24;
	v12 =	vadd.s32 $0x6000, v40;
	v52 =	vor.u32 $0x1, v40;
	v50 =	vld.idx.msk [tilespmem:v60+s16+$0x0], $0xffff;
	v0 =	vsub.f32 v0, v3  }
0x17c: {  	v56 =	vadd.s32 $0x6000, v27;
	v60 =	vadd.s32 s28, v16;
	v4 =	vld.idx.msk [tilespmem:v4+s16+$0x0], $0xffff;
	v51 =	vsub.f32 v51, v9  }
0x17d: {  	v53 =	vand.u32 $0x7FFFFFF8, v60;
	v5 =	vsub.f32 v49, v43;
	v60 =	vmul.f32 v0, v1;
	v0 =	vld [tilespmem:$0x1FE80]  }
0x17e: {  	v11 =	vld.idx.msk [tilespmem:v11+s16+$0x0], $0xffff;
	v49 =	vadd.s32 s28, v61;
	v48 =	vsub.f32 v48, v21;
	v51 =	vmul.f32 v51, v1  }
0x17f: {  	v57 =	vor.u32 $0x1, v27;
	v55 =	vld.idx.msk [tilespmem:v55+s16+$0x0], $0xffff;
	v49 =	vand.u32 $0x7FFFFFF8, v49;
	v5 =	vmul.f32 v1, v5  }
0x180: {  	v58 =	vld.idx.msk [tilespmem:v58+s16+$0x0], $0xffff;
	v49 =	vadd.s32 v15, v49;
	v48 =	vmul.f32 v48, v1;
	v9 =	vadd.f32 v51, v9  }
0x181: {  	[tilespmem:$0x1FEE0] =	vst v15;
	v5 =	vadd.f32 v5, v43;
	v43 =	vadd.s32 s28, v62;
	v10 =	vsub.f32 v10, v4  }
0x182: {  	v12 =	vld.idx.msk [tilespmem:v12+s16+$0x0], $0xffff;
	v19 =	vadd.s32 v0, v53;
	v53 =	vadd.f32 v60, v3;
	v3 =	vand.u32 $0x7FFFFFF8, v43  }
0x183: {  	v52 =	vld.idx.msk [tilespmem:v52+s16+$0x0], $0xffff;
	v48 =	vadd.f32 v48, v21;
	v43 =	vsub.f32 v50, v42;
	v21 =	vadd.s32 v17, v3  }
0x184: {  	v59 =	vor.u32 $0x2, v40;
	v55 =	vsub.f32 v55, v47;
	v50 =	vld.idx.msk [tilespmem:v40+s16+$0x0], $0xffff;
	v10 =	vmul.f32 v10, v1;
	[tilespmem:$0x1FF20] =	vst v21  }
0x185: {  	v58 =	vsub.f32 v58, v11;
	v9 =	vmul.f32 v9, v7;
	v43 =	vmul.f32 v43, v1;
	v54 =	vld.idx.msk [tilespmem:v54+s16+$0x0], $0xffff  }
0x186: {  	v5 =	vmul.f32 v5, v8;
	v4 =	vadd.f32 v10, v4;
	v10 =	vmul.f32 v55, v1;
	v3 =	vld.idx.msk [tilespmem:v49+s14+$0x0], $0xffff  }
0x187: {  	v53 =	vmul.f32 v53, v7;
	v55 =	vadd.f32 v43, v42;
	v43 =	vmul.f32 v48, v7;
	v48 =	vld.idx.msk [tilespmem:v56+s16+$0x0], $0xffff  }
0x188: {  	[tilespmem:v26+s17+$0x0] =	vst.idx.msk $0xffff, v46;
	v4 =	vmul.f32 v4, v8;
	v10 =	vadd.f32 v10, v47;
	v42 =	vld.idx.msk [tilespmem:v19+s14+$0x0], $0xffff  }
0x189: {  	v26 =	vadd.s32 $0x6003, v23;
	v56 =	vld.idx.msk [tilespmem:v57+s16+$0x0], $0xffff;
	v57 =	vmul.f32 v58, v1;
	v5 =	vadd.f32 v43, v5  }
0x18a: {  	v4 =	vadd.f32 v53, v4;
	v53 =	vld.idx.msk [tilespmem:v27+s16+$0x0], $0xffff;
	v55 =	vmul.f32 v55, v7;
	v10 =	vmul.f32 v10, v8  }
0x18b: {  	v60 =	vor.u32 $0x2, v27;
	v47 =	vadd.s32 $0x6002, v18;
	v11 =	vadd.f32 v57, v11;
	v43 =	vld.idx.msk [tilespmem:v21+s14+$0x0], $0xffff  }
0x18c: {  	v6 =	vld.idx.msk [tilespmem:v6+s16+$0x0], $0xffff;
	v58 =	vadd.s32 $0x6002, v23;
	v51 =	vmul.f32 v5, v3;
	v10 =	vadd.f32 v55, v10  }
0x18d: {  	v55 =	vor.u32 $0x3, v40;
	v11 =	vmul.f32 v11, v8;
	v57 =	vmul.f32 v4, v42  }
0x18e: {  	v26 =	vld.idx.msk [tilespmem:v26+s16+$0x0], $0xffff;
	v12 =	vsub.f32 v12, v48;
	v52 =	vsub.f32 v52, v56;
	v4 =	vadd.s32 $0x600B, v14  }
0x18f: {  	v14 =	vld.idx.msk [tilespmem:v59+s16+$0x0], $0xffff;
	v50 =	vsub.f32 v50, v53;
	v51 =	vadd.f32 v57, v51;
	v57 =	vadd.s32 $0x6003, v18  }
0x190: {  	v59 =	vld.idx.msk [tilespmem:v60+s16+$0x0], $0xffff;
	v60 =	vor.u32 $0x3, v27;
	v12 =	vmul.f32 v12, v22;
	v10 =	vmul.f32 v10, v43  }
0x191: {  	v47 =	vld.idx.msk [tilespmem:v47+s16+$0x0], $0xffff;
	v46 =	vmul.f32 v22, v50;
	v50 =	vmul.f32 v52, v22;
	v52 =	vsub.f32 v54, v6  }
0x192: {  	v58 =	vld.idx.msk [tilespmem:v58+s16+$0x0], $0xffff;
	v9 =	vadd.f32 v9, v11;
	v11 =	vadd.s32 $0x4, v39;
	v10 =	vadd.f32 v10, v51  }
0x193: {  	v54 =	vld.idx.msk [tilespmem:v55+s16+$0x0], $0xffff;
	v55 =	vadd.s32 $0x4, v41;
	v12 =	vadd.f32 v12, v48;
	v52 =	vmul.f32 v52, v22  }
0x194: {  	v56 =	vadd.f32 v50, v56;
	v50 =	vadd.s32 $0x6004, v41;
	v9 =	vadd.f32 v9, v10;
	v51 =	vld.idx.msk [tilespmem:v57+s16+$0x0], $0xffff  }
0x195: {  	v14 =	vsub.f32 v14, v59;
	v46 =	vadd.f32 v46, v53;
	v57 =	vld.idx.msk [tilespmem:v60+s16+$0x0], $0xffff;
	v60 =	vadd.s32 $0x6004, v39  }
0x196: {  	v12 =	vmul.f32 v12, v7;
	v6 =	vadd.f32 v52, v6;
	v52 =	vadd.s32 $0x5, v41;
	[tilespmem:v49+s17+$0x0] =	vst.idx.msk $0xffff, v9  }
0x197: {  	v10 =	vsub.f32 v47, v58;
	v14 =	vmul.f32 v14, v22;
	v9 =	vadd.s32 $0x6, v39;
	v11 =	vld.idx.msk [tilespmem:v11+s16+$0x0], $0xffff  }
0x198: {  	v48 =	vmul.f32 v56, v8;
	v46 =	vmul.f32 v46, v8;
	v49 =	vadd.s32 $0x5, v39;
	v53 =	vld.idx.msk [tilespmem:v55+s16+$0x0], $0xffff  }
0x199: {  	v10 =	vmul.f32 v10, v22;
	v6 =	vmul.f32 v6, v7;
	v55 =	vadd.s32 $0x6005, v39;
	v50 =	vld.idx.msk [tilespmem:v50+s16+$0x0], $0xffff  }
0x19a: {  	v14 =	vadd.f32 v14, v59;
	v12 =	vadd.f32 v12, v46;
	v46 =	vadd.s32 $0x6006, v39;
	v47 =	vld.idx.msk [tilespmem:v60+s16+$0x0], $0xffff  }
0x19b: {  	v59 =	vadd.s32 $0x7, v39;
	v10 =	vadd.f32 v10, v58;
	v60 =	vadd.s32 $0x6005, v41;
	v52 =	vld.idx.msk [tilespmem:v52+s16+$0x0], $0xffff  }
0x19c: {  	v58 =	vadd.s32 $0x6, v41;
	v48 =	vadd.f32 v6, v48;
	v54 =	vsub.f32 v54, v57;
	v9 =	vld.idx.msk [tilespmem:v9+s16+$0x0], $0xffff  }
0x19d: {  	v14 =	vmul.f32 v14, v8;
	v51 =	vsub.f32 v51, v26;
	v10 =	vmul.f32 v10, v7;
	v6 =	vld.idx.msk [tilespmem:v49+s16+$0x0], $0xffff  }
0x19e: {  	v49 =	vadd.s32 $0x6006, v41;
	v54 =	vmul.f32 v54, v22;
	v55 =	vld.idx.msk [tilespmem:v55+s16+$0x0], $0xffff;
	v53 =	vsub.f32 v53, v11  }
0x19f: {  	v51 =	vmul.f32 v51, v22;
	v14 =	vadd.f32 v10, v14;
	v46 =	vld.idx.msk [tilespmem:v46+s16+$0x0], $0xffff;
	v50 =	vsub.f32 v50, v47  }
0x1a0: {  	v54 =	vadd.f32 v54, v57;
	v53 =	vmul.f32 v53, v1;
	v10 =	vld.idx.msk [tilespmem:v60+s16+$0x0], $0xffff;
	v60 =	vadd.s32 $0x7, v41  }
0x1a1: {  	v59 =	vld.idx.msk [tilespmem:v59+s16+$0x0], $0xffff;
	v57 =	vadd.s32 $0x6007, v39;
	v51 =	vadd.f32 v51, v26;
	v26 =	vmul.f32 v50, v1  }
0x1a2: {  	s31 =	sadd.s32 $0xFFFFFFD0, s28;
	v58 =	vld.idx.msk [tilespmem:v58+s16+$0x0], $0xffff;
	v11 =	vadd.f32 v53, v11;
	v50 =	vadd.s32 $0x6007, v41  }
0x1a3: {  	v53 =	vld.idx.msk [tilespmem:v2+s16+$0x0], $0xffff;
	v2 =	vadd.s32 s31, v61;
	v47 =	vadd.f32 v26, v47;
	v26 =	vadd.s32 s31, v16  }
0x1a4: {  	v49 =	vld.idx.msk [tilespmem:v49+s16+$0x0], $0xffff;
	v2 =	vand.u32 $0xFF8, v2;
	v26 =	vand.u32 $0xFF8, v26  }
0x1a5: {  	v36 =	vadd.s32 $0x9, v13;
	v56 =	vld.idx.msk [tilespmem:v60+s16+$0x0], $0xffff;
	v60 =	vadd.s32 v15, v2;
	v15 =	vadd.s32 v0, v26  }
0x1a6: {  	v52 =	vsub.f32 v52, v6;
	v2 =	vld.idx.msk [tilespmem:v57+s16+$0x0], $0xffff;
	[tilespmem:$0x1FEF0] =	vst v15  }
0x1a7: {  	v32 =	vadd.s32 $0xA, v13;
	v35 =	vadd.s32 $0x6009, v13;
	v50 =	vld.idx.msk [tilespmem:v50+s16+$0x0], $0xffff  }
0x1a8: {  	v33 =	vadd.s32 $0x600A, v13;
	v52 =	vmul.f32 v52, v1;
	v58 =	vsub.f32 v58, v9;
	v61 =	vld.idx.msk [tilespmem:v28+s16+$0x0], $0xffff  }
0x1a9: {  	v11 =	vmul.f32 v11, v8;
	v10 =	vsub.f32 v10, v55;
	v49 =	vsub.f32 v49, v46;
	v38 =	vld.idx.msk [tilespmem:v38+s16+$0x0], $0xffff  }
0x1aa: {  	v52 =	vadd.f32 v52, v6;
	v57 =	vadd.s32 s31, v62;
	v47 =	vmul.f32 v47, v7;
	v36 =	vld.idx.msk [tilespmem:v36+s16+$0x0], $0xffff  }
0x1ab: {  	v10 =	vmul.f32 v10, v1;
	v26 =	vmovc v0;
	v28 =	vand.u32 $0xFF8, v57;
	v49 =	vmul.f32 v49, v1;
	v34 =	vld.idx.msk [tilespmem:v34+s16+$0x0], $0xffff  }
0x1ac: {  	v11 =	vadd.f32 v47, v11;
	v35 =	vld.idx.msk [tilespmem:v35+s16+$0x0], $0xffff;
	v0 =	vadd.s32 v17, v28;
	v28 =	vmul.f32 v58, v1  }
0x1ad: {  	v5 =	vadd.s32 $0xB, v13;
	v10 =	vadd.f32 v10, v55;
	v55 =	vld.idx.msk [tilespmem:v30+s16+$0x0], $0xffff;
	v56 =	vsub.f32 v56, v59  }
0x1ae: {  	v54 =	vmul.f32 v54, v8;
	v46 =	vadd.f32 v49, v46;
	v57 =	vadd.f32 v28, v9;
	v28 =	vld.idx.msk [tilespmem:v60+s14+$0x0], $0xffff  }
0x1af: {  	v13 =	vadd.s32 $0x600B, v13;
	v9 =	vmul.f32 v52, v8;
	v52 =	vmul.f32 v10, v7;
	v16 =	vld.idx.msk [tilespmem:v15+s14+$0x0], $0xffff;
	[tilespmem:$0x1FEA0] =	vst v0  }
0x1b0: {  	v51 =	vmul.f32 v51, v7;
	v11 =	vmul.f32 v11, v3;
	v32 =	vld.idx.msk [tilespmem:v32+s16+$0x0], $0xffff;
	v49 =	vsub.f32 v50, v2  }
0x1b1: {  	v58 =	vmul.f32 v56, v1;
	v46 =	vmul.f32 v46, v7;
	v31 =	vld.idx.msk [tilespmem:v31+s16+$0x0], $0xffff;
	v47 =	vadd.f32 v52, v9  }
0x1b2: {  	v56 =	vmul.f32 v57, v8;
	v34 =	vsub.f32 v34, v36;
	v15 =	vld.idx.msk [tilespmem:v0+s14+$0x0], $0xffff;
	v49 =	vmul.f32 v49, v1  }
0x1b3: {  	v50 =	vadd.f32 v58, v59;
	v59 =	vsub.f32 v61, v53;
	v47 =	vmul.f32 v47, v42  }
0x1b4: {  	v0 =	vld [tilespmem:$0x1FEB0];
	v46 =	vadd.f32 v46, v56;
	v12 =	vmul.f32 v12, v28;
	v2 =	vadd.f32 v49, v2  }
0x1b5: {  	v33 =	vld.idx.msk [tilespmem:v33+s16+$0x0], $0xffff;
	v56 =	vadd.s32 $0xB, v39;
	v48 =	vmul.f32 v48, v16;
	v50 =	vmul.f32 v50, v8  }
0x1b6: {  	v29 =	vld.idx.msk [tilespmem:v29+s16+$0x0], $0xffff;
	v11 =	vadd.f32 v47, v11;
	v46 =	vmul.f32 v46, v43;
	v2 =	vmul.f32 v2, v7  }
0x1b7: {  	v5 =	vld.idx.msk [tilespmem:v5+s16+$0x0], $0xffff;
	v31 =	vsub.f32 v31, v32;
	v12 =	vadd.f32 v48, v12;
	v14 =	vmul.f32 v14, v15  }
0x1b8: {  	v37 =	vld.idx.msk [tilespmem:v37+s16+$0x0], $0xffff;
	v34 =	vmul.f32 v34, v20;
	v11 =	vadd.f32 v46, v11;
	v50 =	vadd.f32 v2, v50  }
0x1b9: {  	v4 =	vld.idx.msk [tilespmem:v4+s16+$0x0], $0xffff;
	v31 =	vmul.f32 v31, v20;
	v12 =	vadd.f32 v14, v12;
	v14 =	vadd.s32 $0xB, v41  }
0x1ba: {  	v61 =	vld [tilespmem:$0x1FFC0];
	v34 =	vadd.f32 v34, v36;
	v36 =	vadd.s32 $0xA, v41;
	v11 =	vadd.f32 v50, v11  }
0x1bb: {  	v2 =	vld.idx.msk [tilespmem:v13+s16+$0x0], $0xffff;
	v31 =	vadd.f32 v31, v32;
	v32 =	vadd.s32 $0x6009, v41  }
0x1bc: {  	v51 =	vadd.f32 v51, v54;
	v52 =	vadd.s32 $0x4, v23;
	v30 =	vld.idx.msk [tilespmem:v0+s16+$0x0], $0xffff;
	[tilespmem:v19+s17+$0x0] =	vst.idx.msk $0xffff, v11  }
0x1bd: {  	v6 =	vadd.s32 $0x4, v18;
	v11 =	vsub.f32 v55, v38;
	v55 =	vld.idx.msk [tilespmem:v56+s16+$0x0], $0xffff  }
0x1be: {  	v0 =	vadd.s32 $0x8, v45;
	v12 =	vadd.f32 v51, v12;
	v14 =	vld.idx.msk [tilespmem:v14+s16+$0x0], $0xffff  }
0x1bf: {  	v54 =	vadd.s32 $0x6, v18;
	v45 =	vadd.s32 $0x6008, v45;
	v51 =	vmul.f32 v59, v20;
	v36 =	vld.idx.msk [tilespmem:v36+s16+$0x0], $0xffff  }
0x1c0: {  	v10 =	vadd.s32 $0x6004, v18;
	v9 =	vadd.s32 $0x5, v18;
	v50 =	vadd.s32 $0x8, v44;
	[tilespmem:v60+s17+$0x0] =	vst.idx.msk $0xffff, v12;
	v32 =	vld.idx.msk [tilespmem:v32+s16+$0x0], $0xffff  }
0x1c1: {  	v51 =	vadd.f32 v51, v53;
	v53 =	vadd.s32 $0x9, v41;
	v52 =	vld.idx.msk [tilespmem:v52+s16+$0x0], $0xffff;
	v30 =	vsub.f32 v30, v35  }
0x1c2: {  	v57 =	vadd.s32 $0x600A, v41;
	v56 =	vadd.s32 $0x9, v39;
	v6 =	vld.idx.msk [tilespmem:v6+s16+$0x0], $0xffff;
	v11 =	vmul.f32 v11, v20  }
0x1c3: {  	v49 =	vadd.s32 $0x6004, v23;
	v44 =	vadd.s32 $0x6008, v44;
	v0 =	vld.idx.msk [tilespmem:v0+s16+$0x0], $0xffff;
	v30 =	vmul.f32 v30, v20  }
0x1c4: {  	v29 =	vsub.f32 v29, v33;
	v45 =	vld.idx.msk [tilespmem:v45+s16+$0x0], $0xffff;
	v11 =	vadd.f32 v11, v38;
	v38 =	vadd.s32 $0xA, v39  }
0x1c5: {  	v47 =	vadd.s32 $0x6005, v18;
	v50 =	vld.idx.msk [tilespmem:v50+s16+$0x0], $0xffff;
	v30 =	vadd.f32 v30, v35;
	v35 =	vadd.s32 $0x6009, v39  }
0x1c6: {  	v29 =	vmul.f32 v29, v20;
	v13 =	vadd.s32 $0x600B, v39;
	v53 =	vld.idx.msk [tilespmem:v53+s16+$0x0], $0xffff;
	v39 =	vadd.s32 $0x600A, v39  }
0x1c7: {  	v37 =	vsub.f32 v37, v5;
	v48 =	vadd.s32 $0x5, v23;
	v46 =	vadd.s32 $0x6005, v23;
	v56 =	vld.idx.msk [tilespmem:v56+s16+$0x0], $0xffff  }
0x1c8: {  	v34 =	vmul.f32 v34, v8;
	v29 =	vadd.f32 v29, v33;
	v33 =	vadd.s32 $0x6006, v18;
	v44 =	vld.idx.msk [tilespmem:v44+s16+$0x0], $0xffff  }
0x1c9: {  	v59 =	vmul.f32 v37, v20;
	v41 =	vadd.s32 $0x600B, v41;
	v4 =	vsub.f32 v4, v2;
	v38 =	vld.idx.msk [tilespmem:v38+s16+$0x0], $0xffff  }
0x1ca: {  	v51 =	vmul.f32 v51, v8;
	v14 =	vsub.f32 v14, v55;
	v30 =	vmul.f32 v30, v7;
	v58 =	vld.idx.msk [tilespmem:v35+s16+$0x0], $0xffff  }
0x1cb: {  	v11 =	vmul.f32 v11, v7;
	v6 =	vsub.f32 v6, v52;
	v0 =	vsub.f32 v0, v50;
	v39 =	vld.idx.msk [tilespmem:v39+s16+$0x0], $0xffff  }
0x1cc: {  	v12 =	vadd.s32 $0x6006, v23;
	v34 =	vadd.f32 v30, v34;
	v30 =	vsub.f32 v53, v56;
	v53 =	vld.idx.msk [tilespmem:v57+s16+$0x0], $0xffff  }
0x1cd: {  	v4 =	vmul.f32 v4, v20;
	v11 =	vadd.f32 v11, v51;
	v60 =	vsub.f32 v45, v44  }
0x1ce: {  	v13 =	vld.idx.msk [tilespmem:v13+s16+$0x0], $0xffff;
	v51 =	vadd.s32 $0x6, v23;
	v45 =	vadd.s32 $0x7, v18;
	v0 =	vmul.f32 v0, v1  }
0x1cf: {  	v41 =	vld.idx.msk [tilespmem:v41+s16+$0x0], $0xffff;
	v14 =	vmul.f32 v14, v1;
	v20 =	vmul.f32 v60, v1;
	v32 =	vsub.f32 v32, v58  }
0x1d0: {  	v60 =	vmul.f32 v31, v8;
	v0 =	vadd.f32 v0, v50;
	v30 =	vmul.f32 v30, v1  }
0x1d1: {  	v31 =	vsub.f32 v36, v38;
	v53 =	vsub.f32 v53, v39;
	v32 =	vmul.f32 v32, v1  }
0x1d2: {  	v49 =	vld.idx.msk [tilespmem:v49+s16+$0x0], $0xffff;
	v20 =	vadd.f32 v20, v44;
	v0 =	vmul.f32 v0, v8;
	v30 =	vadd.f32 v30, v56  }
0x1d3: {  	v10 =	vld.idx.msk [tilespmem:v10+s16+$0x0], $0xffff;
	v31 =	vmul.f32 v31, v1;
	v36 =	vmul.f32 v53, v1;
	v32 =	vadd.f32 v32, v58  }
0x1d4: {  	v48 =	vld.idx.msk [tilespmem:v48+s16+$0x0], $0xffff;
	v41 =	vsub.f32 v41, v13;
	v20 =	vmul.f32 v20, v7;
	v30 =	vmul.f32 v30, v8  }
0x1d5: {  	v9 =	vld.idx.msk [tilespmem:v9+s16+$0x0], $0xffff;
	v38 =	vadd.f32 v31, v38;
	v36 =	vadd.f32 v36, v39;
	v32 =	vmul.f32 v32, v7  }
0x1d6: {  	v46 =	vld.idx.msk [tilespmem:v46+s16+$0x0], $0xffff;
	v14 =	vadd.f32 v14, v55;
	v0 =	vadd.f32 v20, v0;
	v1 =	vmul.f32 v41, v1  }
0x1d7: {  	v47 =	vld.idx.msk [tilespmem:v47+s16+$0x0], $0xffff;
	v38 =	vmul.f32 v38, v8;
	v20 =	vadd.f32 v32, v30;
	v30 =	vmul.f32 v36, v7  }
0x1d8: {  	v54 =	vld.idx.msk [tilespmem:v54+s16+$0x0], $0xffff;
	v57 =	vadd.s32 $0x6007, v18;
	v50 =	vadd.s32 $0x7, v23;
	v0 =	vmul.f32 v0, v3  }
0x1d9: {  	v12 =	vld.idx.msk [tilespmem:v12+s16+$0x0], $0xffff;
	v1 =	vadd.f32 v1, v13;
	v3 =	vmul.f32 v20, v42;
	v20 =	vadd.f32 v30, v38  }
0x1da: {  	v44 =	vadd.s32 $0x6007, v23;
	v14 =	vmul.f32 v14, v8;
	v31 =	vadd.f32 v59, v5;
	v5 =	vld.idx.msk [tilespmem:v51+s16+$0x0], $0xffff  }
0x1db: {  	v13 =	vld.idx.msk [tilespmem:v33+s16+$0x0], $0xffff;
	v1 =	vmul.f32 v1, v7;
	v0 =	vadd.f32 v3, v0;
	v3 =	vmul.f32 v20, v43  }
0x1dc: {  	v29 =	vmul.f32 v29, v7;
	v10 =	vsub.f32 v10, v49;
	v9 =	vsub.f32 v9, v48  }
0x1dd: {  	v6 =	vmul.f32 v6, v22;
	v56 =	vld.idx.msk [tilespmem:v45+s16+$0x0], $0xffff;
	v1 =	vadd.f32 v1, v14;
	v0 =	vadd.f32 v3, v0  }
0x1de: {  	v10 =	vmul.f32 v10, v22;
	v11 =	vmul.f32 v11, v25;
	v25 =	vsub.f32 v47, v46;
	v57 =	vld.idx.msk [tilespmem:v57+s16+$0x0], $0xffff  }
0x1df: {  	v9 =	vmul.f32 v9, v22;
	v14 =	vsub.f32 v54, v5;
	v20 =	vld.idx.msk [tilespmem:v50+s16+$0x0], $0xffff;
	v0 =	vadd.f32 v1, v0  }
0x1e0: {  	v6 =	vadd.f32 v6, v52;
	v25 =	vmul.f32 v25, v22;
	v13 =	vsub.f32 v13, v12;
	v3 =	vld.idx.msk [tilespmem:v44+s16+$0x0], $0xffff  }
0x1e1: {  	s30 =	sadd.s32 $0x20, s26;
	v1 =	vadd.f32 v9, v48;
	v9 =	vmul.f32 v14, v22;
	[tilespmem:$0x1FF30] =	vst v0;
	v0 =	vadd.f32 v10, v49  }
0x1e2: {  	v6 =	vmul.f32 v6, v8;
	v13 =	vmul.f32 v13, v22;
	v10 =	vadd.f32 v25, v46;
	v14 =	vld [tilespmem:s30+$0x0]  }
0x1e3: {  	v5 =	vadd.f32 v9, v5;
	v1 =	vmul.f32 v1, v8;
	v0 =	vmul.f32 v0, v7  }
0x1e4: {  	v9 =	vmul.f32 v10, v7;
	v10 =	vadd.f32 v13, v12;
	v12 =	vld [tilespmem:s30+$0xFFFFFFF0];
	v13 =	vsub.f32 v56, v20  }
0x1e5: {  	v25 =	vsub.f32 v57, v3;
	v5 =	vmul.f32 v5, v8;
	v0 =	vadd.f32 v0, v6  }
0x1e6: {  	v1 =	vadd.f32 v9, v1;
	v6 =	vmul.f32 v10, v7;
	v9 =	vmul.f32 v13, v22  }
0x1e7: {  	v10 =	vmul.f32 v25, v22;
	v13 =	vadd.f32 v29, v60;
	v14 =	vmul.f32 $8.000000000e+00, v14  }
0x1e8: {  	v0 =	vmul.f32 v0, v28;
	v1 =	vmul.f32 v1, v16;
	v5 =	vadd.f32 v6, v5  }
0x1e9: {  	v6 =	vadd.f32 v9, v20;
	v9 =	vmul.f32 $8.000000000e+00, v12;
	v12 =	vadd.f32 $-5.000000000e-01, v14  }
0x1ea: {  	v37 =	vadd.s32 $0x8, v40;
	v3 =	vadd.f32 v10, v3;
	v10 =	vld [tilespmem:$0x1FED0];
	v0 =	vadd.f32 v1, v0  }
0x1eb: {  	v1 =	vmul.f32 v5, v15;
	v5 =	vadd.f32 $-5.000000000e-01, v9;
	v9 =	vmax.f32 v12, $0.0e+00  }
0x1ec: {  	v6 =	vmul.f32 v6, v8;
	v3 =	vmul.f32 v3, v7;
	v9 =	vmin.f32 v9, $7.000000000e+00  }
0x1ed: {  	v0 =	vadd.f32 v1, v0;
	v1 =	vmax.f32 v5, $0.0e+00;
	v5 =	vtrunc.f32 v9  }
0x1ee: {  	v35 =	vadd.s32 $0x6008, v40;
	v38 =	vadd.f32 v4, v2;
	v12 =	vcvt.f32.s32 v5  }
0x1ef: {  	v14 =	vmul.f32 v34, v24;
	v3 =	vadd.f32 v3, v6;
	v40 =	vmul.f32 v13, v10  }
0x1f0: {  	s26 =	simm.s32 $0x1E00;
	v10 =	vmin.f32 v1, $7.000000000e+00;
	v2 =	vmul.u32 $0xC, v12;
	v5 =	vadd.s32 $0x1, v12  }
0x1f1: {  	v6 =	vadd.s32 s26, v63;
	v1 =	vtrunc.f32 v10;
	vm14 =	vlt.s32 v5, $0x7  }
0x1f2: {  	v4 =	vcvt.f32.s32 v1;
	v1 =	vadd.s32 v6, v2;
	v5 =	vnsel vm14, $0x7, v5  }
0x1f3: {  	v41 =	vadd.f32 v14, v11;
	v13 =	vadd.s32 $0x6003, v1;
	v5 =	vmul.u32 $0xC, v5  }
0x1f4: {  	v21 =	vmovc v17;
	v17 =	vadd.f32 v3, v0;
	v2 =	vand.u32 $0x4, v2;
	v14 =	vadd.s32 $0x6002, v1  }
0x1f5: {  	v30 =	vmovc v16;
	v16 =	vand.u32 $0xFFFFFFF8, v1;
	v20 =	vadd.s32 $0x6001, v1;
	v39 =	vadd.s32 v6, v5  }
0x1f6: {  	[tilespmem:$0x1FEC0] =	vst v15;
	v15 =	vld [tilespmem:$0x1FFF0];
	v44 =	vor.u32 v2, v16;
	v5 =	vand.u32 $0x4, v5;
	v2 =	vand.u32 $0xFFFFFFF8, v39  }
0x1f7: {  	v11 =	vadd.s32 $0x1, v4;
	v3 =	vor.u32 $0x3, v44;
	v45 =	vor.u32 v5, v2;
	v5 =	vld [tilespmem:$0x1FEE0]  }
0x1f8: {  	vm15 =	vlt.s32 v11, $0x7;
	v24 =	vadd.s32 $0x6000, v44;
	v13 =	vld.idx.msk [tilespmem:v13+s16+$0x0], $0xffff  }
0x1f9: {  	v11 =	vnsel vm15, $0x7, v11;
	v58 =	vadd.s32 $0x6001, v39;
	v14 =	vld.idx.msk [tilespmem:v14+s16+$0x0], $0xffff  }
0x1fa: {  	s31 =	simm.s32 $0x1800;
	v11 =	vmul.u32 $0xC, v11;
	v6 =	vmul.u32 $0xC, v4;
	v49 =	vadd.s32 $0x6002, v39;
	v20 =	vld.idx.msk [tilespmem:v20+s16+$0x0], $0xffff  }
0x1fb: {  	v2 =	vadd.s32 s31, v63;
	v32 =	vld.idx.msk [tilespmem:v44+s16+$0x0], $0xffff  }
0x1fc: {  	v0 =	vadd.s32 v2, v6;
	v33 =	vadd.s32 v2, v11;
	v2 =	vor.u32 $0x2, v44;
	v46 =	vld.idx.msk [tilespmem:v3+s16+$0x0], $0xffff  }
0x1fd: {  	v43 =	vor.u32 $0x1, v45;
	v24 =	vld.idx.msk [tilespmem:v24+s16+$0x0], $0xffff  }
0x1fe: {  	v11 =	vand.u32 $0x4, v11;
	v34 =	vor.u32 $0x2, v45;
	v16 =	vand.u32 $0xFFFFFFF8, v33;
	v36 =	vld.idx.msk [tilespmem:v58+s16+$0x0], $0xffff  }
0x1ff: {  	v60 =	vor.u32 v11, v16;
	v16 =	vadd.s32 $0x6000, v45;
	v49 =	vld.idx.msk [tilespmem:v49+s16+$0x0], $0xffff  }
0x200: {  	v6 =	vand.u32 $0x4, v6;
	v25 =	vand.u32 $0xFFFFFFF8, v0;
	v11 =	vor.u32 $0x1, v44;
	v59 =	vld.idx.msk [tilespmem:v45+s16+$0x0], $0xffff  }
0x201: {  	v29 =	vor.u32 v6, v25;
	v25 =	vadd.s32 $0x6003, v39;
	v48 =	vld.idx.msk [tilespmem:v2+s16+$0x0], $0xffff  }
0x202: {  	v4 =	vcvt.s32.f32 v4;
	v6 =	vadd.s32 $0x6000, v60;
	v43 =	vld.idx.msk [tilespmem:v43+s16+$0x0], $0xffff  }
0x203: {  	v42 =	vor.u32 $0x3, v45;
	v47 =	vadd.s32 $0x6001, v33;
	v50 =	vadd.s32 $0x6000, v29;
	v52 =	vld.idx.msk [tilespmem:v34+s16+$0x0], $0xffff  }
0x204: {  	v51 =	vadd.s32 $0x6001, v0;
	v3 =	vor.u32 $0x1, v60;
	v2 =	vcvt.s32.f32 v12;
	v54 =	vld.idx.msk [tilespmem:v16+s16+$0x0], $0xffff  }
0x205: {  	v56 =	vadd.s32 $0x6002, v33;
	v57 =	vadd.s32 $0x6002, v0;
	v53 =	vor.u32 $0x2, v60;
	v11 =	vld.idx.msk [tilespmem:v11+s16+$0x0], $0xffff  }
0x206: {  	s28 =	sadd.s32 $0x60, s28;
	v55 =	vor.u32 $0x2, v29;
	v12 =	vor.u32 $0x1, v29;
	v2 =	vsub.f32 v9, v2;
	v25 =	vld.idx.msk [tilespmem:v25+s16+$0x0], $0xffff  }
0x207: {  	v16 =	vsub.f32 v10, v4;
	v4 =	vadd.s32 s28, v61;
	v10 =	vadd.s32 s28, v62;
	v6 =	vld.idx.msk [tilespmem:v6+s16+$0x0], $0xffff  }
0x208: {  	v4 =	vand.u32 $0x7FFFFFF8, v4;
	v10 =	vand.u32 $0x7FFFFFF8, v10;
	v50 =	vld.idx.msk [tilespmem:v50+s16+$0x0], $0xffff;
	v9 =	vsub.f32 v59, v32  }
0x209: {  	v36 =	vsub.f32 v36, v20;
	v34 =	vadd.s32 v21, v10;
	v10 =	vld.idx.msk [tilespmem:v3+s16+$0x0], $0xffff;
	v3 =	vsub.f32 v49, v14  }
0x20a: {  	v59 =	vadd.s32 s28, v15;
	v58 =	vadd.s32 v5, v4;
	v9 =	vmul.f32 v2, v9  }
0x20b: {  	v42 =	vld.idx.msk [tilespmem:v42+s16+$0x0], $0xffff;
	v52 =	vsub.f32 v52, v48;
	v3 =	vmul.f32 v3, v2;
	v54 =	vsub.f32 v54, v24  }
0x20c: {  	v25 =	vsub.f32 v25, v13;
	v9 =	vadd.f32 v9, v32;
	v32 =	vand.u32 $0x7FFFFFF8, v59  }
0x20d: {  	v12 =	vld.idx.msk [tilespmem:v12+s16+$0x0], $0xffff;
	v59 =	vmul.f32 v36, v2;
	v4 =	vadd.s32 v26, v32;
	v32 =	vsub.f32 v43, v11  }
0x20e: {  	v14 =	vadd.f32 v3, v14;
	v6 =	vsub.f32 v6, v50;
	v36 =	vmul.f32 v54, v2  }
0x20f: {  	v47 =	vld.idx.msk [tilespmem:v47+s16+$0x0], $0xffff;
	v54 =	vor.u32 $0x3, v60;
	v25 =	vmul.f32 v25, v2;
	v32 =	vmul.f32 v32, v2  }
0x210: {  	v49 =	vld.idx.msk [tilespmem:v60+s16+$0x0], $0xffff;
	v20 =	vadd.f32 v59, v20;
	v59 =	vsub.f32 v42, v46;
	v9 =	vmul.f32 v9, v8  }
0x211: {  	v42 =	vld.idx.msk [tilespmem:v58+s14+$0x0], $0xffff;
	v24 =	vadd.f32 v36, v24;
	v36 =	vmul.f32 v52, v2;
	v11 =	vadd.f32 v32, v11  }
0x212: {  	v14 =	vmul.f32 v14, v7;
	v10 =	vsub.f32 v10, v12;
	v20 =	vmul.f32 v20, v7;
	v43 =	vld.idx.msk [tilespmem:v4+s14+$0x0], $0xffff  }
0x213: {  	v3 =	vld.idx.msk [tilespmem:v34+s14+$0x0], $0xffff;
	v24 =	vmul.f32 v24, v7;
	v32 =	vadd.f32 v36, v48;
	v11 =	vmul.f32 v11, v8  }
0x214: {  	v6 =	vmul.f32 v6, v16;
	v13 =	vadd.f32 v25, v13;
	v25 =	vld.idx.msk [tilespmem:v51+s16+$0x0], $0xffff;
	v52 =	vmul.f32 v59, v2  }
0x215: {  	v9 =	vadd.f32 v24, v9;
	v24 =	vld.idx.msk [tilespmem:v29+s16+$0x0], $0xffff;
	v11 =	vadd.f32 v20, v11;
	v20 =	vmul.f32 v32, v8  }
0x216: {  	v51 =	vld.idx.msk [tilespmem:v56+s16+$0x0], $0xffff;
	v56 =	vadd.s32 $0x7, v39;
	v59 =	vadd.s32 $0x6003, v33;
	v46 =	vadd.f32 v52, v46  }
0x217: {  	v48 =	vld.idx.msk [tilespmem:v53+s16+$0x0], $0xffff;
	v9 =	vmul.f32 v9, v42;
	v11 =	vmul.f32 v11, v43;
	v14 =	vadd.f32 v14, v20  }
0x218: {  	v10 =	vmul.f32 v10, v16;
	v13 =	vmul.f32 v13, v7;
	v53 =	vld.idx.msk [tilespmem:v57+s16+$0x0], $0xffff;
	v20 =	vor.u32 $0x3, v29  }
0x219: {  	v52 =	vld.idx.msk [tilespmem:v55+s16+$0x0], $0xffff;
	v9 =	vadd.f32 v11, v9;
	v11 =	vmul.f32 v14, v3;
	v14 =	vmul.f32 v46, v8  }
0x21a: {  	v6 =	vadd.f32 v6, v50;
	v49 =	vsub.f32 v49, v24;
	v46 =	vadd.s32 $0x6003, v0  }
0x21b: {  	v36 =	vadd.s32 $0x4, v1;
	v9 =	vadd.f32 v11, v9;
	v11 =	vadd.f32 v13, v14  }
0x21c: {  	v50 =	vadd.s32 $0x5, v1;
	v55 =	vadd.s32 $0x6004, v1;
	v10 =	vadd.f32 v10, v12;
	v32 =	vld.idx.msk [tilespmem:v59+s16+$0x0], $0xffff  }
0x21d: {  	v13 =	vmul.f32 v16, v49;
	v14 =	vsub.f32 v47, v25;
	v49 =	vld.idx.msk [tilespmem:v54+s16+$0x0], $0xffff;
	v9 =	vadd.f32 v11, v9  }
0x21e: {  	v51 =	vsub.f32 v51, v53;
	v48 =	vsub.f32 v48, v52;
	v47 =	vadd.s32 $0x5, v39;
	v20 =	vld.idx.msk [tilespmem:v20+s16+$0x0], $0xffff  }
0x21f: {  	v57 =	vadd.s32 $0x6007, v1;
	v14 =	vmul.f32 v14, v16;
	v46 =	vld.idx.msk [tilespmem:v46+s16+$0x0], $0xffff;
	[tilespmem:v58+s17+$0x0] =	vst.idx.msk $0xffff, v9;
	v9 =	vadd.s32 $0x6004, v39  }
0x220: {  	v11 =	vadd.s32 $0x4, v39;
	v13 =	vadd.f32 v13, v24;
	v24 =	vmul.f32 v48, v16;
	v12 =	vld.idx.msk [tilespmem:v36+s16+$0x0], $0xffff  }
0x221: {  	v14 =	vadd.f32 v14, v25;
	v25 =	vadd.s32 $0x6005, v1;
	v36 =	vmul.f32 v51, v16;
	v55 =	vld.idx.msk [tilespmem:v55+s16+$0x0], $0xffff  }
0x222: {  	v6 =	vmul.f32 v6, v7;
	v10 =	vmul.f32 v10, v8;
	v59 =	vadd.s32 $0x6005, v39;
	v50 =	vld.idx.msk [tilespmem:v50+s16+$0x0], $0xffff  }
0x223: {  	v54 =	vadd.s32 $0x7, v1;
	v24 =	vadd.f32 v24, v52;
	v47 =	vld.idx.msk [tilespmem:v47+s16+$0x0], $0xffff;
	v48 =	vadd.f32 v36, v53  }
0x224: {  	v58 =	vadd.s32 $0x6, v1;
	v13 =	vmul.f32 v13, v8;
	v14 =	vmul.f32 v14, v7;
	v9 =	vld.idx.msk [tilespmem:v9+s16+$0x0], $0xffff  }
0x225: {  	v49 =	vsub.f32 v49, v20;
	v24 =	vmul.f32 v24, v8;
	v11 =	vld.idx.msk [tilespmem:v11+s16+$0x0], $0xffff;
	v48 =	vmul.f32 v48, v7  }
0x226: {  	v13 =	vadd.f32 v6, v13;
	v6 =	vadd.s32 $0x6006, v1;
	v36 =	vadd.s32 $0x6, v39;
	v25 =	vld.idx.msk [tilespmem:v25+s16+$0x0], $0xffff  }
0x227: {  	v32 =	vsub.f32 v32, v46;
	v49 =	vmul.f32 v49, v16;
	v48 =	vadd.f32 v48, v24;
	v24 =	vld.idx.msk [tilespmem:v59+s16+$0x0], $0xffff  }
0x228: {  	v52 =	vld.idx.msk [tilespmem:v56+s16+$0x0], $0xffff;
	v56 =	vadd.s32 $0x9, v18;
	v10 =	vadd.f32 v14, v10;
	v14 =	vadd.s32 $0x6006, v39  }
0x229: {  	v54 =	vld.idx.msk [tilespmem:v54+s16+$0x0], $0xffff;
	v32 =	vmul.f32 v32, v16;
	v49 =	vadd.f32 v49, v20;
	v9 =	vsub.f32 v9, v55  }
0x22a: {  	v51 =	vld.idx.msk [tilespmem:v58+s16+$0x0], $0xffff;
	v20 =	vadd.s32 $0x6007, v39;
	v47 =	vsub.f32 v47, v50;
	v11 =	vsub.f32 v11, v12  }
0x22b: {  	s31 =	sadd.s32 $0xFFFFFFD0, s28;
	v58 =	vld.idx.msk [tilespmem:v6+s16+$0x0], $0xffff;
	v32 =	vadd.f32 v32, v46;
	v46 =	vadd.s32 $0x6009, v18;
	v6 =	vmul.f32 v9, v2  }
0x22c: {  	v53 =	vld.idx.msk [tilespmem:v36+s16+$0x0], $0xffff;
	v36 =	vadd.s32 s31, v15;
	v49 =	vmul.f32 v49, v8;
	v24 =	vsub.f32 v24, v25  }
0x22d: {  	v14 =	vld.idx.msk [tilespmem:v14+s16+$0x0], $0xffff;
	v9 =	vmul.f32 v47, v2;
	v47 =	vadd.f32 v6, v55;
	v6 =	vadd.s32 s31, v61  }
0x22e: {  	v19 =	vand.u32 $0xFF8, v36;
	v24 =	vmul.f32 v24, v2;
	v6 =	vand.u32 $0xFF8, v6  }
0x22f: {  	v11 =	vmul.f32 v11, v2;
	v59 =	vadd.s32 v26, v19;
	v6 =	vadd.s32 v5, v6;
	v5 =	vld [tilespmem:$0x1FEF0]  }
0x230: {  	v26 =	vsub.f32 v52, v54;
	v36 =	vadd.f32 v24, v25;
	v24 =	vadd.s32 s31, v62  }
0x231: {  	v32 =	vmul.f32 v32, v7;
	v20 =	vld.idx.msk [tilespmem:v20+s16+$0x0], $0xffff;
	v11 =	vadd.f32 v11, v12;
	v19 =	vand.u32 $0xFF8, v24  }
0x232: {  	v12 =	vadd.s32 $0x8, v27;
	v55 =	vld.idx.msk [tilespmem:v57+s16+$0x0], $0xffff;
	v14 =	vsub.f32 v14, v58;
	v24 =	vadd.s32 v21, v19  }
0x233: {  	v26 =	vmul.f32 v26, v2;
	v53 =	vsub.f32 v53, v51;
	v9 =	vadd.f32 v9, v50  }
0x234: {  	v57 =	vadd.s32 $0x6008, v27;
	v11 =	vmul.f32 v11, v8;
	v14 =	vmul.f32 v14, v2  }
0x235: {  	v54 =	vadd.f32 v26, v54;
	v47 =	vmul.f32 v47, v7;
	v50 =	vmul.f32 v36, v7;
	v36 =	vld.idx.msk [tilespmem:v59+s14+$0x0], $0xffff  }
0x236: {  	v9 =	vmul.f32 v9, v8;
	v62 =	vadd.s32 $0x6009, v23;
	v19 =	vmul.f32 v53, v2;
	v25 =	vld.idx.msk [tilespmem:v6+s14+$0x0], $0xffff  }
0x237: {  	v14 =	vadd.f32 v14, v58;
	v52 =	vsub.f32 v20, v55;
	v26 =	vld.idx.msk [tilespmem:v24+s14+$0x0], $0xffff;
	[tilespmem:v5+s17+$0x0] =	vst.idx.msk $0xffff, v17  }
0x238: {  	v54 =	vmul.f32 v54, v8;
	v11 =	vadd.f32 v47, v11;
	v51 =	vadd.f32 v19, v51;
	v12 =	vld.idx.msk [tilespmem:v12+s16+$0x0], $0xffff  }
0x239: {  	v9 =	vadd.f32 v50, v9;
	v14 =	vmul.f32 v14, v7;
	v58 =	vmul.f32 v52, v2;
	v37 =	vld.idx.msk [tilespmem:v37+s16+$0x0], $0xffff  }
0x23a: {  	v47 =	vadd.s32 $0xA, v18;
	v11 =	vmul.f32 v11, v42;
	v51 =	vmul.f32 v51, v8;
	v52 =	vld.idx.msk [tilespmem:v57+s16+$0x0], $0xffff  }
0x23b: {  	v9 =	vmul.f32 v9, v43;
	v50 =	vadd.f32 v58, v55;
	v55 =	vadd.s32 $0xA, v23;
	v35 =	vld.idx.msk [tilespmem:v35+s16+$0x0], $0xffff  }
0x23c: {  	v10 =	vmul.f32 v10, v36;
	v5 =	vadd.s32 $0x9, v23;
	v14 =	vadd.f32 v14, v51;
	v56 =	vld.idx.msk [tilespmem:v56+s16+$0x0], $0xffff  }
0x23d: {  	v9 =	vadd.f32 v9, v11;
	v11 =	vadd.s32 $0x600A, v23;
	v53 =	vld.idx.msk [tilespmem:v62+s16+$0x0], $0xffff;
	v13 =	vmul.f32 v13, v25  }
0x23e: {  	v51 =	vadd.s32 $0x600A, v18;
	v50 =	vmul.f32 v50, v7;
	v46 =	vld.idx.msk [tilespmem:v46+s16+$0x0], $0xffff;
	v14 =	vmul.f32 v14, v3  }
0x23f: {  	v62 =	vadd.s32 $0xB, v18;
	v47 =	vld.idx.msk [tilespmem:v47+s16+$0x0], $0xffff;
	v10 =	vadd.f32 v10, v13;
	v13 =	vadd.s32 $0xB, v23  }
0x240: {  	v48 =	vmul.f32 v48, v26;
	v9 =	vadd.f32 v14, v9;
	v14 =	vadd.f32 v50, v54;
	v54 =	vld.idx.msk [tilespmem:v55+s16+$0x0], $0xffff  }
0x241: {  	v32 =	vadd.f32 v32, v49;
	v23 =	vadd.s32 $0x600B, v23;
	v5 =	vld.idx.msk [tilespmem:v5+s16+$0x0], $0xffff  }
0x242: {  	v58 =	vadd.s32 $0xB, v1;
	v11 =	vld.idx.msk [tilespmem:v11+s16+$0x0], $0xffff;
	v10 =	vadd.f32 v48, v10;
	v9 =	vadd.f32 v14, v9  }
0x243: {  	v57 =	vld.idx.msk [tilespmem:v51+s16+$0x0], $0xffff;
	v14 =	vadd.s32 $0x600B, v18;
	v18 =	vmul.f32 v31, v8;
	v31 =	vsub.f32 v37, v12  }
0x244: {  	v10 =	vadd.f32 v32, v10;
	[tilespmem:v4+s17+$0x0] =	vst.idx.msk $0xffff, v9;
	v4 =	vadd.s32 $0xA, v1;
	v32 =	vld.idx.msk [tilespmem:v62+s16+$0x0], $0xffff  }
0x245: {  	v9 =	vadd.s32 $0x8, v44;
	v13 =	vld.idx.msk [tilespmem:v13+s16+$0x0], $0xffff  }
0x246: {  	v62 =	vadd.s32 $0x8, v45;
	v55 =	vmul.f32 v31, v22;
	v31 =	vld.idx.msk [tilespmem:v23+s16+$0x0], $0xffff  }
0x247: {  	v21 =	vadd.f32 v40, v41;
	v35 =	vsub.f32 v35, v52;
	v44 =	vadd.s32 $0x6008, v44;
	v48 =	vld.idx.msk [tilespmem:v58+s16+$0x0], $0xffff  }
0x248: {  	v51 =	vadd.s32 $0xA, v39;
	v46 =	vsub.f32 v46, v53;
	v45 =	vadd.s32 $0x6008, v45;
	v14 =	vld.idx.msk [tilespmem:v14+s16+$0x0], $0xffff  }
0x249: {  	v35 =	vmul.f32 v35, v22;
	v23 =	vsub.f32 v56, v5;
	v56 =	vadd.s32 $0x9, v1;
	v49 =	vld.idx.msk [tilespmem:v4+s16+$0x0], $0xffff  }
0x24a: {  	v47 =	vsub.f32 v47, v54;
	v40 =	vsub.f32 v57, v11;
	v57 =	vadd.s32 $0x6009, v1;
	v9 =	vld.idx.msk [tilespmem:v9+s16+$0x0], $0xffff  }
0x24b: {  	v23 =	vmul.f32 v23, v22;
	v4 =	vmul.f32 v46, v22;
	v46 =	vadd.s32 $0x9, v39;
	v37 =	vld.idx.msk [tilespmem:v62+s16+$0x0], $0xffff  }
0x24c: {  	v12 =	vadd.f32 v55, v12;
	v35 =	vadd.f32 v35, v52;
	v44 =	vld.idx.msk [tilespmem:v44+s16+$0x0], $0xffff;
	v62 =	vadd.s32 $0x6009, v39  }
0x24d: {  	v40 =	vmul.f32 v40, v22;
	v45 =	vld.idx.msk [tilespmem:v45+s16+$0x0], $0xffff;
	v23 =	vadd.f32 v23, v5;
	v5 =	vmul.f32 v47, v22  }
0x24e: {  	v50 =	vadd.s32 $0x600A, v39;
	v32 =	vsub.f32 v32, v13;
	v58 =	vadd.f32 v4, v53;
	v53 =	vld.idx.msk [tilespmem:v56+s16+$0x0], $0xffff  }
0x24f: {  	v47 =	vld.idx.msk [tilespmem:v57+s16+$0x0], $0xffff;
	v4 =	vadd.f32 v5, v54;
	v5 =	vadd.f32 v40, v11;
	v11 =	vadd.s32 $0x600A, v1  }
0x250: {  	v12 =	vmul.f32 v12, v8;
	v54 =	vadd.s32 $0xB, v39;
	v14 =	vsub.f32 v14, v31;
	v46 =	vld.idx.msk [tilespmem:v46+s16+$0x0], $0xffff  }
0x251: {  	v1 =	vadd.s32 $0x600B, v1;
	v32 =	vmul.f32 v32, v22;
	v56 =	vmul.f32 v58, v7;
	v58 =	vld.idx.msk [tilespmem:v62+s16+$0x0], $0xffff  }
0x252: {  	v35 =	vmul.f32 v35, v7;
	v41 =	vmul.f32 v14, v22;
	v14 =	vadd.s32 $0x600B, v39;
	v22 =	vld.idx.msk [tilespmem:v51+s16+$0x0], $0xffff  }
0x253: {  	v57 =	vmul.f32 v38, v7;
	v32 =	vadd.f32 v32, v13;
	v13 =	vld.idx.msk [tilespmem:v50+s16+$0x0], $0xffff  }
0x254: {  	v12 =	vadd.f32 v35, v12;
	v23 =	vmul.f32 v23, v8;
	v62 =	vsub.f32 v37, v9;
	v11 =	vld.idx.msk [tilespmem:v11+s16+$0x0], $0xffff  }
0x255: {  	v35 =	vadd.f32 v57, v18;
	v18 =	vsub.f32 v45, v44;
	v27 =	vld.idx.msk [tilespmem:v54+s16+$0x0], $0xffff  }
0x256: {  	v37 =	vmul.f32 v12, v28;
	v23 =	vadd.f32 v56, v23;
	v28 =	vmul.f32 v62, v2;
	v1 =	vld.idx.msk [tilespmem:v1+s16+$0x0], $0xffff  }
0x257: {  	v52 =	vadd.s32 $0x4, v0;
	v12 =	vadd.s32 $0x4, v33;
	v18 =	vmul.f32 v18, v2;
	v14 =	vld.idx.msk [tilespmem:v14+s16+$0x0], $0xffff  }
0x258: {  	v40 =	vmul.f32 v23, v30;
	v23 =	vadd.s32 $0x6004, v33;
	v9 =	vadd.f32 v28, v9  }
0x259: {  	[tilespmem:v6+s17+$0x0] =	vst.idx.msk $0xffff, v10;
	v54 =	vadd.s32 $0x6004, v0;
	v18 =	vadd.f32 v18, v44;
	v51 =	vsub.f32 v46, v53  }
0x25a: {  	v38 =	vsub.f32 v58, v47;
	v22 =	vsub.f32 v22, v49;
	v9 =	vmul.f32 v9, v8  }
0x25b: {  	v18 =	vmul.f32 v18, v7;
	v39 =	vmul.f32 v51, v2;
	v13 =	vsub.f32 v13, v11  }
0x25c: {  	v38 =	vmul.f32 v38, v2;
	v10 =	vsub.f32 v27, v48;
	v14 =	vsub.f32 v14, v1  }
0x25d: {  	v22 =	vmul.f32 v22, v2;
	v39 =	vadd.f32 v39, v53;
	v13 =	vmul.f32 v13, v2  }
0x25e: {  	v12 =	vld.idx.msk [tilespmem:v12+s16+$0x0], $0xffff;
	v10 =	vmul.f32 v10, v2;
	v2 =	vmul.f32 v14, v2;
	v14 =	vadd.s32 $0x6, v0  }
0x25f: {  	v27 =	vld.idx.msk [tilespmem:v52+s16+$0x0], $0xffff;
	v38 =	vadd.f32 v38, v47;
	v11 =	vadd.f32 v13, v11;
	v13 =	vadd.s32 $0x6, v33  }
0x260: {  	v22 =	vadd.f32 v22, v49  }
0x261: {  	v9 =	vadd.f32 v18, v9;
	v18 =	vld.idx.msk [tilespmem:v54+s16+$0x0], $0xffff;
	v39 =	vmul.f32 v39, v8;
	v38 =	vmul.f32 v38, v7  }
0x262: {  	v23 =	vld.idx.msk [tilespmem:v23+s16+$0x0], $0xffff;
	v22 =	vmul.f32 v22, v8;
	v10 =	vadd.f32 v10, v48;
	v11 =	vmul.f32 v11, v7  }
0x263: {  	v58 =	vadd.s32 $0x5, v0;
	v38 =	vadd.f32 v38, v39;
	v1 =	vadd.f32 v2, v1;
	v19 =	vld.idx.msk [tilespmem:v14+s16+$0x0], $0xffff  }
0x264: {  	v2 =	vadd.f32 v11, v22;
	v11 =	vsub.f32 v12, v27;
	v12 =	vld.idx.msk [tilespmem:v13+s16+$0x0], $0xffff  }
0x265: {  	v6 =	vadd.s32 $0x6005, v0;
	v9 =	vmul.f32 v9, v42  }
0x266: {  	v55 =	vadd.s32 $0x6005, v33;
	v10 =	vmul.f32 v10, v8;
	v43 =	vmul.f32 v38, v43  }
0x267: {  	v1 =	vmul.f32 v1, v7;
	v11 =	vmul.f32 v11, v16  }
0x268: {  	v47 =	vld.idx.msk [tilespmem:v58+s16+$0x0], $0xffff;
	v9 =	vadd.f32 v43, v9;
	v13 =	vsub.f32 v23, v18;
	v2 =	vmul.f32 v2, v3  }
0x269: {  	v58 =	vadd.f32 v11, v27;
	v11 =	vsub.f32 v12, v19;
	v12 =	vld [tilespmem:$0x1FF00]  }
0x26a: {  	v57 =	vld.idx.msk [tilespmem:v6+s16+$0x0], $0xffff;
	v10 =	vadd.f32 v1, v10;
	v9 =	vadd.f32 v2, v9  }
0x26b: {  	v6 =	vld.idx.msk [tilespmem:v55+s16+$0x0], $0xffff  }
0x26c: {  	v9 =	vadd.f32 v10, v9;
	v10 =	vmul.f32 v13, v16;
	v13 =	vld [tilespmem:$0x1FF10];
	_ =	sdelay $0x2  }
0x26d: {  	v28 =	vadd.s32 $0x5, v33  }
0x26e: {  	v6 =	vsub.f32 v6, v57  }
0x26f: {  	v62 =	vadd.s32 $0x6006, v0;
	[tilespmem:v12+s17+$0x0] =	vst.idx.msk $0xffff, v13  }
0x270: {  	v44 =	vadd.s32 $0x6006, v33;
	v13 =	vmul.f32 v6, v16;
	v6 =	vld [tilespmem:$0x1FF20];
	_ =	sdelay $0x1  }
0x271: {  	v28 =	vld.idx.msk [tilespmem:v28+s16+$0x0], $0xffff  }
0x272: {  	v15 =	vld [tilespmem:$0x1FF30]  }
0x273: {  	v20 =	vadd.s32 $0x6008, v60;
	v14 =	vld.idx.msk [tilespmem:v62+s16+$0x0], $0xffff  }
0x274: {  	v56 =	vadd.s32 $0x6007, v0;
	v30 =	vadd.s32 $0xA, v33;
	v49 =	vadd.s32 $0x7, v0;
	v23 =	vld.idx.msk [tilespmem:v44+s16+$0x0], $0xffff  }
0x275: {  	v42 =	vadd.s32 $0x6007, v33;
	v48 =	vadd.s32 $0x7, v33;
	v39 =	vadd.s32 $0x8, v60  }
0x276: {  	v38 =	vmul.f32 v32, v8;
	v22 =	vsub.f32 v28, v47;
	v28 =	vadd.s32 $0xA, v0  }
0x277: {  	v62 =	vadd.s32 $0x6009, v0;
	v3 =	vadd.s32 $0x8, v29;
	[tilespmem:v6+s17+$0x0] =	vst.idx.msk $0xffff, v15;
	v6 =	vadd.s32 $0x600A, v33  }
0x278: {  	v1 =	vadd.s32 $0x9, v0;
	v2 =	vadd.s32 $0x6008, v29;
	v29 =	vadd.s32 $0x600A, v0;
	[tilespmem:$0x1FF40] =	vst v6  }
0x279: {  	v23 =	vsub.f32 v23, v14;
	v60 =	vadd.f32 v10, v18;
	[tilespmem:v34+s17+$0x0] =	vst.idx.msk $0xffff, v9;
	v9 =	vadd.s32 $0xB, v33  }
0x27a: {  	v10 =	vmul.f32 v11, v16;
	v12 =	vmul.f32 v22, v16;
	[tilespmem:$0x1FF50] =	vst v9;
	v9 =	vadd.s32 $0xB, v0  }
0x27b: {  	v11 =	vadd.f32 v13, v57;
	v13 =	vld.idx.msk [tilespmem:v49+s16+$0x0], $0xffff;
	[tilespmem:$0x1FF60] =	vst v9;
	v9 =	vmul.f32 v4, v8;
	v4 =	vadd.s32 $0x600B, v33  }
0x27c: {  	v32 =	vmul.f32 v23, v16;
	v18 =	vadd.f32 v10, v19;
	v0 =	vadd.s32 $0x600B, v0;
	v15 =	vld.idx.msk [tilespmem:v48+s16+$0x0], $0xffff;
	[tilespmem:$0x1FF70] =	vst v4  }
0x27d: {  	v52 =	vadd.s32 $0x9, v33;
	v6 =	vadd.f32 v12, v47;
	v12 =	vmul.f32 v5, v7;
	v10 =	vld.idx.msk [tilespmem:v56+s16+$0x0], $0xffff;
	[tilespmem:$0x1FF80] =	vst v0  }
0x27e: {  	s29 =	simm.s32 $0x4;
	s30 =	sadd.s32 $0x20, s30;
	v53 =	vadd.s32 $0x6009, v33;
	v5 =	vmul.f32 v60, v7;
	v4 =	vmul.f32 v58, v8;
	v0 =	vld.idx.msk [tilespmem:v42+s16+$0x0], $0xffff  }
.LBB2_7:
0x27f: {  	v11 =	vmul.f32 v11, v7;
	v6 =	vmul.f32 v6, v8;
	v14 =	vadd.f32 v32, v14  }
0x280: {  	v18 =	vmul.f32 v18, v8  }
0x281: {  	v4 =	vadd.f32 v5, v4;
	v5 =	vadd.f32 v11, v6;
	v6 =	vmul.f32 v14, v7;
	_ =	sdelay $0x1  }
0x282: {  	v4 =	vmul.f32 v4, v25;
	v5 =	vmul.f32 v5, v36;
	v6 =	vadd.f32 v6, v18  }
0x283: {  	v0 =	vsub.f32 v0, v10  }
0x284: {  	v15 =	vsub.f32 v15, v13;
	v4 =	vadd.f32 v5, v4;
	v5 =	vmul.f32 v6, v26;
	_ =	sdelay $0x1  }
0x285: {  	v0 =	vmul.f32 v0, v16;
	v11 =	vmul.f32 v15, v16;
	v4 =	vadd.f32 v5, v4;
	v5 =	vld [tilespmem:$0x1FEC0]  }
0x286: {  	v9 =	vadd.f32 v12, v9  }
0x287: {  	v0 =	vadd.f32 v0, v10;
	v11 =	vadd.f32 v11, v13;
	_ =	sdelay $0x1  }
0x288: {  	v0 =	vmul.f32 v0, v7;
	v11 =	vmul.f32 v11, v8  }
0x289: {  	v5 =	vmul.f32 v9, v5;
	v9 =	vmov v26  }
0x28a: {  	[tilespmem:$0x1FEC0] =	vst v9;
	v9 =	vadd.f32 v0, v11;
	_ =	sdelay $0x1  }
0x28b: {  	v4 =	vadd.f32 v9, v4  }
0x28c: {  	v33 =	vld [tilespmem:s30+$0x0]  }
0x28d: {  	v56 =	vld [tilespmem:s30+$0xFFFFFFF0];
	[tilespmem:v59+s17+$0x0] =	vst.idx.msk $0xffff, v4  }
0x28e: {  	v13 =	vld.idx.msk [tilespmem:v39+s16+$0x0], $0xffff;
	_ =	sdelay $0x4  }
0x28f: {  	v12 =	vmul.f32 $8.000000000e+00, v33;
	[tilespmem:$0x1FD50] =	vst v13;
	v13 =	vld [tilespmem:$0x1FE70];
	_ =	sdelay $0x1  }
0x290: {  	v10 =	vmul.f32 $8.000000000e+00, v56;
	v6 =	vadd.f32 $-5.000000000e-01, v12;
	_ =	sdelay $0x1  }
0x291: {  	v10 =	vadd.f32 $-5.000000000e-01, v10;
	v6 =	vmax.f32 v6, $0.0e+00  }
0x292: {  	v14 =	vadd.f32 v35, v21;
	v0 =	vmin.f32 v6, $7.000000000e+00  }
0x293: {  	v10 =	vmax.f32 v10, $0.0e+00;
	v6 =	vadd.f32 v40, v37;
	v12 =	vtrunc.f32 v0  }
0x294: {  	v10 =	vmin.f32 v10, $7.000000000e+00;
	v11 =	vadd.f32 v41, v31;
	v12 =	vcvt.f32.s32 v12;
	v3 =	vld.idx.msk [tilespmem:v3+s16+$0x0], $0xffff  }
0x295: {  	v9 =	vtrunc.f32 v10;
	v5 =	vadd.f32 v5, v6;
	[tilespmem:v13+s17+$0x0] =	vst.idx.msk $0xffff, v14;
	v13 =	vld [tilespmem:$0x1FEA0]  }
0x296: {  	s26 =	sadd.s32 $0xC00, s26;
	v15 =	vmul.f32 v11, v7;
	v6 =	vcvt.f32.s32 v9;
	v9 =	vmul.u32 $0xC, v12  }
0x297: {  	v22 =	vld [tilespmem:$0x1FFF0];
	v11 =	vadd.s32 s26, v63  }
0x298: {  	v19 =	vld [tilespmem:$0x1FE80];
	[tilespmem:$0x1FDB0] =	vst v15;
	v37 =	vadd.s32 v11, v9  }
0x299: {  	v15 =	vadd.s32 $0x6001, v37;
	[tilespmem:$0x1FD40] =	vst v3;
	v3 =	vmov v5;
	v35 =	vld.idx.msk [tilespmem:v2+s16+$0x0], $0xffff  }
0x29a: {  	[tilespmem:$0x1FE60] =	vst v3;
	v3 =	vadd.s32 $0x1, v6;
	v4 =	vmov v13;
	v13 =	vld.idx.msk [tilespmem:v20+s16+$0x0], $0xffff  }
0x29b: {  	v9 =	vand.u32 $0x4, v9;
	vm0 =	vlt.s32 v3, $0x7;
	v14 =	vadd.s32 $0x6002, v37;
	v2 =	vmovc v24;
	v40 =	vld.idx.msk [tilespmem:v1+s16+$0x0], $0xffff  }
0x29c: {  	v5 =	vmul.u32 $0xC, v6;
	v1 =	vand.u32 $0xFFFFFFF8, v37;
	v17 =	vld.idx.msk [tilespmem:v52+s16+$0x0], $0xffff;
	[tilespmem:$0x1FEA0] =	vst v2;
	v2 =	vnsel vm0, $0x7, v3  }
0x29d: {  	s0 =	sadd.s32 $0xFFFFFA00, s26;
	v21 =	vld [tilespmem:$0x1FFE0];
	v3 =	vadd.s32 $0x6003, v37;
	v58 =	vor.u32 v9, v1;
	v2 =	vmul.u32 $0xC, v2  }
0x29e: {  	v15 =	vld.idx.msk [tilespmem:v15+s16+$0x0], $0xffff;
	v9 =	vor.u32 $0x3, v58;
	v24 =	vadd.s32 $0x6000, v58;
	[tilespmem:$0x1FE70] =	vst v4;
	v4 =	vadd.s32 s0, v63  }
0x29f: {  	v41 =	vld.idx.msk [tilespmem:v62+s16+$0x0], $0xffff;
	v42 =	vadd.s32 v4, v5;
	v51 =	vadd.s32 v4, v2;
	[tilespmem:$0x1FD60] =	vst v13;
	v13 =	vadd.s32 $0x1, v12  }
0x2a0: {  	[tilespmem:$0x1FDA0] =	vst v25;
	v14 =	vld.idx.msk [tilespmem:v14+s16+$0x0], $0xffff;
	v2 =	vand.u32 $0x4, v2;
	v5 =	vand.u32 $0x4, v5;
	vm15 =	vlt.s32 v13, $0x7  }
0x2a1: {  	v20 =	vld [tilespmem:$0x1FE90];
	[tilespmem:$0x1FD70] =	vst v17;
	v31 =	vadd.s32 $0x6001, v51;
	v17 =	vadd.s32 $0x4, v51;
	v4 =	vnsel vm15, $0x7, v13  }
0x2a2: {  	v3 =	vld.idx.msk [tilespmem:v3+s16+$0x0], $0xffff;
	v1 =	vand.u32 $0xFFFFFFF8, v51;
	[tilespmem:$0x1FDD0] =	vst v17;
	v17 =	vadd.s32 $0x6004, v51;
	v4 =	vmul.u32 $0xC, v4  }
0x2a3: {  	v18 =	vand.u32 $0xFFFFFFF8, v42;
	v2 =	vor.u32 v2, v1;
	[tilespmem:$0x1FDF0] =	vst v17;
	v17 =	vadd.s32 $0x5, v51;
	v13 =	vld.idx.msk [tilespmem:v53+s16+$0x0], $0xffff  }
0x2a4: {  	v9 =	vld.idx.msk [tilespmem:v9+s16+$0x0], $0xffff;
	[tilespmem:$0x1FE00] =	vst v17;
	v17 =	vadd.s32 $0x4, v42;
	v47 =	vadd.s32 v11, v4;
	v11 =	vor.u32 $0x1, v58  }
0x2a5: {  	v1 =	vor.u32 v5, v18;
	v18 =	vld.idx.msk [tilespmem:v58+s16+$0x0], $0xffff;
	[tilespmem:$0x1FD90] =	vst v17;
	v17 =	vadd.s32 $0x6004, v42;
	v25 =	vadd.s32 $0x6003, v47  }
0x2a6: {  	[tilespmem:$0x1FDE0] =	vst v17;
	v17 =	vadd.s32 $0x6005, v51;
	v31 =	vld.idx.msk [tilespmem:v31+s16+$0x0], $0xffff;
	v57 =	vadd.s32 $0x6002, v47  }
0x2a7: {  	[tilespmem:$0x1FE10] =	vst v17;
	v17 =	vld [tilespmem:$0x1FEE0];
	v4 =	vand.u32 $0x4, v4;
	v59 =	vand.u32 $0xFFFFFFF8, v47;
	v34 =	vadd.s32 $0x6001, v47  }
0x2a8: {  	[tilespmem:$0x1FD80] =	vst v13;
	v13 =	vor.u32 $0x2, v58;
	v63 =	vor.u32 v4, v59;
	v4 =	vld.idx.msk [tilespmem:v24+s16+$0x0], $0xffff  }
0x2a9: {  	v11 =	vld.idx.msk [tilespmem:v11+s16+$0x0], $0xffff  }
0x2aa: {  	s28 =	sadd.s32 $0x60, s28;
	v6 =	vcvt.s32.f32 v6;
	v43 =	vadd.s32 $0x6000, v63;
	v25 =	vld.idx.msk [tilespmem:v25+s16+$0x0], $0xffff  }
0x2ab: {  	v60 =	vadd.s32 s28, v61;
	v56 =	vadd.s32 s28, v21;
	v48 =	vor.u32 $0x1, v63;
	v32 =	vld.idx.msk [tilespmem:v57+s16+$0x0], $0xffff  }
0x2ac: {  	v56 =	vand.u32 $0x7FFFFFF8, v56;
	v33 =	vsub.f32 v10, v6;
	v50 =	vor.u32 $0x3, v63;
	v54 =	vld.idx.msk [tilespmem:v34+s16+$0x0], $0xffff  }
0x2ad: {  	v46 =	vadd.s32 $0x6002, v51;
	v49 =	vadd.s32 $0x6002, v42;
	v34 =	vor.u32 $0x2, v63;
	v13 =	vld.idx.msk [tilespmem:v13+s16+$0x0], $0xffff  }
0x2ae: {  	v10 =	vadd.s32 $0x6003, v42;
	v5 =	vadd.s32 $0x6000, v2;
	v26 =	vor.u32 $0x1, v2;
	v55 =	vld.idx.msk [tilespmem:v63+s16+$0x0], $0xffff  }
0x2af: {  	[tilespmem:$0x1FDC0] =	vst v38;
	v38 =	vadd.s32 $0x6000, v1;
	v39 =	vor.u32 $0x1, v1;
	v44 =	vor.u32 $0x2, v2;
	v62 =	vld.idx.msk [tilespmem:v43+s16+$0x0], $0xffff  }
0x2b0: {  	v45 =	vor.u32 $0x2, v1;
	v6 =	vor.u32 $0x3, v1;
	v12 =	vcvt.s32.f32 v12;
	v48 =	vld.idx.msk [tilespmem:v48+s16+$0x0], $0xffff  }
0x2b1: {  	v23 =	vadd.s32 v20, v56;
	v24 =	vadd.s32 $0x6001, v42;
	v59 =	vadd.s32 s28, v22;
	v50 =	vld.idx.msk [tilespmem:v50+s16+$0x0], $0xffff  }
0x2b2: {  	v57 =	vand.u32 $0x7FFFFFF8, v60;
	v43 =	vsub.f32 v0, v12;
	v0 =	vand.u32 $0x7FFFFFF8, v59;
	v60 =	vld.idx.msk [tilespmem:v34+s16+$0x0], $0xffff  }
0x2b3: {  	v12 =	vld.idx.msk [tilespmem:v26+s16+$0x0], $0xffff;
	v26 =	vadd.s32 v17, v57;
	v32 =	vsub.f32 v32, v14;
	v25 =	vsub.f32 v25, v3  }
0x2b4: {  	v10 =	vld.idx.msk [tilespmem:v10+s16+$0x0], $0xffff;
	v0 =	vadd.s32 v19, v0;
	v54 =	vsub.f32 v54, v15;
	v55 =	vsub.f32 v55, v18  }
0x2b5: {  	v56 =	vld.idx.msk [tilespmem:v2+s16+$0x0], $0xffff;
	v62 =	vsub.f32 v62, v4;
	v48 =	vsub.f32 v48, v11;
	v25 =	vmul.f32 v25, v43  }
0x2b6: {  	v5 =	vld.idx.msk [tilespmem:v5+s16+$0x0], $0xffff;
	v54 =	vmul.f32 v54, v43;
	v59 =	vsub.f32 v50, v9;
	v55 =	vmul.f32 v43, v55  }
0x2b7: {  	v38 =	vld.idx.msk [tilespmem:v38+s16+$0x0], $0xffff;
	v57 =	vmul.f32 v62, v43;
	v48 =	vmul.f32 v48, v43;
	v60 =	vsub.f32 v60, v13  }
0x2b8: {  	v39 =	vld.idx.msk [tilespmem:v39+s16+$0x0], $0xffff;
	v32 =	vmul.f32 v32, v43;
	v15 =	vadd.f32 v54, v15;
	v18 =	vadd.f32 v55, v18  }
0x2b9: {  	v50 =	vld.idx.msk [tilespmem:v26+s14+$0x0], $0xffff;
	v4 =	vadd.f32 v57, v4;
	v11 =	vadd.f32 v48, v11;
	v34 =	vmul.f32 v60, v43  }
0x2ba: {  	v54 =	vld.idx.msk [tilespmem:v0+s14+$0x0], $0xffff;
	v14 =	vadd.f32 v32, v14;
	v15 =	vmul.f32 v15, v7;
	v18 =	vmul.f32 v18, v8  }
0x2bb: {  	v44 =	vld.idx.msk [tilespmem:v44+s16+$0x0], $0xffff;
	v4 =	vmul.f32 v4, v7;
	v11 =	vmul.f32 v11, v8;
	v13 =	vadd.f32 v34, v13  }
0x2bc: {  	v52 =	vor.u32 $0x3, v2;
	v62 =	vmul.f32 v59, v43;
	v55 =	vld.idx.msk [tilespmem:v23+s14+$0x0], $0xffff;
	v14 =	vmul.f32 v14, v7  }
0x2bd: {  	v60 =	vld.idx.msk [tilespmem:v1+s16+$0x0], $0xffff;
	v4 =	vadd.f32 v4, v18;
	v11 =	vadd.f32 v15, v11;
	v13 =	vmul.f32 v13, v8  }
0x2be: {  	v53 =	vadd.s32 $0x6003, v51;
	v6 =	vld.idx.msk [tilespmem:v6+s16+$0x0], $0xffff;
	v3 =	vadd.f32 v25, v3;
	v9 =	vadd.f32 v62, v9  }
0x2bf: {  	v24 =	vld.idx.msk [tilespmem:v24+s16+$0x0], $0xffff;
	v4 =	vmul.f32 v4, v50;
	v11 =	vmul.f32 v11, v54;
	v13 =	vadd.f32 v14, v13  }
0x2c0: {  	v5 =	vsub.f32 v5, v38;
	v32 =	vld.idx.msk [tilespmem:v49+s16+$0x0], $0xffff;
	v3 =	vmul.f32 v3, v7;
	v9 =	vmul.f32 v9, v8  }
0x2c1: {  	v12 =	vsub.f32 v12, v39;
	v15 =	vld.idx.msk [tilespmem:v46+s16+$0x0], $0xffff;
	v4 =	vadd.f32 v11, v4;
	v11 =	vmul.f32 v13, v55  }
0x2c2: {  	v18 =	vld.idx.msk [tilespmem:v45+s16+$0x0], $0xffff;
	v3 =	vadd.f32 v3, v9;
	v14 =	vsub.f32 v56, v60  }
0x2c3: {  	v46 =	vld.idx.msk [tilespmem:v52+s16+$0x0], $0xffff;
	v56 =	vadd.s32 $0x7, v47;
	v4 =	vadd.f32 v11, v4;
	v11 =	vadd.s32 $0x7, v37  }
0x2c4: {  	v9 =	vld.idx.msk [tilespmem:v28+s16+$0x0], $0xffff;
	v13 =	vmul.f32 v33, v14;
	v14 =	vmul.f32 v12, v33;
	v12 =	vsub.f32 v31, v24  }
0x2c5: {  	s31 =	sadd.s32 $0xFFFFFFD0, s28;
	v5 =	vmul.f32 v5, v33;
	v59 =	vadd.s32 $0x6007, v47;
	v45 =	vld.idx.msk [tilespmem:v30+s16+$0x0], $0xffff;
	v3 =	vadd.f32 v3, v4  }
0x2c6: {  	v31 =	vld.idx.msk [tilespmem:v53+s16+$0x0], $0xffff;
	v34 =	vmul.f32 v12, v33;
	v12 =	vadd.s32 s31, v22;
	v4 =	vadd.s32 $0x6007, v37  }
0x2c7: {  	v30 =	vadd.s32 $0x6, v47;
	v28 =	vand.u32 $0xFF8, v12;
	v12 =	vld.idx.msk [tilespmem:v29+s16+$0x0], $0xffff;
	[tilespmem:v26+s17+$0x0] =	vst.idx.msk $0xffff, v3  }
0x2c8: {  	v5 =	vadd.f32 v5, v38;
	v25 =	vadd.s32 s31, v61;
	v61 =	vadd.s32 $0x4, v47;
	v3 =	vld.idx.msk [tilespmem:v11+s16+$0x0], $0xffff  }
0x2c9: {  	v25 =	vand.u32 $0xFF8, v25;
	v48 =	vadd.s32 $0x5, v37;
	v52 =	vadd.s32 $0x6004, v47;
	v38 =	vld.idx.msk [tilespmem:v56+s16+$0x0], $0xffff  }
0x2ca: {  	v15 =	vsub.f32 v15, v32;
	v29 =	vadd.s32 v17, v25;
	v25 =	vadd.s32 v19, v28;
	v28 =	vld.idx.msk [tilespmem:v59+s16+$0x0], $0xffff  }
0x2cb: {  	v5 =	vmul.f32 v5, v7;
	v62 =	vadd.s32 s31, v21;
	v49 =	vld.idx.msk [tilespmem:v4+s16+$0x0], $0xffff;
	v4 =	vadd.s32 $0x6004, v37  }
0x2cc: {  	v44 =	vsub.f32 v44, v18;
	v15 =	vmul.f32 v15, v33;
	v26 =	vadd.s32 $0x6, v37;
	v30 =	vld.idx.msk [tilespmem:v30+s16+$0x0], $0xffff  }
0x2cd: {  	v11 =	vadd.f32 v13, v60;
	v13 =	vadd.f32 v34, v24;
	v24 =	vadd.s32 $0x4, v37;
	v59 =	vld.idx.msk [tilespmem:v61+s16+$0x0], $0xffff  }
0x2ce: {  	v57 =	vadd.s32 $0x5, v47;
	v14 =	vadd.f32 v14, v39;
	v60 =	vmul.f32 v44, v33;
	v52 =	vld.idx.msk [tilespmem:v52+s16+$0x0], $0xffff  }
0x2cf: {  	v15 =	vadd.f32 v15, v32;
	v32 =	vadd.s32 $0x6005, v37;
	v19 =	vld.idx.msk [tilespmem:v48+s16+$0x0], $0xffff;
	v11 =	vmul.f32 v11, v8  }
0x2d0: {  	v14 =	vmul.f32 v14, v8;
	v18 =	vadd.f32 v60, v18;
	v60 =	vld.idx.msk [tilespmem:v4+s16+$0x0], $0xffff;
	v4 =	vadd.s32 $0x6005, v47  }
0x2d1: {  	v53 =	vld.idx.msk [tilespmem:v26+s16+$0x0], $0xffff;
	v26 =	vand.u32 $0xFF8, v62;
	v62 =	vadd.f32 v5, v11;
	v5 =	vadd.s32 $0x6006, v37  }
0x2d2: {  	v13 =	vmul.f32 v13, v7;
	v56 =	vld.idx.msk [tilespmem:v24+s16+$0x0], $0xffff;
	v24 =	vadd.s32 v20, v26;
	v26 =	vadd.s32 $0x6006, v47  }
0x2d3: {  	v31 =	vsub.f32 v31, v10;
	v34 =	vsub.f32 v46, v6;
	v48 =	vld.idx.msk [tilespmem:v57+s16+$0x0], $0xffff  }
0x2d4: {  	v57 =	vld.idx.msk [tilespmem:v32+s16+$0x0], $0xffff;
	v61 =	vadd.f32 v13, v14;
	v11 =	vmul.f32 v18, v8;
	v13 =	vmul.f32 v15, v7  }
0x2d5: {  	v31 =	vmul.f32 v31, v33;
	v18 =	vmul.f32 v34, v33;
	v17 =	vld.idx.msk [tilespmem:v4+s16+$0x0], $0xffff  }
0x2d6: {  	v27 =	vsub.f32 v38, v3;
	v20 =	vadd.f32 v13, v11;
	v21 =	vld.idx.msk [tilespmem:v5+s16+$0x0], $0xffff  }
0x2d7: {  	v39 =	vadd.s32 $0x8, v2;
	v6 =	vadd.f32 v18, v6;
	v11 =	vadd.f32 v31, v10;
	v31 =	vld.idx.msk [tilespmem:v26+s16+$0x0], $0xffff  }
0x2d8: {  	v2 =	vadd.s32 $0x6008, v2;
	v38 =	vsub.f32 v48, v19;
	v28 =	vsub.f32 v28, v49  }
0x2d9: {  	[tilespmem:$0x1FE50] =	vst v2;
	v27 =	vmul.f32 v27, v43;
	v22 =	vmul.f32 v6, v8;
	v2 =	vsub.f32 v59, v56  }
0x2da: {  	[tilespmem:$0x1FE40] =	vst v23;
	v23 =	vmul.f32 v11, v7;
	v52 =	vsub.f32 v52, v60;
	v17 =	vsub.f32 v17, v57  }
0x2db: {  	v30 =	vsub.f32 v30, v53;
	v59 =	vmul.f32 v38, v43;
	v2 =	vmul.f32 v2, v43  }
0x2dc: {  	v52 =	vmul.f32 v52, v43;
	v34 =	vsub.f32 v31, v21;
	v17 =	vmul.f32 v17, v43  }
0x2dd: {  	v30 =	vmul.f32 v30, v43;
	v19 =	vadd.f32 v59, v19;
	v2 =	vadd.f32 v2, v56  }
0x2de: {  	v52 =	vadd.f32 v52, v60;
	v34 =	vmul.f32 v34, v43;
	v17 =	vadd.f32 v17, v57  }
0x2df: {  	v5 =	vld.idx.msk [tilespmem:v25+s14+$0x0], $0xffff;
	v30 =	vadd.f32 v30, v53;
	v19 =	vmul.f32 v19, v8;
	v2 =	vmul.f32 v2, v8  }
0x2e0: {  	[tilespmem:$0x1FE30] =	vst v25;
	v25 =	vld [tilespmem:$0x1FF60];
	v52 =	vmul.f32 v52, v7;
	v21 =	vadd.f32 v34, v21;
	v17 =	vmul.f32 v17, v7  }
0x2e1: {  	v28 =	vmul.f32 v28, v43;
	v26 =	vld.idx.msk [tilespmem:v24+s14+$0x0], $0xffff;
	v22 =	vadd.f32 v23, v22;
	v23 =	vmul.f32 v30, v8  }
0x2e2: {  	[tilespmem:$0x1FE20] =	vst v24;
	v24 =	vld [tilespmem:$0x1FF40];
	v2 =	vadd.f32 v52, v2;
	v17 =	vadd.f32 v17, v19;
	v19 =	vmul.f32 v21, v7  }
0x2e3: {  	v3 =	vadd.f32 v27, v3;
	v27 =	vadd.f32 v28, v49;
	v31 =	vld [tilespmem:$0x1FF50]  }
0x2e4: {  	v2 =	vmul.f32 v2, v50;
	v17 =	vmul.f32 v17, v54;
	v19 =	vadd.f32 v19, v23  }
0x2e5: {  	v3 =	vmul.f32 v3, v8  }
0x2e6: {  	v28 =	vld [tilespmem:$0x1FD40];
	v2 =	vadd.f32 v17, v2;
	v17 =	vmul.f32 v19, v55;
	v19 =	vmul.f32 v27, v7  }
0x2e7: {  	v4 =	vld.idx.msk [tilespmem:v29+s14+$0x0], $0xffff  }
0x2e8: {  	v60 =	vld [tilespmem:$0x1FF70];
	v17 =	vadd.f32 v17, v2;
	v19 =	vadd.f32 v19, v3  }
0x2e9: {  	v48 =	vld.idx.msk [tilespmem:v25+s16+$0x0], $0xffff  }
0x2ea: {  	v24 =	vld.idx.msk [tilespmem:v24+s16+$0x0], $0xffff;
	v17 =	vadd.f32 v19, v17;
	v19 =	vadd.s32 $0x600B, v37  }
0x2eb: {  	v25 =	vmov v36;
	v36 =	vld.idx.msk [tilespmem:v31+s16+$0x0], $0xffff  }
0x2ec: {  	v45 =	vsub.f32 v45, v9;
	v23 =	vmul.f32 v61, v5;
	v61 =	vld [tilespmem:$0x1FD70]  }
0x2ed: {  	v31 =	vld [tilespmem:$0x1FF80]  }
0x2ee: {  	v45 =	vmul.f32 v45, v16;
	v14 =	vadd.s32 $0x6, v51;
	v27 =	vld [tilespmem:$0x1FD50];
	[tilespmem:v0+s17+$0x0] =	vst.idx.msk $0xffff, v17  }
0x2ef: {  	v13 =	vadd.s32 $0x6006, v51;
	v10 =	vadd.s32 $0x7, v51;
	v24 =	vsub.f32 v24, v12;
	v49 =	vld.idx.msk [tilespmem:v19+s16+$0x0], $0xffff  }
0x2f0: {  	v6 =	vadd.s32 $0x6007, v51;
	v53 =	vadd.s32 $0x6009, v51;
	v21 =	vmul.f32 v62, v4;
	v19 =	vld [tilespmem:$0x1FD60]  }
0x2f1: {  	v20 =	vmul.f32 v20, v26;
	v24 =	vmul.f32 v24, v16;
	v57 =	vsub.f32 v61, v40;
	v61 =	vld [tilespmem:$0x1FD80]  }
0x2f2: {  	v30 =	vadd.s32 $0xA, v51;
	v34 =	vadd.s32 $0x8, v63;
	v21 =	vadd.f32 v23, v21  }
0x2f3: {  	v52 =	vadd.s32 $0x9, v51;
	v56 =	vld.idx.msk [tilespmem:v60+s16+$0x0], $0xffff;
	v60 =	vadd.s32 $0xB, v51;
	v12 =	vadd.f32 v24, v12  }
0x2f4: {  	[tilespmem:$0x1FF50] =	vst v60;
	v60 =	vadd.s32 $0xB, v42;
	v36 =	vsub.f32 v36, v48;
	v20 =	vadd.f32 v20, v21  }
0x2f5: {  	[tilespmem:$0x1FF60] =	vst v60;
	v60 =	vadd.s32 $0x9, v47;
	v27 =	vsub.f32 v27, v28;
	v19 =	vsub.f32 v19, v35  }
0x2f6: {  	v21 =	vadd.s32 $0xB, v47;
	v20 =	vadd.f32 v22, v20;
	v59 =	vsub.f32 v61, v41  }
0x2f7: {  	v31 =	vld.idx.msk [tilespmem:v31+s16+$0x0], $0xffff;
	v22 =	vadd.s32 $0x600B, v47;
	v27 =	vmul.f32 v27, v16;
	v19 =	vmul.f32 v19, v16  }
0x2f8: {  	v57 =	vmul.f32 v57, v16;
	v0 =	vadd.s32 $0x600A, v51;
	v59 =	vmul.f32 v59, v16  }
0x2f9: {  	[tilespmem:v29+s17+$0x0] =	vst.idx.msk $0xffff, v20;
	v20 =	vadd.s32 $0xA, v47;
	v27 =	vadd.f32 v27, v28;
	v19 =	vadd.f32 v19, v35  }
0x2fa: {  	v51 =	vadd.s32 $0x600B, v51;
	v41 =	vadd.f32 v59, v41;
	v35 =	vadd.f32 v57, v40  }
0x2fb: {  	[tilespmem:$0x1FF70] =	vst v51;
	v51 =	vadd.s32 $0x6008, v63;
	v27 =	vmul.f32 v27, v8;
	v19 =	vmul.f32 v19, v7  }
0x2fc: {  	v24 =	vsub.f32 v56, v31;
	v41 =	vmul.f32 v41, v7;
	v35 =	vmul.f32 v35, v8  }
0x2fd: {  	v63 =	vadd.s32 $0x6009, v47;
	v40 =	vadd.s32 $0x600A, v47;
	v47 =	vld.idx.msk [tilespmem:v60+s16+$0x0], $0xffff;
	v19 =	vadd.f32 v19, v27  }
0x2fe: {  	v27 =	vmul.f32 v36, v16;
	v60 =	vadd.f32 v41, v35;
	v41 =	vmul.f32 v24, v16;
	v16 =	vld [tilespmem:$0x1FD90];
	_ =	sdelay $0x1  }
0x2ff: {  	v23 =	vadd.s32 $0xB, v37  }
0x300: {  	v46 =	vadd.s32 $0x5, v42;
	v44 =	vadd.s32 $0x6, v42  }
0x301: {  	v32 =	vadd.s32 $0x7, v42;
	v15 =	vadd.s32 $0x6005, v42;
	v18 =	vadd.s32 $0x6006, v42  }
0x302: {  	v11 =	vadd.s32 $0x6007, v42;
	v38 =	vadd.s32 $0xA, v42;
	v62 =	vadd.s32 $0x6009, v42  }
0x303: {  	v3 =	vadd.s32 $0x8, v1;
	v2 =	vadd.s32 $0x6008, v1;
	v1 =	vadd.s32 $0x9, v42  }
0x304: {  	v17 =	vadd.s32 $0xA, v37;
	v29 =	vadd.s32 $0x600A, v42;
	v42 =	vadd.s32 $0x600B, v42;
	[tilespmem:$0x1FF40] =	vst v0;
	v0 =	vld.idx.msk [tilespmem:v23+s16+$0x0], $0xffff  }
0x305: {  	[tilespmem:$0x1FF80] =	vst v42;
	v42 =	vadd.s32 $0x9, v37;
	v61 =	vadd.s32 $0x6009, v37;
	v37 =	vadd.s32 $0x600A, v37;
	v24 =	vld.idx.msk [tilespmem:v16+s16+$0x0], $0xffff  }
0x306: {  	v16 =	vld [tilespmem:$0x1FDA0]  }
0x307: {  	v34 =	vld.idx.msk [tilespmem:v34+s16+$0x0], $0xffff  }
0x308: {  	v36 =	vld.idx.msk [tilespmem:v40+s16+$0x0], $0xffff  }
0x309: {  	v40 =	vmul.f32 v60, v25;
	v25 =	vld [tilespmem:$0x1FDE0]  }
0x30a: {  	v23 =	vadd.s32 $0x8, v58;
	v56 =	vld.idx.msk [tilespmem:v37+s16+$0x0], $0xffff  }
0x30b: {  	v58 =	vadd.s32 $0x6008, v58;
	v37 =	vmul.f32 v19, v16;
	v19 =	vld [tilespmem:$0x1FDB0]  }
0x30c: {  	v16 =	vadd.f32 v27, v48;
	v27 =	vld [tilespmem:$0x1FDC0]  }
0x30d: {  	v22 =	vld.idx.msk [tilespmem:v22+s16+$0x0], $0xffff  }
0x30e: {  	v17 =	vld.idx.msk [tilespmem:v17+s16+$0x0], $0xffff  }
0x30f: {  	v23 =	vld.idx.msk [tilespmem:v23+s16+$0x0], $0xffff  }
0x310: {  	v58 =	vld.idx.msk [tilespmem:v58+s16+$0x0], $0xffff  }
0x311: {  	v35 =	vadd.f32 v19, v27;
	v27 =	vld.idx.msk [tilespmem:v25+s16+$0x0], $0xffff  }
0x312: {  	v25 =	vld [tilespmem:$0x1FE00]  }
0x313: {  	v42 =	vld.idx.msk [tilespmem:v42+s16+$0x0], $0xffff  }
0x314: {  	v9 =	vadd.f32 v45, v9;
	v45 =	vld.idx.msk [tilespmem:v63+s16+$0x0], $0xffff  }
0x315: {  	v57 =	vld.idx.msk [tilespmem:v61+s16+$0x0], $0xffff  }
0x316: {  	v51 =	vld.idx.msk [tilespmem:v51+s16+$0x0], $0xffff  }
0x317: {  	v20 =	vld.idx.msk [tilespmem:v20+s16+$0x0], $0xffff  }
0x318: {  	v21 =	vld.idx.msk [tilespmem:v21+s16+$0x0], $0xffff  }
0x319: {  	v47 =	vsub.f32 v47, v42;
	v19 =	vld [tilespmem:$0x1FDD0]  }
0x31a: {  	v22 =	vsub.f32 v22, v49;
	v45 =	vsub.f32 v45, v57;
	v60 =	vld.idx.msk [tilespmem:v25+s16+$0x0], $0xffff  }
0x31b: {  	v34 =	vsub.f32 v34, v23;
	v59 =	vsub.f32 v51, v58;
	v47 =	vmul.f32 v47, v43;
	v25 =	vld [tilespmem:$0x1FE10]  }
0x31c: {  	v28 =	vmovc v38;
	v20 =	vsub.f32 v20, v17;
	v45 =	vmul.f32 v45, v43;
	v38 =	vmul.f32 v16, v8;
	v16 =	vld [tilespmem:$0x1FDF0]  }
0x31d: {  	v34 =	vmul.f32 v34, v43;
	v42 =	vadd.f32 v47, v42;
	v48 =	vmul.f32 v59, v43  }
0x31e: {  	v46 =	vld.idx.msk [tilespmem:v46+s16+$0x0], $0xffff;
	v20 =	vmul.f32 v20, v43;
	v45 =	vadd.f32 v45, v57;
	v36 =	vsub.f32 v36, v56  }
0x31f: {  	v42 =	vmul.f32 v42, v8;
	v59 =	vld.idx.msk [tilespmem:v15+s16+$0x0], $0xffff;
	v15 =	vadd.f32 v34, v23;
	v23 =	vadd.f32 v48, v58  }
0x320: {  	v17 =	vadd.f32 v20, v17;
	v20 =	vld.idx.msk [tilespmem:v14+s16+$0x0], $0xffff;
	v45 =	vmul.f32 v45, v7;
	v36 =	vmul.f32 v36, v43  }
0x321: {  	v21 =	vsub.f32 v21, v0;
	v14 =	vld.idx.msk [tilespmem:v18+s16+$0x0], $0xffff;
	v15 =	vmul.f32 v15, v8;
	v23 =	vmul.f32 v23, v7  }
0x322: {  	v18 =	vmul.f32 v22, v43;
	v36 =	vadd.f32 v36, v56;
	v19 =	vld.idx.msk [tilespmem:v19+s16+$0x0], $0xffff  }
0x323: {  	v21 =	vmul.f32 v21, v43;
	v42 =	vadd.f32 v45, v42;
	v23 =	vadd.f32 v23, v15;
	v48 =	vld.idx.msk [tilespmem:v25+s16+$0x0], $0xffff  }
0x324: {  	v17 =	vmul.f32 v17, v8;
	v18 =	vadd.f32 v18, v49;
	v36 =	vmul.f32 v36, v7;
	v16 =	vld.idx.msk [tilespmem:v16+s16+$0x0], $0xffff  }
0x325: {  	v0 =	vadd.f32 v21, v0;
	v15 =	vld.idx.msk [tilespmem:v10+s16+$0x0], $0xffff;
	v21 =	vmul.f32 v23, v50;
	v23 =	vmul.f32 v42, v54  }
0x326: {  	v18 =	vmul.f32 v18, v7;
	v17 =	vadd.f32 v36, v17;
	v10 =	vld.idx.msk [tilespmem:v11+s16+$0x0], $0xffff  }
0x327: {  	v11 =	vmul.f32 v0, v8;
	v0 =	vld.idx.msk [tilespmem:v6+s16+$0x0], $0xffff;
	v6 =	vadd.f32 v23, v21;
	v19 =	vsub.f32 v19, v24  }
0x328: {  	v17 =	vmul.f32 v17, v55;
	v58 =	vsub.f32 v60, v46;
	v60 =	vsub.f32 v48, v59  }
0x329: {  	v44 =	vld.idx.msk [tilespmem:v44+s16+$0x0], $0xffff;
	v57 =	vsub.f32 v16, v27;
	v16 =	vmov v33;
	v19 =	vmul.f32 v19, v33  }
0x32a: {  	v11 =	vadd.f32 v18, v11;
	v6 =	vadd.f32 v17, v6;
	v25 =	vmovc v4;
	v4 =	vmul.f32 v60, v16  }
0x32b: {  	v22 =	vld.idx.msk [tilespmem:v13+s16+$0x0], $0xffff;
	v18 =	vadd.f32 v19, v24  }
0x32c: {  	v19 =	vadd.f32 v11, v6;
	v11 =	vadd.f32 v4, v59;
	v4 =	vld [tilespmem:$0x1FE40]  }
0x32d: {  	v21 =	vmul.f32 v57, v33  }
0x32e: {  	s29 =	sadd.s32 $0x2, s29;
	v63 =	vld [tilespmem:$0x1FFD0];
	v36 =	vmov v5;
	v5 =	vsub.f32 v20, v44  }
0x32f: {  	p1 =	slt.u32 s29, $0xE;
	v61 =	vld [tilespmem:$0x1FFC0];
	v20 =	vadd.f32 v21, v27  }
.Ltmp1:
0x330: {  	v13 =	vld.idx.msk [tilespmem:v32+s16+$0x0], $0xffff;
	v21 =	vmul.f32 v5, v16;
	(pc) =	sbr.rel @p1 .LBB2_7-.Ltmp1, $4  }
0x331: {  	v17 =	vsub.f32 v22, v14;
	v23 =	vmul.f32 v58, v33;
	v5 =	vmul.f32 v20, v7;
	v20 =	vld [tilespmem:$0x1FE50]  }
0x332: {  	v9 =	vmul.f32 v9, v8;
	v24 =	vld [tilespmem:$0x1FE20]  }
0x333: {  	v12 =	vmul.f32 v12, v7;
	v32 =	vmul.f32 v17, v16;
	v6 =	vadd.f32 v23, v46;
	v59 =	vld [tilespmem:$0x1FE30]  }
0x334: {  	s30 =	sadd.s32 $0x20, s30;
	[tilespmem:v4+s17+$0x0] =	vst.idx.msk $0xffff, v19;
	v4 =	vmul.f32 v18, v8;
	v18 =	vadd.f32 v21, v44;
	v21 =	vld [tilespmem:$0x1FE60]  }
0x335: {  	v6 =	vmul.f32 v6, v8;
	v14 =	vadd.f32 v32, v14  }
0x336: {  	v11 =	vmul.f32 v11, v7;
	v15 =	vsub.f32 v15, v13;
	v0 =	vsub.f32 v0, v10  }
0x337: {  	v17 =	vmul.f32 v18, v8;
	v4 =	vadd.f32 v5, v4;
	v55 =	vmul.f32 v14, v7  }
0x338: {  	v6 =	vadd.f32 v11, v6;
	v56 =	vmul.f32 v15, v16;
	v0 =	vmul.f32 v0, v16  }
0x339: {  	v4 =	vmul.f32 v4, v25;
	v5 =	vadd.f32 v55, v17  }
0x33a: {  	v6 =	vmul.f32 v6, v36;
	v11 =	vadd.f32 v56, v13;
	v0 =	vadd.f32 v0, v10  }
0x33b: {  	v5 =	vmul.f32 v5, v26  }
0x33c: {  	v4 =	vadd.f32 v6, v4;
	v57 =	vmul.f32 v11, v8;
	v0 =	vmul.f32 v0, v7;
	_ =	sdelay $0x1  }
0x33d: {  	v4 =	vadd.f32 v5, v4;
	v0 =	vadd.f32 v0, v57;
	_ =	sdelay $0x1  }
0x33e: {  	v0 =	vadd.f32 v0, v4;
	_ =	sdelay $0x1  }
0x33f: {  	[tilespmem:v59+s17+$0x0] =	vst.idx.msk $0xffff, v0  }
0x340: {  	v0 =	vld.idx.msk [tilespmem:v3+s16+$0x0], $0xffff  }
0x341: {  	v58 =	vld.idx.msk [tilespmem:v39+s16+$0x0], $0xffff  }
0x342: {  	v2 =	vld.idx.msk [tilespmem:v2+s16+$0x0], $0xffff  }
0x343: {  	v59 =	vld.idx.msk [tilespmem:v20+s16+$0x0], $0xffff  }
0x344: {  	v1 =	vld.idx.msk [tilespmem:v1+s16+$0x0], $0xffff  }
0x345: {  	v60 =	vld.idx.msk [tilespmem:v52+s16+$0x0], $0xffff  }
0x346: {  	v62 =	vld.idx.msk [tilespmem:v62+s16+$0x0], $0xffff  }
0x347: {  	v27 =	vld.idx.msk [tilespmem:v53+s16+$0x0], $0xffff  }
0x348: {  	v28 =	vld.idx.msk [tilespmem:v28+s16+$0x0], $0xffff  }
0x349: {  	v33 =	vld [tilespmem:$0x1FF40]  }
0x34a: {  	v34 =	vld [tilespmem:$0x1FF60]  }
0x34b: {  	v39 =	vld [tilespmem:$0x1FF50]  }
0x34c: {  	v19 =	vld [tilespmem:$0x1FF80]  }
0x34d: {  	v42 =	vld [tilespmem:$0x1FF70]  }
0x34e: {  	v30 =	vld.idx.msk [tilespmem:v30+s16+$0x0], $0xffff  }
0x34f: {  	v32 =	vld.idx.msk [tilespmem:v29+s16+$0x0], $0xffff  }
0x350: {  	v5 =	vsub.f32 v60, v1;
	v60 =	vld [tilespmem:$0x1FE70]  }
0x351: {  	v3 =	vsub.f32 v58, v0;
	v15 =	vld.idx.msk [tilespmem:v33+s16+$0x0], $0xffff  }
0x352: {  	v9 =	vadd.f32 v12, v9;
	v4 =	vsub.f32 v59, v2;
	v17 =	vld.idx.msk [tilespmem:v34+s16+$0x0], $0xffff  }
0x353: {  	v41 =	vadd.f32 v41, v31;
	v10 =	vsub.f32 v27, v62;
	v3 =	vmul.f32 v3, v16;
	v12 =	vld.idx.msk [tilespmem:v39+s16+$0x0], $0xffff  }
0x354: {  	v13 =	vsub.f32 v30, v28;
	v58 =	vadd.f32 v35, v21;
	v4 =	vmul.f32 v4, v16;
	v19 =	vld.idx.msk [tilespmem:v19+s16+$0x0], $0xffff  }
0x355: {  	v5 =	vmul.f32 v5, v16;
	v10 =	vmul.f32 v10, v16;
	v20 =	vld.idx.msk [tilespmem:v42+s16+$0x0], $0xffff;
	v0 =	vadd.f32 v3, v0  }
0x356: {  	v46 =	vmul.f32 v13, v16;
	v2 =	vadd.f32 v4, v2;
	v44 =	vsub.f32 v15, v32  }
0x357: {  	v1 =	vadd.f32 v5, v1;
	v45 =	vadd.f32 v10, v62;
	v0 =	vmul.f32 v0, v8  }
0x358: {  	v5 =	vadd.f32 v46, v28;
	v2 =	vmul.f32 v2, v7;
	v47 =	vmul.f32 v44, v16  }
0x359: {  	v1 =	vmul.f32 v1, v8;
	v4 =	vmul.f32 v45, v7;
	v48 =	vsub.f32 v12, v17  }
0x35a: {  	v43 =	vld [tilespmem:$0x1FEC0];
	v50 =	vmul.f32 v5, v8;
	v49 =	vsub.f32 v20, v19;
	v6 =	vadd.f32 v47, v32  }
0x35b: {  	v0 =	vadd.f32 v2, v0;
	v1 =	vadd.f32 v4, v1;
	v51 =	vmul.f32 v48, v16  }
0x35c: {  	[tilespmem:v60+s17+$0x0] =	vst.idx.msk $0xffff, v58;
	v53 =	vmul.f32 v49, v16;
	v52 =	vmul.f32 v6, v7  }
0x35d: {  	v56 =	vmul.f32 v41, v7;
	v62 =	vld [tilespmem:$0x1FEA0];
	v0 =	vmul.f32 v0, v25;
	v5 =	vadd.f32 v51, v17  }
0x35e: {  	v1 =	vmul.f32 v1, v36;
	v55 =	vadd.f32 v53, v19;
	v2 =	vadd.f32 v52, v50  }
0x35f: {  	v54 =	vadd.f32 v40, v37;
	v3 =	vmul.f32 v9, v43;
	v5 =	vmul.f32 v5, v8  }
0x360: {  	v0 =	vadd.f32 v1, v0;
	v57 =	vmul.f32 v55, v7;
	v2 =	vmul.f32 v2, v26  }
0x361: {  	s25 =	sadd.s32 $0x1, s25;
	v3 =	vadd.f32 v3, v54;
	v6 =	vadd.f32 v56, v38  }
0x362: {  	p1 =	sne.s32 s25, $0x10;
	v1 =	vadd.f32 v57, v5;
	v0 =	vadd.f32 v2, v0  }
.Ltmp2:
0x363: {  	v59 =	vadd.f32 v6, v3;
	(pc) =	sbr.rel @p1 .LBB2_6-.Ltmp2, $4  }
0x364: {  	v0 =	vadd.f32 v1, v0  }
0x365: {  	[tilespmem:v62+s17+$0x0] =	vst.idx.msk $0xffff, v59  }
0x366: {  	[tilespmem:v24+s17+$0x0] =	vst.idx.msk $0xffff, v0  }
0x367: {  	s23 =	sadd.s32 $0x200, s23;
	v37 =	vld [tilespmem:$0x1FFF0]  }
.Ltmp3:
0x368: {  	(pc) =	sbr.rel @p0 .LBB2_3-.Ltmp3, $2  }
0x369: {  	_ =	sdelay $0x2  }
0x36a: {  	s23 =	simm.s32 $0x1;
	p1 =	por $0x0, $0x0  }
0x36b: {  	s20 =	sadd.s32 $0x1, s20  }
0x36c: {  	p0 =	sne.s32 s20, $0x8  }
.Ltmp4:
0x36d: {  	s0 =	sadd.s32 s6, s22;
	(pc) =	sbr.rel @p0 .LBB2_2-.Ltmp4, $4  }
0x36e: {  	[hbm4b:s0+s3] =	stream.linear.scatter [tilespmem:s17], [sflag:$0x2], $0x6000, $0x38;
	[tilespmem:$0x1AC00] =	vst v63  }
0x36f: {  	_ =	swait.ge [sflag:s18], $0x6000  }
0x370: {  	[sflag:s18] =	ssyncset.done $0x0  }
0x371: {  	[sflag:s18] =	ssyncadd.s32 $0xFFFFA000  }
0x372: {  	s19 =	sadd.s32 $0x1, s19  }
0x373: {  	p0 =	sne.s32 s19, s11  }
.Ltmp5:
0x374: {  	_ = 	snop;
	(pc) =	sbr.rel @p0 .LBB2_1-.Ltmp5, $1  }
0x375: {  	_ =	sdelay $0x3  }
0x376: {  	_ =	sfence.sel $0x180000  }
0x377: {  	[bflag:$0x0] =	sbarrier.arrive $0xFFFF  }
0x378: {  	_ =	strace $0x90000047  }
0x379: {  	[bflag:$0x2] =	sbarrier.arrive $0xFFFF  }
0x37a: {  	p0 =	sne.s32 s2, $0x0;
	s0 =	rddreg [dreg:$0x2]  }
0x37b: {  	s0 =	sadd.s32 @!p0 $0x100000, s0  }
0x37c: {  	[sflag:s0] =	ssyncadd.tile.s32 @!p0 $0x1;
	_ =	shalt  }
.Lfunc_end2:
_tile_overlayer_lowered:
.L_overlay_start_2:
0x37d: {  	(tag) =	ssettag $0x2  }
0x37e: {  	s0 =	rddreg [dreg:$0x0];
	s2 =	stileid.u32  }
0x37f: {  	s1 =	rddreg [dreg:$0x1];
	p0 =	sne.s32 s2, $0x0  }
0x380: {  	s3 =	rddreg [dreg:$0x2];
	[bflag:$0x3] =	sbarrier.arrive $0xFFFF;
	s2 =	simm.s32 @!p0 $0x1C02  }
0x381: {  	[timem:s3], [sflag:s2] =	dma.local @!p0 [hbm:s0], s1  }
0x382: {  	s0 =	simm.s32 @!p0 $0x2  }
0x383: {  	_ =	swait.ge @!p0 [sflag:s0], s1  }
0x384: {  	s1 =	ssub.s32 @!p0 $0x0, s1;
	[sflag:s0] =	ssyncset.done @!p0 $0x0  }
0x385: {  	[sflag:s0] =	ssyncadd.s32 @!p0 s1  }
0x386: {  	[bflag:$0x3] =	sbarrier.arrive $0xFFFF  }
0x387: {  	_ =	shalt  }

</sc_bundles>
